<compile_context>
chip_gen: v7x
topology: tpu7x:2x2x1
jax: 0.10.2.dev20260603
libtpu: 0.0.44.dev20260713+nightly
codegen_flags: <defaults>
</compile_context>

<pallas_src>
import functools

import jax
import jax.numpy as jnp
from jax import lax
from jax.experimental import pallas as pl
from jax.experimental.pallas import tpu as pltpu
from jax.experimental.pallas import tpu_sc as plsc

NUM_USERS = 1000000
DIM = 32
BATCH = 16384
_W = 128
_L = 16
_RING = 16

_info = plsc.get_sparse_core_info()
_NC, _NS = _info.num_cores, _info.num_subcores
_NW = _NC * _NS
_B_PER_W = BATCH // _NW


_mesh = plsc.VectorSubcoreMesh(core_axis_name="c", subcore_axis_name="s")


@functools.partial(
    pl.kernel,
    mesh=_mesh,
    out_type=jax.ShapeDtypeStruct((DIM, BATCH), jnp.float32),
    scratch_types=[
        pltpu.VMEM((_B_PER_W + _L,), jnp.int32),
        pltpu.VMEM((_RING, DIM, _W), jnp.float32),
        pltpu.VMEM((DIM, _B_PER_W), jnp.float32),
        pltpu.SemaphoreType.DMA,
    ],
    compiler_params=pltpu.CompilerParams(needs_layout_passes=False),
)
def _gather_kernel(idx_hbm, table_t_hbm, out_t_hbm, idx_v, win_v, pk_v, sem):
    wid = lax.axis_index("s") * _NC + lax.axis_index("c")
    base = wid * _B_PER_W
    pltpu.sync_copy(idx_hbm.at[pl.ds(base, _B_PER_W)], idx_v.at[pl.ds(0, _B_PER_W)])
    iota = lax.iota(jnp.int32, _L)

    def fetch(i, slot):
        u = idx_v[pl.ds(i, _L)][0]
        off = pl.multiple_of((u // _W) * _W, _W)
        pltpu.async_copy(
            table_t_hbm.at[:, pl.ds(off, _W)],
            win_v.at[slot],
            sem,
        )

    def drain_one():
        pltpu.make_async_copy(
            table_t_hbm.at[:, pl.ds(0, _W)], win_v.at[0], sem
        ).wait()

    def extract(i, slot):
        u = idx_v[pl.ds(i, _L)][0]
        lane = jnp.full((_L,), lax.rem(u, _W), jnp.int32)
        col = jnp.full((_L,), i, jnp.int32)
        for h in range(DIM // _L):
            v = plsc.load_gather(win_v.at[slot], [h * _L + iota, lane])
            plsc.store_scatter(pk_v, [h * _L + iota, col], v)

    for i in range(_RING):
        fetch(i, i)

    def body(i, _):
        slot = lax.rem(i, _RING)
        drain_one()
        extract(i, slot)
        fetch(i + _RING, slot)
        return 0

    lax.fori_loop(0, _B_PER_W - _RING, body, 0)
    for j in range(_RING):
        i = _B_PER_W - _RING + j
        drain_one()
        extract(i, i % _RING)
    pltpu.sync_copy(pk_v, out_t_hbm.at[:, pl.ds(base, _B_PER_W)])


def kernel(x, table):
    out_t = _gather_kernel(x.astype(jnp.int32), table.T)
    return out_t.T

# --- scband reference (transcript-rebuilt; emitter-appended) ---
"""Pipeline reference for scband-user-embedding-37890201485312 (READ-ONLY COPY).

The authoritative reference and input builder live on the scoring server;
editing this copy changes nothing except your own understanding.
"""

import jax, jax.numpy as jnp
import numpy as np

NUM_USERS = 1000000
DIM = 32
BATCH = 16384

def setup_inputs(seed: int = 0) -> dict:
    key = jax.random.key(seed)
    k_idx, k_w = jax.random.split(key)
    x = jax.random.randint(k_idx, (BATCH,), 0, NUM_USERS, dtype=jnp.int64 if jax.config.jax_enable_x64 else jnp.int32)
    table = jax.random.normal(k_w, (NUM_USERS, DIM), dtype=jnp.float32) * 0.01
    return {"x": x, "table": table}

def reference(x, table):
    # nn.Embedding forward: row gather from the embedding table
    return jnp.take(table, x, axis=0)

if __name__ == "__main__":
    import jax
    _d = setup_inputs()
    print(jax.jit(kernel)(*tuple(_d.values())))

</pallas_src>

<mosaic_0001>
#map = affine_map<(d0, d1) -> (0)>
#map1 = affine_map<(d0, d1) -> (0, 0)>
module attributes {stable_mosaic.version = 14 : i64} {
  func.func @_gather_kernel(%arg0: i32, %arg1: i32, %arg2: memref<16384xi32, #tpu.memory_space<hbm>>, %arg3: memref<32x1000000xf32, #tpu.memory_space<hbm>>, %arg4: memref<32x16384xf32, #tpu.memory_space<hbm>>, %arg5: memref<528xi32, #tpu.memory_space<vmem>>, %arg6: memref<16x32x128xf32, #tpu.memory_space<vmem>>, %arg7: memref<32x512xf32, #tpu.memory_space<vmem>>, %arg8: memref<!tpu.dma_semaphore, #tpu.memory_space<semaphore_mem>>) attributes {dimension_semantics = [#tpu.dimension_semantics<core_parallel>, #tpu.dimension_semantics<subcore_parallel>], iteration_bounds = array<i64: 2, 16>, scalar_prefetch = 0 : i64, scratch_operands = 4 : i64, tpu.core_type = #tpu.core_type<sc_vector_subcore>, window_params = [{transform_indices = #map}, {transform_indices = #map1}, {transform_indices = #map1}]} {
    %mul3A = arith.constant 2 : i32
    %mul3A_0 = arith.muli %arg1, %mul3A : i32
    %add3A = arith.addi %mul3A_0, %arg0 : i32
    %mul3A_1 = arith.constant 512 : i32
    %mul3A_2 = arith.muli %add3A, %mul3A_1 : i32
    "tpu.region"() ({
      %run_scoped3A = tpu.sem_alloc : memref<!tpu.dma_semaphore, #tpu.memory_space<semaphore_mem>>
      %dma_start3A_1465 = arith.constant 0 : i32
      %dma_start3A_1466 = tpu.memref_slice %arg5[%dma_start3A_1465] : memref<528xi32, #tpu.memory_space<vmem>> -> memref<512xi32, #tpu.memory_space<vmem>>
      %dma_start3A_1467 = tpu.memref_slice %arg2[%mul3A_2] : memref<16384xi32, #tpu.memory_space<hbm>> -> memref<512xi32, #tpu.memory_space<hbm>>
      %dma_start3A_1468 = arith.constant 0 : i32
      %dma_start3A_1469 = tpu.memref_slice %arg5[%dma_start3A_1468] : memref<528xi32, #tpu.memory_space<vmem>> -> memref<512xi32, #tpu.memory_space<vmem>>
      %dma_start3A_1470 = tpu.memref_slice %arg2[%mul3A_2] : memref<16384xi32, #tpu.memory_space<hbm>> -> memref<512xi32, #tpu.memory_space<hbm>>
      tpu.enqueue_dma source(%dma_start3A_1470 : memref<512xi32, #tpu.memory_space<hbm>>) target(%dma_start3A_1469 : memref<512xi32, #tpu.memory_space<vmem>>) target_semaphore(%run_scoped3A : memref<!tpu.dma_semaphore, #tpu.memory_space<semaphore_mem>>)
      %dma_wait3A_1471 = arith.constant 0 : i32
      %dma_wait3A_1472 = tpu.memref_slice %arg5[%dma_wait3A_1471] : memref<528xi32, #tpu.memory_space<vmem>> -> memref<512xi32, #tpu.memory_space<vmem>>
      %dma_wait3A_1473 = tpu.memref_slice %arg2[%mul3A_2] : memref<16384xi32, #tpu.memory_space<hbm>> -> memref<512xi32, #tpu.memory_space<hbm>>
      %dma_wait3A_1474 = arith.constant 0 : i32
      %dma_wait3A_1475 = tpu.memref_slice %arg5[%dma_wait3A_1474] : memref<528xi32, #tpu.memory_space<vmem>> -> memref<512xi32, #tpu.memory_space<vmem>>
      %dma_wait3A_1476 = tpu.memref_slice %arg2[%mul3A_2] : memref<16384xi32, #tpu.memory_space<hbm>> -> memref<512xi32, #tpu.memory_space<hbm>>
      tpu.wait_dma2 semaphore(%run_scoped3A : memref<!tpu.dma_semaphore, #tpu.memory_space<semaphore_mem>>) src(%dma_wait3A_1476 : memref<512xi32, #tpu.memory_space<hbm>>) dst(%dma_wait3A_1475 : memref<512xi32, #tpu.memory_space<vmem>>)
      tpu.yield
    }) : () -> ()
    %iota3A = tpu.iota {dimensions = array<i32: 0>} : vector<16xi32>
    %get3A = arith.constant 0 : index
    %get3A_3 = tpu.vector_load %arg5[%get3A] {strides = array<i32>} : memref<528xi32, #tpu.memory_space<vmem>>, vector<16xi32>,
    %slice3A = vector.extract_strided_slice %get3A_3 {offsets = [0], sizes = [1], strides = [1]} : vector<16xi32> to vector<1xi32>
    %squeeze3A = vector.extract %slice3A[0] : i32 from vector<1xi32>
    %jit3A = arith.constant 128 : i32
    %div3A = arith.divsi %squeeze3A, %jit3A : i32
    %sign3A = arith.constant 0 : i32
    %sign3A_4 = arith.cmpi sgt, %squeeze3A, %sign3A : i32
    %sign3A_5 = arith.extui %sign3A_4 : i1 to i32
    %sign3A_6 = arith.constant 0 : i32
    %sign3A_7 = arith.cmpi slt, %squeeze3A, %sign3A_6 : i32
    %sign3A_8 = arith.extui %sign3A_7 : i1 to i32
    %sign3A_9 = arith.subi %sign3A_5, %sign3A_8 : i32
    %sign3A_10 = arith.constant 0 : i32
    %sign3A_11 = arith.cmpi sgt, %jit3A, %sign3A_10 : i32
    %sign3A_12 = arith.extui %sign3A_11 : i1 to i32
    %sign3A_13 = arith.constant 0 : i32
    %sign3A_14 = arith.cmpi slt, %jit3A, %sign3A_13 : i32
    %sign3A_15 = arith.extui %sign3A_14 : i1 to i32
    %sign3A_16 = arith.subi %sign3A_12, %sign3A_15 : i32
    %ne3A = arith.cmpi ne, %sign3A_9, %sign3A_16 : i32
    %rem3A = arith.remsi %squeeze3A, %jit3A : i32
    %ne3A_17 = arith.constant 0 : i32
    %ne3A_18 = arith.cmpi ne, %rem3A, %ne3A_17 : i32
    %and3A = arith.andi %ne3A, %ne3A_18 : i1
    %sub3A = arith.constant 1 : i32
    %sub3A_19 = arith.subi %div3A, %sub3A : i32
    %select_n3A = arith.select %and3A, %sub3A_19, %div3A : i32
    %mul3A_20 = arith.constant 128 : i32
    %mul3A_21 = arith.muli %select_n3A, %mul3A_20 : i32
    %multiple_of3A = tpu.assume_multiple %mul3A_21, 128 : i32
    %dma_start3A = arith.constant 0 : i32
    %dma_start3A_22 = arith.constant 0 : i32
    %dma_start3A_23 = arith.constant 0 : i32
    %dma_start3A_24 = tpu.memref_slice %arg6[%dma_start3A, %dma_start3A_22, %dma_start3A_23] : memref<16x32x128xf32, #tpu.memory_space<vmem>> -> memref<1x32x128xf32, #tpu.memory_space<vmem>>
    %dma_start3A_25 = tpu.memref_squeeze %dma_start3A_24 : memref<1x32x128xf32, #tpu.memory_space<vmem>> -> memref<32x128xf32, #tpu.memory_space<vmem>>
    %dma_start3A_26 = arith.constant 0 : i32
    %dma_start3A_27 = tpu.memref_slice %arg3[%dma_start3A_26, %multiple_of3A] : memref<32x1000000xf32, #tpu.memory_space<hbm>> -> memref<32x128xf32, #tpu.memory_space<hbm>>
    %dma_start3A_28 = arith.constant 0 : i32
    %dma_start3A_29 = arith.constant 0 : i32
    %dma_start3A_30 = tpu.memref_slice %arg6[%dma_start3A, %dma_start3A_28, %dma_start3A_29] : memref<16x32x128xf32, #tpu.memory_space<vmem>> -> memref<1x32x128xf32, #tpu.memory_space<vmem>>
    %dma_start3A_31 = tpu.memref_squeeze %dma_start3A_30 : memref<1x32x128xf32, #tpu.memory_space<vmem>> -> memref<32x128xf32, #tpu.memory_space<vmem>>
    %dma_start3A_32 = arith.constant 0 : i32
    %dma_start3A_33 = tpu.memref_slice %arg3[%dma_start3A_32, %multiple_of3A] : memref<32x1000000xf32, #tpu.memory_space<hbm>> -> memref<32x128xf32, #tpu.memory_space<hbm>>
    tpu.enqueue_dma source(%dma_start3A_33 : memref<32x128xf32, #tpu.memory_space<hbm>>) target(%dma_start3A_31 : memref<32x128xf32, #tpu.memory_space<vmem>>) target_semaphore(%arg8 : memref<!tpu.dma_semaphore, #tpu.memory_space<semaphore_mem>>)
    %get3A_34 = arith.constant 1 : index
    %get3A_35 = tpu.vector_load %arg5[%get3A_34] {strides = array<i32>} : memref<528xi32, #tpu.memory_space<vmem>>, vector<16xi32>,
    %slice3A_36 = vector.extract_strided_slice %get3A_35 {offsets = [0], sizes = [1], strides = [1]} : vector<16xi32> to vector<1xi32>
    %squeeze3A_37 = vector.extract %slice3A_36[0] : i32 from vector<1xi32>
    %jit3A_38 = arith.constant 128 : i32
    %div3A_39 = arith.divsi %squeeze3A_37, %jit3A_38 : i32
    %sign3A_40 = arith.constant 0 : i32
    %sign3A_41 = arith.cmpi sgt, %squeeze3A_37, %sign3A_40 : i32
    %sign3A_42 = arith.extui %sign3A_41 : i1 to i32
    %sign3A_43 = arith.constant 0 : i32
    %sign3A_44 = arith.cmpi slt, %squeeze3A_37, %sign3A_43 : i32
    %sign3A_45 = arith.extui %sign3A_44 : i1 to i32
    %sign3A_46 = arith.subi %sign3A_42, %sign3A_45 : i32
    %sign3A_47 = arith.constant 0 : i32
    %sign3A_48 = arith.cmpi sgt, %jit3A_38, %sign3A_47 : i32
    %sign3A_49 = arith.extui %sign3A_48 : i1 to i32
    %sign3A_50 = arith.constant 0 : i32
    %sign3A_51 = arith.cmpi slt, %jit3A_38, %sign3A_50 : i32
    %sign3A_52 = arith.extui %sign3A_51 : i1 to i32
    %sign3A_53 = arith.subi %sign3A_49, %sign3A_52 : i32
    %ne3A_54 = arith.cmpi ne, %sign3A_46, %sign3A_53 : i32
    %rem3A_55 = arith.remsi %squeeze3A_37, %jit3A_38 : i32
    %ne3A_56 = arith.constant 0 : i32
    %ne3A_57 = arith.cmpi ne, %rem3A_55, %ne3A_56 : i32
    %and3A_58 = arith.andi %ne3A_54, %ne3A_57 : i1
    %sub3A_59 = arith.constant 1 : i32
    %sub3A_60 = arith.subi %div3A_39, %sub3A_59 : i32
    %select_n3A_61 = arith.select %and3A_58, %sub3A_60, %div3A_39 : i32
    %mul3A_62 = arith.constant 128 : i32
    %mul3A_63 = arith.muli %select_n3A_61, %mul3A_62 : i32
    %multiple_of3A_64 = tpu.assume_multiple %mul3A_63, 128 : i32
    %dma_start3A_65 = arith.constant 1 : i32
    %dma_start3A_66 = arith.constant 0 : i32
    %dma_start3A_67 = arith.constant 0 : i32
    %dma_start3A_68 = tpu.memref_slice %arg6[%dma_start3A_65, %dma_start3A_66, %dma_start3A_67] : memref<16x32x128xf32, #tpu.memory_space<vmem>> -> memref<1x32x128xf32, #tpu.memory_space<vmem>>
    %dma_start3A_69 = tpu.memref_squeeze %dma_start3A_68 : memref<1x32x128xf32, #tpu.memory_space<vmem>> -> memref<32x128xf32, #tpu.memory_space<vmem>>
    %dma_start3A_70 = arith.constant 0 : i32
    %dma_start3A_71 = tpu.memref_slice %arg3[%dma_start3A_70, %multiple_of3A_64] : memref<32x1000000xf32, #tpu.memory_space<hbm>> -> memref<32x128xf32, #tpu.memory_space<hbm>>
    %dma_start3A_72 = arith.constant 0 : i32
    %dma_start3A_73 = arith.constant 0 : i32
    %dma_start3A_74 = tpu.memref_slice %arg6[%dma_start3A_65, %dma_start3A_72, %dma_start3A_73] : memref<16x32x128xf32, #tpu.memory_space<vmem>> -> memref<1x32x128xf32, #tpu.memory_space<vmem>>
    %dma_start3A_75 = tpu.memref_squeeze %dma_start3A_74 : memref<1x32x128xf32, #tpu.memory_space<vmem>> -> memref<32x128xf32, #tpu.memory_space<vmem>>
    %dma_start3A_76 = arith.constant 0 : i32
    %dma_start3A_77 = tpu.memref_slice %arg3[%dma_start3A_76, %multiple_of3A_64] : memref<32x1000000xf32, #tpu.memory_space<hbm>> -> memref<32x128xf32, #tpu.memory_space<hbm>>
    tpu.enqueue_dma source(%dma_start3A_77 : memref<32x128xf32, #tpu.memory_space<hbm>>) target(%dma_start3A_75 : memref<32x128xf32, #tpu.memory_space<vmem>>) target_semaphore(%arg8 : memref<!tpu.dma_semaphore, #tpu.memory_space<semaphore_mem>>)
    %get3A_78 = arith.constant 2 : index
    %get3A_79 = tpu.vector_load %arg5[%get3A_78] {strides = array<i32>} : memref<528xi32, #tpu.memory_space<vmem>>, vector<16xi32>,
    %slice3A_80 = vector.extract_strided_slice %get3A_79 {offsets = [0], sizes = [1], strides = [1]} : vector<16xi32> to vector<1xi32>
    %squeeze3A_81 = vector.extract %slice3A_80[0] : i32 from vector<1xi32>
    %jit3A_82 = arith.constant 128 : i32
    %div3A_83 = arith.divsi %squeeze3A_81, %jit3A_82 : i32
    %sign3A_84 = arith.constant 0 : i32
    %sign3A_85 = arith.cmpi sgt, %squeeze3A_81, %sign3A_84 : i32
    %sign3A_86 = arith.extui %sign3A_85 : i1 to i32
    %sign3A_87 = arith.constant 0 : i32
    %sign3A_88 = arith.cmpi slt, %squeeze3A_81, %sign3A_87 : i32
    %sign3A_89 = arith.extui %sign3A_88 : i1 to i32
    %sign3A_90 = arith.subi %sign3A_86, %sign3A_89 : i32
    %sign3A_91 = arith.constant 0 : i32
    %sign3A_92 = arith.cmpi sgt, %jit3A_82, %sign3A_91 : i32
    %sign3A_93 = arith.extui %sign3A_92 : i1 to i32
    %sign3A_94 = arith.constant 0 : i32
    %sign3A_95 = arith.cmpi slt, %jit3A_82, %sign3A_94 : i32
    %sign3A_96 = arith.extui %sign3A_95 : i1 to i32
    %sign3A_97 = arith.subi %sign3A_93, %sign3A_96 : i32
    %ne3A_98 = arith.cmpi ne, %sign3A_90, %sign3A_97 : i32
    %rem3A_99 = arith.remsi %squeeze3A_81, %jit3A_82 : i32
    %ne3A_100 = arith.constant 0 : i32
    %ne3A_101 = arith.cmpi ne, %rem3A_99, %ne3A_100 : i32
    %and3A_102 = arith.andi %ne3A_98, %ne3A_101 : i1
    %sub3A_103 = arith.constant 1 : i32
    %sub3A_104 = arith.subi %div3A_83, %sub3A_103 : i32
    %select_n3A_105 = arith.select %and3A_102, %sub3A_104, %div3A_83 : i32
    %mul3A_106 = arith.constant 128 : i32
    %mul3A_107 = arith.muli %select_n3A_105, %mul3A_106 : i32
    %multiple_of3A_108 = tpu.assume_multiple %mul3A_107, 128 : i32
    %dma_start3A_109 = arith.constant 2 : i32
    %dma_start3A_110 = arith.constant 0 : i32
    %dma_start3A_111 = arith.constant 0 : i32
    %dma_start3A_112 = tpu.memref_slice %arg6[%dma_start3A_109, %dma_start3A_110, %dma_start3A_111] : memref<16x32x128xf32, #tpu.memory_space<vmem>> -> memref<1x32x128xf32, #tpu.memory_space<vmem>>
    %dma_start3A_113 = tpu.memref_squeeze %dma_start3A_112 : memref<1x32x128xf32, #tpu.memory_space<vmem>> -> memref<32x128xf32, #tpu.memory_space<vmem>>
    %dma_start3A_114 = arith.constant 0 : i32
    %dma_start3A_115 = tpu.memref_slice %arg3[%dma_start3A_114, %multiple_of3A_108] : memref<32x1000000xf32, #tpu.memory_space<hbm>> -> memref<32x128xf32, #tpu.memory_space<hbm>>
    %dma_start3A_116 = arith.constant 0 : i32
    %dma_start3A_117 = arith.constant 0 : i32
    %dma_start3A_118 = tpu.memref_slice %arg6[%dma_start3A_109, %dma_start3A_116, %dma_start3A_117] : memref<16x32x128xf32, #tpu.memory_space<vmem>> -> memref<1x32x128xf32, #tpu.memory_space<vmem>>
    %dma_start3A_119 = tpu.memref_squeeze %dma_start3A_118 : memref<1x32x128xf32, #tpu.memory_space<vmem>> -> memref<32x128xf32, #tpu.memory_space<vmem>>
    %dma_start3A_120 = arith.constant 0 : i32
    %dma_start3A_121 = tpu.memref_slice %arg3[%dma_start3A_120, %multiple_of3A_108] : memref<32x1000000xf32, #tpu.memory_space<hbm>> -> memref<32x128xf32, #tpu.memory_space<hbm>>
    tpu.enqueue_dma source(%dma_start3A_121 : memref<32x128xf32, #tpu.memory_space<hbm>>) target(%dma_start3A_119 : memref<32x128xf32, #tpu.memory_space<vmem>>) target_semaphore(%arg8 : memref<!tpu.dma_semaphore, #tpu.memory_space<semaphore_mem>>)
    %get3A_122 = arith.constant 3 : index
    %get3A_123 = tpu.vector_load %arg5[%get3A_122] {strides = array<i32>} : memref<528xi32, #tpu.memory_space<vmem>>, vector<16xi32>,
    %slice3A_124 = vector.extract_strided_slice %get3A_123 {offsets = [0], sizes = [1], strides = [1]} : vector<16xi32> to vector<1xi32>
    %squeeze3A_125 = vector.extract %slice3A_124[0] : i32 from vector<1xi32>
    %jit3A_126 = arith.constant 128 : i32
    %div3A_127 = arith.divsi %squeeze3A_125, %jit3A_126 : i32
    %sign3A_128 = arith.constant 0 : i32
    %sign3A_129 = arith.cmpi sgt, %squeeze3A_125, %sign3A_128 : i32
    %sign3A_130 = arith.extui %sign3A_129 : i1 to i32
    %sign3A_131 = arith.constant 0 : i32
    %sign3A_132 = arith.cmpi slt, %squeeze3A_125, %sign3A_131 : i32
    %sign3A_133 = arith.extui %sign3A_132 : i1 to i32
    %sign3A_134 = arith.subi %sign3A_130, %sign3A_133 : i32
    %sign3A_135 = arith.constant 0 : i32
    %sign3A_136 = arith.cmpi sgt, %jit3A_126, %sign3A_135 : i32
    %sign3A_137 = arith.extui %sign3A_136 : i1 to i32
    %sign3A_138 = arith.constant 0 : i32
    %sign3A_139 = arith.cmpi slt, %jit3A_126, %sign3A_138 : i32
    %sign3A_140 = arith.extui %sign3A_139 : i1 to i32
    %sign3A_141 = arith.subi %sign3A_137, %sign3A_140 : i32
    %ne3A_142 = arith.cmpi ne, %sign3A_134, %sign3A_141 : i32
    %rem3A_143 = arith.remsi %squeeze3A_125, %jit3A_126 : i32
    %ne3A_144 = arith.constant 0 : i32
    %ne3A_145 = arith.cmpi ne, %rem3A_143, %ne3A_144 : i32
    %and3A_146 = arith.andi %ne3A_142, %ne3A_145 : i1
    %sub3A_147 = arith.constant 1 : i32
    %sub3A_148 = arith.subi %div3A_127, %sub3A_147 : i32
    %select_n3A_149 = arith.select %and3A_146, %sub3A_148, %div3A_127 : i32
    %mul3A_150 = arith.constant 128 : i32
    %mul3A_151 = arith.muli %select_n3A_149, %mul3A_150 : i32
    %multiple_of3A_152 = tpu.assume_multiple %mul3A_151, 128 : i32
    %dma_start3A_153 = arith.constant 3 : i32
    %dma_start3A_154 = arith.constant 0 : i32
    %dma_start3A_155 = arith.constant 0 : i32
    %dma_start3A_156 = tpu.memref_slice %arg6[%dma_start3A_153, %dma_start3A_154, %dma_start3A_155] : memref<16x32x128xf32, #tpu.memory_space<vmem>> -> memref<1x32x128xf32, #tpu.memory_space<vmem>>
    %dma_start3A_157 = tpu.memref_squeeze %dma_start3A_156 : memref<1x32x128xf32, #tpu.memory_space<vmem>> -> memref<32x128xf32, #tpu.memory_space<vmem>>
    %dma_start3A_158 = arith.constant 0 : i32
    %dma_start3A_159 = tpu.memref_slice %arg3[%dma_start3A_158, %multiple_of3A_152] : memref<32x1000000xf32, #tpu.memory_space<hbm>> -> memref<32x128xf32, #tpu.memory_space<hbm>>
    %dma_start3A_160 = arith.constant 0 : i32
    %dma_start3A_161 = arith.constant 0 : i32
    %dma_start3A_162 = tpu.memref_slice %arg6[%dma_start3A_153, %dma_start3A_160, %dma_start3A_161] : memref<16x32x128xf32, #tpu.memory_space<vmem>> -> memref<1x32x128xf32, #tpu.memory_space<vmem>>
    %dma_start3A_163 = tpu.memref_squeeze %dma_start3A_162 : memref<1x32x128xf32, #tpu.memory_space<vmem>> -> memref<32x128xf32, #tpu.memory_space<vmem>>
    %dma_start3A_164 = arith.constant 0 : i32
    %dma_start3A_165 = tpu.memref_slice %arg3[%dma_start3A_164, %multiple_of3A_152] : memref<32x1000000xf32, #tpu.memory_space<hbm>> -> memref<32x128xf32, #tpu.memory_space<hbm>>
    tpu.enqueue_dma source(%dma_start3A_165 : memref<32x128xf32, #tpu.memory_space<hbm>>) target(%dma_start3A_163 : memref<32x128xf32, #tpu.memory_space<vmem>>) target_semaphore(%arg8 : memref<!tpu.dma_semaphore, #tpu.memory_space<semaphore_mem>>)
    %get3A_166 = arith.constant 4 : index
    %get3A_167 = tpu.vector_load %arg5[%get3A_166] {strides = array<i32>} : memref<528xi32, #tpu.memory_space<vmem>>, vector<16xi32>,
    %slice3A_168 = vector.extract_strided_slice %get3A_167 {offsets = [0], sizes = [1], strides = [1]} : vector<16xi32> to vector<1xi32>
    %squeeze3A_169 = vector.extract %slice3A_168[0] : i32 from vector<1xi32>
    %jit3A_170 = arith.constant 128 : i32
    %div3A_171 = arith.divsi %squeeze3A_169, %jit3A_170 : i32
    %sign3A_172 = arith.constant 0 : i32
    %sign3A_173 = arith.cmpi sgt, %squeeze3A_169, %sign3A_172 : i32
    %sign3A_174 = arith.extui %sign3A_173 : i1 to i32
    %sign3A_175 = arith.constant 0 : i32
    %sign3A_176 = arith.cmpi slt, %squeeze3A_169, %sign3A_175 : i32
    %sign3A_177 = arith.extui %sign3A_176 : i1 to i32
    %sign3A_178 = arith.subi %sign3A_174, %sign3A_177 : i32
    %sign3A_179 = arith.constant 0 : i32
    %sign3A_180 = arith.cmpi sgt, %jit3A_170, %sign3A_179 : i32
    %sign3A_181 = arith.extui %sign3A_180 : i1 to i32
    %sign3A_182 = arith.constant 0 : i32
    %sign3A_183 = arith.cmpi slt, %jit3A_170, %sign3A_182 : i32
    %sign3A_184 = arith.extui %sign3A_183 : i1 to i32
    %sign3A_185 = arith.subi %sign3A_181, %sign3A_184 : i32
    %ne3A_186 = arith.cmpi ne, %sign3A_178, %sign3A_185 : i32
    %rem3A_187 = arith.remsi %squeeze3A_169, %jit3A_170 : i32
    %ne3A_188 = arith.constant 0 : i32
    %ne3A_189 = arith.cmpi ne, %rem3A_187, %ne3A_188 : i32
    %and3A_190 = arith.andi %ne3A_186, %ne3A_189 : i1
    %sub3A_191 = arith.constant 1 : i32
    %sub3A_192 = arith.subi %div3A_171, %sub3A_191 : i32
    %select_n3A_193 = arith.select %and3A_190, %sub3A_192, %div3A_171 : i32
    %mul3A_194 = arith.constant 128 : i32
    %mul3A_195 = arith.muli %select_n3A_193, %mul3A_194 : i32
    %multiple_of3A_196 = tpu.assume_multiple %mul3A_195, 128 : i32
    %dma_start3A_197 = arith.constant 4 : i32
    %dma_start3A_198 = arith.constant 0 : i32
    %dma_start3A_199 = arith.constant 0 : i32
    %dma_start3A_200 = tpu.memref_slice %arg6[%dma_start3A_197, %dma_start3A_198, %dma_start3A_199] : memref<16x32x128xf32, #tpu.memory_space<vmem>> -> memref<1x32x128xf32, #tpu.memory_space<vmem>>
    %dma_start3A_201 = tpu.memref_squeeze %dma_start3A_200 : memref<1x32x128xf32, #tpu.memory_space<vmem>> -> memref<32x128xf32, #tpu.memory_space<vmem>>
    %dma_start3A_202 = arith.constant 0 : i32
    %dma_start3A_203 = tpu.memref_slice %arg3[%dma_start3A_202, %multiple_of3A_196] : memref<32x1000000xf32, #tpu.memory_space<hbm>> -> memref<32x128xf32, #tpu.memory_space<hbm>>
    %dma_start3A_204 = arith.constant 0 : i32
    %dma_start3A_205 = arith.constant 0 : i32
    %dma_start3A_206 = tpu.memref_slice %arg6[%dma_start3A_197, %dma_start3A_204, %dma_start3A_205] : memref<16x32x128xf32, #tpu.memory_space<vmem>> -> memref<1x32x128xf32, #tpu.memory_space<vmem>>
    %dma_start3A_207 = tpu.memref_squeeze %dma_start3A_206 : memref<1x32x128xf32, #tpu.memory_space<vmem>> -> memref<32x128xf32, #tpu.memory_space<vmem>>
    %dma_start3A_208 = arith.constant 0 : i32
    %dma_start3A_209 = tpu.memref_slice %arg3[%dma_start3A_208, %multiple_of3A_196] : memref<32x1000000xf32, #tpu.memory_space<hbm>> -> memref<32x128xf32, #tpu.memory_space<hbm>>
    tpu.enqueue_dma source(%dma_start3A_209 : memref<32x128xf32, #tpu.memory_space<hbm>>) target(%dma_start3A_207 : memref<32x128xf32, #tpu.memory_space<vmem>>) target_semaphore(%arg8 : memref<!tpu.dma_semaphore, #tpu.memory_space<semaphore_mem>>)
    %get3A_210 = arith.constant 5 : index
    %get3A_211 = tpu.vector_load %arg5[%get3A_210] {strides = array<i32>} : memref<528xi32, #tpu.memory_space<vmem>>, vector<16xi32>,
    %slice3A_212 = vector.extract_strided_slice %get3A_211 {offsets = [0], sizes = [1], strides = [1]} : vector<16xi32> to vector<1xi32>
    %squeeze3A_213 = vector.extract %slice3A_212[0] : i32 from vector<1xi32>
    %jit3A_214 = arith.constant 128 : i32
    %div3A_215 = arith.divsi %squeeze3A_213, %jit3A_214 : i32
    %sign3A_216 = arith.constant 0 : i32
    %sign3A_217 = arith.cmpi sgt, %squeeze3A_213, %sign3A_216 : i32
    %sign3A_218 = arith.extui %sign3A_217 : i1 to i32
    %sign3A_219 = arith.constant 0 : i32
    %sign3A_220 = arith.cmpi slt, %squeeze3A_213, %sign3A_219 : i32
    %sign3A_221 = arith.extui %sign3A_220 : i1 to i32
    %sign3A_222 = arith.subi %sign3A_218, %sign3A_221 : i32
    %sign3A_223 = arith.constant 0 : i32
    %sign3A_224 = arith.cmpi sgt, %jit3A_214, %sign3A_223 : i32
    %sign3A_225 = arith.extui %sign3A_224 : i1 to i32
    %sign3A_226 = arith.constant 0 : i32
    %sign3A_227 = arith.cmpi slt, %jit3A_214, %sign3A_226 : i32
    %sign3A_228 = arith.extui %sign3A_227 : i1 to i32
    %sign3A_229 = arith.subi %sign3A_225, %sign3A_228 : i32
    %ne3A_230 = arith.cmpi ne, %sign3A_222, %sign3A_229 : i32
    %rem3A_231 = arith.remsi %squeeze3A_213, %jit3A_214 : i32
    %ne3A_232 = arith.constant 0 : i32
    %ne3A_233 = arith.cmpi ne, %rem3A_231, %ne3A_232 : i32
    %and3A_234 = arith.andi %ne3A_230, %ne3A_233 : i1
    %sub3A_235 = arith.constant 1 : i32
    %sub3A_236 = arith.subi %div3A_215, %sub3A_235 : i32
    %select_n3A_237 = arith.select %and3A_234, %sub3A_236, %div3A_215 : i32
    %mul3A_238 = arith.constant 128 : i32
    %mul3A_239 = arith.muli %select_n3A_237, %mul3A_238 : i32
    %multiple_of3A_240 = tpu.assume_multiple %mul3A_239, 128 : i32
    %dma_start3A_241 = arith.constant 5 : i32
    %dma_start3A_242 = arith.constant 0 : i32
    %dma_start3A_243 = arith.constant 0 : i32
    %dma_start3A_244 = tpu.memref_slice %arg6[%dma_start3A_241, %dma_start3A_242, %dma_start3A_243] : memref<16x32x128xf32, #tpu.memory_space<vmem>> -> memref<1x32x128xf32, #tpu.memory_space<vmem>>
    %dma_start3A_245 = tpu.memref_squeeze %dma_start3A_244 : memref<1x32x128xf32, #tpu.memory_space<vmem>> -> memref<32x128xf32, #tpu.memory_space<vmem>>
    %dma_start3A_246 = arith.constant 0 : i32
    %dma_start3A_247 = tpu.memref_slice %arg3[%dma_start3A_246, %multiple_of3A_240] : memref<32x1000000xf32, #tpu.memory_space<hbm>> -> memref<32x128xf32, #tpu.memory_space<hbm>>
    %dma_start3A_248 = arith.constant 0 : i32
    %dma_start3A_249 = arith.constant 0 : i32
    %dma_start3A_250 = tpu.memref_slice %arg6[%dma_start3A_241, %dma_start3A_248, %dma_start3A_249] : memref<16x32x128xf32, #tpu.memory_space<vmem>> -> memref<1x32x128xf32, #tpu.memory_space<vmem>>
    %dma_start3A_251 = tpu.memref_squeeze %dma_start3A_250 : memref<1x32x128xf32, #tpu.memory_space<vmem>> -> memref<32x128xf32, #tpu.memory_space<vmem>>
    %dma_start3A_252 = arith.constant 0 : i32
    %dma_start3A_253 = tpu.memref_slice %arg3[%dma_start3A_252, %multiple_of3A_240] : memref<32x1000000xf32, #tpu.memory_space<hbm>> -> memref<32x128xf32, #tpu.memory_space<hbm>>
    tpu.enqueue_dma source(%dma_start3A_253 : memref<32x128xf32, #tpu.memory_space<hbm>>) target(%dma_start3A_251 : memref<32x128xf32, #tpu.memory_space<vmem>>) target_semaphore(%arg8 : memref<!tpu.dma_semaphore, #tpu.memory_space<semaphore_mem>>)
    %get3A_254 = arith.constant 6 : index
    %get3A_255 = tpu.vector_load %arg5[%get3A_254] {strides = array<i32>} : memref<528xi32, #tpu.memory_space<vmem>>, vector<16xi32>,
    %slice3A_256 = vector.extract_strided_slice %get3A_255 {offsets = [0], sizes = [1], strides = [1]} : vector<16xi32> to vector<1xi32>
    %squeeze3A_257 = vector.extract %slice3A_256[0] : i32 from vector<1xi32>
    %jit3A_258 = arith.constant 128 : i32
    %div3A_259 = arith.divsi %squeeze3A_257, %jit3A_258 : i32
    %sign3A_260 = arith.constant 0 : i32
    %sign3A_261 = arith.cmpi sgt, %squeeze3A_257, %sign3A_260 : i32
    %sign3A_262 = arith.extui %sign3A_261 : i1 to i32
    %sign3A_263 = arith.constant 0 : i32
    %sign3A_264 = arith.cmpi slt, %squeeze3A_257, %sign3A_263 : i32
    %sign3A_265 = arith.extui %sign3A_264 : i1 to i32
    %sign3A_266 = arith.subi %sign3A_262, %sign3A_265 : i32
    %sign3A_267 = arith.constant 0 : i32
    %sign3A_268 = arith.cmpi sgt, %jit3A_258, %sign3A_267 : i32
    %sign3A_269 = arith.extui %sign3A_268 : i1 to i32
    %sign3A_270 = arith.constant 0 : i32
    %sign3A_271 = arith.cmpi slt, %jit3A_258, %sign3A_270 : i32
    %sign3A_272 = arith.extui %sign3A_271 : i1 to i32
    %sign3A_273 = arith.subi %sign3A_269, %sign3A_272 : i32
    %ne3A_274 = arith.cmpi ne, %sign3A_266, %sign3A_273 : i32
    %rem3A_275 = arith.remsi %squeeze3A_257, %jit3A_258 : i32
    %ne3A_276 = arith.constant 0 : i32
    %ne3A_277 = arith.cmpi ne, %rem3A_275, %ne3A_276 : i32
    %and3A_278 = arith.andi %ne3A_274, %ne3A_277 : i1
    %sub3A_279 = arith.constant 1 : i32
    %sub3A_280 = arith.subi %div3A_259, %sub3A_279 : i32
    %select_n3A_281 = arith.select %and3A_278, %sub3A_280, %div3A_259 : i32
    %mul3A_282 = arith.constant 128 : i32
    %mul3A_283 = arith.muli %select_n3A_281, %mul3A_282 : i32
    %multiple_of3A_284 = tpu.assume_multiple %mul3A_283, 128 : i32
    %dma_start3A_285 = arith.constant 6 : i32
    %dma_start3A_286 = arith.constant 0 : i32
    %dma_start3A_287 = arith.constant 0 : i32
    %dma_start3A_288 = tpu.memref_slice %arg6[%dma_start3A_285, %dma_start3A_286, %dma_start3A_287] : memref<16x32x128xf32, #tpu.memory_space<vmem>> -> memref<1x32x128xf32, #tpu.memory_space<vmem>>
    %dma_start3A_289 = tpu.memref_squeeze %dma_start3A_288 : memref<1x32x128xf32, #tpu.memory_space<vmem>> -> memref<32x128xf32, #tpu.memory_space<vmem>>
    %dma_start3A_290 = arith.constant 0 : i32
    %dma_start3A_291 = tpu.memref_slice %arg3[%dma_start3A_290, %multiple_of3A_284] : memref<32x1000000xf32, #tpu.memory_space<hbm>> -> memref<32x128xf32, #tpu.memory_space<hbm>>
    %dma_start3A_292 = arith.constant 0 : i32
    %dma_start3A_293 = arith.constant 0 : i32
    %dma_start3A_294 = tpu.memref_slice %arg6[%dma_start3A_285, %dma_start3A_292, %dma_start3A_293] : memref<16x32x128xf32, #tpu.memory_space<vmem>> -> memref<1x32x128xf32, #tpu.memory_space<vmem>>
    %dma_start3A_295 = tpu.memref_squeeze %dma_start3A_294 : memref<1x32x128xf32, #tpu.memory_space<vmem>> -> memref<32x128xf32, #tpu.memory_space<vmem>>
    %dma_start3A_296 = arith.constant 0 : i32
    %dma_start3A_297 = tpu.memref_slice %arg3[%dma_start3A_296, %multiple_of3A_284] : memref<32x1000000xf32, #tpu.memory_space<hbm>> -> memref<32x128xf32, #tpu.memory_space<hbm>>
    tpu.enqueue_dma source(%dma_start3A_297 : memref<32x128xf32, #tpu.memory_space<hbm>>) target(%dma_start3A_295 : memref<32x128xf32, #tpu.memory_space<vmem>>) target_semaphore(%arg8 : memref<!tpu.dma_semaphore, #tpu.memory_space<semaphore_mem>>)
    %get3A_298 = arith.constant 7 : index
    %get3A_299 = tpu.vector_load %arg5[%get3A_298] {strides = array<i32>} : memref<528xi32, #tpu.memory_space<vmem>>, vector<16xi32>,
    %slice3A_300 = vector.extract_strided_slice %get3A_299 {offsets = [0], sizes = [1], strides = [1]} : vector<16xi32> to vector<1xi32>
    %squeeze3A_301 = vector.extract %slice3A_300[0] : i32 from vector<1xi32>
    %jit3A_302 = arith.constant 128 : i32
    %div3A_303 = arith.divsi %squeeze3A_301, %jit3A_302 : i32
    %sign3A_304 = arith.constant 0 : i32
    %sign3A_305 = arith.cmpi sgt, %squeeze3A_301, %sign3A_304 : i32
    %sign3A_306 = arith.extui %sign3A_305 : i1 to i32
    %sign3A_307 = arith.constant 0 : i32
    %sign3A_308 = arith.cmpi slt, %squeeze3A_301, %sign3A_307 : i32
    %sign3A_309 = arith.extui %sign3A_308 : i1 to i32
    %sign3A_310 = arith.subi %sign3A_306, %sign3A_309 : i32
    %sign3A_311 = arith.constant 0 : i32
    %sign3A_312 = arith.cmpi sgt, %jit3A_302, %sign3A_311 : i32
    %sign3A_313 = arith.extui %sign3A_312 : i1 to i32
    %sign3A_314 = arith.constant 0 : i32
    %sign3A_315 = arith.cmpi slt, %jit3A_302, %sign3A_314 : i32
    %sign3A_316 = arith.extui %sign3A_315 : i1 to i32
    %sign3A_317 = arith.subi %sign3A_313, %sign3A_316 : i32
    %ne3A_318 = arith.cmpi ne, %sign3A_310, %sign3A_317 : i32
    %rem3A_319 = arith.remsi %squeeze3A_301, %jit3A_302 : i32
    %ne3A_320 = arith.constant 0 : i32
    %ne3A_321 = arith.cmpi ne, %rem3A_319, %ne3A_320 : i32
    %and3A_322 = arith.andi %ne3A_318, %ne3A_321 : i1
    %sub3A_323 = arith.constant 1 : i32
    %sub3A_324 = arith.subi %div3A_303, %sub3A_323 : i32
    %select_n3A_325 = arith.select %and3A_322, %sub3A_324, %div3A_303 : i32
    %mul3A_326 = arith.constant 128 : i32
    %mul3A_327 = arith.muli %select_n3A_325, %mul3A_326 : i32
    %multiple_of3A_328 = tpu.assume_multiple %mul3A_327, 128 : i32
    %dma_start3A_329 = arith.constant 7 : i32
    %dma_start3A_330 = arith.constant 0 : i32
    %dma_start3A_331 = arith.constant 0 : i32
    %dma_start3A_332 = tpu.memref_slice %arg6[%dma_start3A_329, %dma_start3A_330, %dma_start3A_331] : memref<16x32x128xf32, #tpu.memory_space<vmem>> -> memref<1x32x128xf32, #tpu.memory_space<vmem>>
    %dma_start3A_333 = tpu.memref_squeeze %dma_start3A_332 : memref<1x32x128xf32, #tpu.memory_space<vmem>> -> memref<32x128xf32, #tpu.memory_space<vmem>>
    %dma_start3A_334 = arith.constant 0 : i32
    %dma_start3A_335 = tpu.memref_slice %arg3[%dma_start3A_334, %multiple_of3A_328] : memref<32x1000000xf32, #tpu.memory_space<hbm>> -> memref<32x128xf32, #tpu.memory_space<hbm>>
    %dma_start3A_336 = arith.constant 0 : i32
    %dma_start3A_337 = arith.constant 0 : i32
    %dma_start3A_338 = tpu.memref_slice %arg6[%dma_start3A_329, %dma_start3A_336, %dma_start3A_337] : memref<16x32x128xf32, #tpu.memory_space<vmem>> -> memref<1x32x128xf32, #tpu.memory_space<vmem>>
    %dma_start3A_339 = tpu.memref_squeeze %dma_start3A_338 : memref<1x32x128xf32, #tpu.memory_space<vmem>> -> memref<32x128xf32, #tpu.memory_space<vmem>>
    %dma_start3A_340 = arith.constant 0 : i32
    %dma_start3A_341 = tpu.memref_slice %arg3[%dma_start3A_340, %multiple_of3A_328] : memref<32x1000000xf32, #tpu.memory_space<hbm>> -> memref<32x128xf32, #tpu.memory_space<hbm>>
    tpu.enqueue_dma source(%dma_start3A_341 : memref<32x128xf32, #tpu.memory_space<hbm>>) target(%dma_start3A_339 : memref<32x128xf32, #tpu.memory_space<vmem>>) target_semaphore(%arg8 : memref<!tpu.dma_semaphore, #tpu.memory_space<semaphore_mem>>)
    %get3A_342 = arith.constant 8 : index
    %get3A_343 = tpu.vector_load %arg5[%get3A_342] {strides = array<i32>} : memref<528xi32, #tpu.memory_space<vmem>>, vector<16xi32>,
    %slice3A_344 = vector.extract_strided_slice %get3A_343 {offsets = [0], sizes = [1], strides = [1]} : vector<16xi32> to vector<1xi32>
    %squeeze3A_345 = vector.extract %slice3A_344[0] : i32 from vector<1xi32>
    %jit3A_346 = arith.constant 128 : i32
    %div3A_347 = arith.divsi %squeeze3A_345, %jit3A_346 : i32
    %sign3A_348 = arith.constant 0 : i32
    %sign3A_349 = arith.cmpi sgt, %squeeze3A_345, %sign3A_348 : i32
    %sign3A_350 = arith.extui %sign3A_349 : i1 to i32
    %sign3A_351 = arith.constant 0 : i32
    %sign3A_352 = arith.cmpi slt, %squeeze3A_345, %sign3A_351 : i32
    %sign3A_353 = arith.extui %sign3A_352 : i1 to i32
    %sign3A_354 = arith.subi %sign3A_350, %sign3A_353 : i32
    %sign3A_355 = arith.constant 0 : i32
    %sign3A_356 = arith.cmpi sgt, %jit3A_346, %sign3A_355 : i32
    %sign3A_357 = arith.extui %sign3A_356 : i1 to i32
    %sign3A_358 = arith.constant 0 : i32
    %sign3A_359 = arith.cmpi slt, %jit3A_346, %sign3A_358 : i32
    %sign3A_360 = arith.extui %sign3A_359 : i1 to i32
    %sign3A_361 = arith.subi %sign3A_357, %sign3A_360 : i32
    %ne3A_362 = arith.cmpi ne, %sign3A_354, %sign3A_361 : i32
    %rem3A_363 = arith.remsi %squeeze3A_345, %jit3A_346 : i32
    %ne3A_364 = arith.constant 0 : i32
    %ne3A_365 = arith.cmpi ne, %rem3A_363, %ne3A_364 : i32
    %and3A_366 = arith.andi %ne3A_362, %ne3A_365 : i1
    %sub3A_367 = arith.constant 1 : i32
    %sub3A_368 = arith.subi %div3A_347, %sub3A_367 : i32
    %select_n3A_369 = arith.select %and3A_366, %sub3A_368, %div3A_347 : i32
    %mul3A_370 = arith.constant 128 : i32
    %mul3A_371 = arith.muli %select_n3A_369, %mul3A_370 : i32
    %multiple_of3A_372 = tpu.assume_multiple %mul3A_371, 128 : i32
    %dma_start3A_373 = arith.constant 8 : i32
    %dma_start3A_374 = arith.constant 0 : i32
    %dma_start3A_375 = arith.constant 0 : i32
    %dma_start3A_376 = tpu.memref_slice %arg6[%dma_start3A_373, %dma_start3A_374, %dma_start3A_375] : memref<16x32x128xf32, #tpu.memory_space<vmem>> -> memref<1x32x128xf32, #tpu.memory_space<vmem>>
    %dma_start3A_377 = tpu.memref_squeeze %dma_start3A_376 : memref<1x32x128xf32, #tpu.memory_space<vmem>> -> memref<32x128xf32, #tpu.memory_space<vmem>>
    %dma_start3A_378 = arith.constant 0 : i32
    %dma_start3A_379 = tpu.memref_slice %arg3[%dma_start3A_378, %multiple_of3A_372] : memref<32x1000000xf32, #tpu.memory_space<hbm>> -> memref<32x128xf32, #tpu.memory_space<hbm>>
    %dma_start3A_380 = arith.constant 0 : i32
    %dma_start3A_381 = arith.constant 0 : i32
    %dma_start3A_382 = tpu.memref_slice %arg6[%dma_start3A_373, %dma_start3A_380, %dma_start3A_381] : memref<16x32x128xf32, #tpu.memory_space<vmem>> -> memref<1x32x128xf32, #tpu.memory_space<vmem>>
    %dma_start3A_383 = tpu.memref_squeeze %dma_start3A_382 : memref<1x32x128xf32, #tpu.memory_space<vmem>> -> memref<32x128xf32, #tpu.memory_space<vmem>>
    %dma_start3A_384 = arith.constant 0 : i32
    %dma_start3A_385 = tpu.memref_slice %arg3[%dma_start3A_384, %multiple_of3A_372] : memref<32x1000000xf32, #tpu.memory_space<hbm>> -> memref<32x128xf32, #tpu.memory_space<hbm>>
    tpu.enqueue_dma source(%dma_start3A_385 : memref<32x128xf32, #tpu.memory_space<hbm>>) target(%dma_start3A_383 : memref<32x128xf32, #tpu.memory_space<vmem>>) target_semaphore(%arg8 : memref<!tpu.dma_semaphore, #tpu.memory_space<semaphore_mem>>)
    %get3A_386 = arith.constant 9 : index
    %get3A_387 = tpu.vector_load %arg5[%get3A_386] {strides = array<i32>} : memref<528xi32, #tpu.memory_space<vmem>>, vector<16xi32>,
    %slice3A_388 = vector.extract_strided_slice %get3A_387 {offsets = [0], sizes = [1], strides = [1]} : vector<16xi32> to vector<1xi32>
    %squeeze3A_389 = vector.extract %slice3A_388[0] : i32 from vector<1xi32>
    %jit3A_390 = arith.constant 128 : i32
    %div3A_391 = arith.divsi %squeeze3A_389, %jit3A_390 : i32
    %sign3A_392 = arith.constant 0 : i32
    %sign3A_393 = arith.cmpi sgt, %squeeze3A_389, %sign3A_392 : i32
    %sign3A_394 = arith.extui %sign3A_393 : i1 to i32
    %sign3A_395 = arith.constant 0 : i32
    %sign3A_396 = arith.cmpi slt, %squeeze3A_389, %sign3A_395 : i32
    %sign3A_397 = arith.extui %sign3A_396 : i1 to i32
    %sign3A_398 = arith.subi %sign3A_394, %sign3A_397 : i32
    %sign3A_399 = arith.constant 0 : i32
    %sign3A_400 = arith.cmpi sgt, %jit3A_390, %sign3A_399 : i32
    %sign3A_401 = arith.extui %sign3A_400 : i1 to i32
    %sign3A_402 = arith.constant 0 : i32
    %sign3A_403 = arith.cmpi slt, %jit3A_390, %sign3A_402 : i32
    %sign3A_404 = arith.extui %sign3A_403 : i1 to i32
    %sign3A_405 = arith.subi %sign3A_401, %sign3A_404 : i32
    %ne3A_406 = arith.cmpi ne, %sign3A_398, %sign3A_405 : i32
    %rem3A_407 = arith.remsi %squeeze3A_389, %jit3A_390 : i32
    %ne3A_408 = arith.constant 0 : i32
    %ne3A_409 = arith.cmpi ne, %rem3A_407, %ne3A_408 : i32
    %and3A_410 = arith.andi %ne3A_406, %ne3A_409 : i1
    %sub3A_411 = arith.constant 1 : i32
    %sub3A_412 = arith.subi %div3A_391, %sub3A_411 : i32
    %select_n3A_413 = arith.select %and3A_410, %sub3A_412, %div3A_391 : i32
    %mul3A_414 = arith.constant 128 : i32
    %mul3A_415 = arith.muli %select_n3A_413, %mul3A_414 : i32
    %multiple_of3A_416 = tpu.assume_multiple %mul3A_415, 128 : i32
    %dma_start3A_417 = arith.constant 9 : i32
    %dma_start3A_418 = arith.constant 0 : i32
    %dma_start3A_419 = arith.constant 0 : i32
    %dma_start3A_420 = tpu.memref_slice %arg6[%dma_start3A_417, %dma_start3A_418, %dma_start3A_419] : memref<16x32x128xf32, #tpu.memory_space<vmem>> -> memref<1x32x128xf32, #tpu.memory_space<vmem>>
    %dma_start3A_421 = tpu.memref_squeeze %dma_start3A_420 : memref<1x32x128xf32, #tpu.memory_space<vmem>> -> memref<32x128xf32, #tpu.memory_space<vmem>>
    %dma_start3A_422 = arith.constant 0 : i32
    %dma_start3A_423 = tpu.memref_slice %arg3[%dma_start3A_422, %multiple_of3A_416] : memref<32x1000000xf32, #tpu.memory_space<hbm>> -> memref<32x128xf32, #tpu.memory_space<hbm>>
    %dma_start3A_424 = arith.constant 0 : i32
    %dma_start3A_425 = arith.constant 0 : i32
    %dma_start3A_426 = tpu.memref_slice %arg6[%dma_start3A_417, %dma_start3A_424, %dma_start3A_425] : memref<16x32x128xf32, #tpu.memory_space<vmem>> -> memref<1x32x128xf32, #tpu.memory_space<vmem>>
    %dma_start3A_427 = tpu.memref_squeeze %dma_start3A_426 : memref<1x32x128xf32, #tpu.memory_space<vmem>> -> memref<32x128xf32, #tpu.memory_space<vmem>>
    %dma_start3A_428 = arith.constant 0 : i32
    %dma_start3A_429 = tpu.memref_slice %arg3[%dma_start3A_428, %multiple_of3A_416] : memref<32x1000000xf32, #tpu.memory_space<hbm>> -> memref<32x128xf32, #tpu.memory_space<hbm>>
    tpu.enqueue_dma source(%dma_start3A_429 : memref<32x128xf32, #tpu.memory_space<hbm>>) target(%dma_start3A_427 : memref<32x128xf32, #tpu.memory_space<vmem>>) target_semaphore(%arg8 : memref<!tpu.dma_semaphore, #tpu.memory_space<semaphore_mem>>)
    %get3A_430 = arith.constant 10 : index
    %get3A_431 = tpu.vector_load %arg5[%get3A_430] {strides = array<i32>} : memref<528xi32, #tpu.memory_space<vmem>>, vector<16xi32>,
    %slice3A_432 = vector.extract_strided_slice %get3A_431 {offsets = [0], sizes = [1], strides = [1]} : vector<16xi32> to vector<1xi32>
    %squeeze3A_433 = vector.extract %slice3A_432[0] : i32 from vector<1xi32>
    %jit3A_434 = arith.constant 128 : i32
    %div3A_435 = arith.divsi %squeeze3A_433, %jit3A_434 : i32
    %sign3A_436 = arith.constant 0 : i32
    %sign3A_437 = arith.cmpi sgt, %squeeze3A_433, %sign3A_436 : i32
    %sign3A_438 = arith.extui %sign3A_437 : i1 to i32
    %sign3A_439 = arith.constant 0 : i32
    %sign3A_440 = arith.cmpi slt, %squeeze3A_433, %sign3A_439 : i32
    %sign3A_441 = arith.extui %sign3A_440 : i1 to i32
    %sign3A_442 = arith.subi %sign3A_438, %sign3A_441 : i32
    %sign3A_443 = arith.constant 0 : i32
    %sign3A_444 = arith.cmpi sgt, %jit3A_434, %sign3A_443 : i32
    %sign3A_445 = arith.extui %sign3A_444 : i1 to i32
    %sign3A_446 = arith.constant 0 : i32
    %sign3A_447 = arith.cmpi slt, %jit3A_434, %sign3A_446 : i32
    %sign3A_448 = arith.extui %sign3A_447 : i1 to i32
    %sign3A_449 = arith.subi %sign3A_445, %sign3A_448 : i32
    %ne3A_450 = arith.cmpi ne, %sign3A_442, %sign3A_449 : i32
    %rem3A_451 = arith.remsi %squeeze3A_433, %jit3A_434 : i32
    %ne3A_452 = arith.constant 0 : i32
    %ne3A_453 = arith.cmpi ne, %rem3A_451, %ne3A_452 : i32
    %and3A_454 = arith.andi %ne3A_450, %ne3A_453 : i1
    %sub3A_455 = arith.constant 1 : i32
    %sub3A_456 = arith.subi %div3A_435, %sub3A_455 : i32
    %select_n3A_457 = arith.select %and3A_454, %sub3A_456, %div3A_435 : i32
    %mul3A_458 = arith.constant 128 : i32
    %mul3A_459 = arith.muli %select_n3A_457, %mul3A_458 : i32
    %multiple_of3A_460 = tpu.assume_multiple %mul3A_459, 128 : i32
    %dma_start3A_461 = arith.constant 10 : i32
    %dma_start3A_462 = arith.constant 0 : i32
    %dma_start3A_463 = arith.constant 0 : i32
    %dma_start3A_464 = tpu.memref_slice %arg6[%dma_start3A_461, %dma_start3A_462, %dma_start3A_463] : memref<16x32x128xf32, #tpu.memory_space<vmem>> -> memref<1x32x128xf32, #tpu.memory_space<vmem>>
    %dma_start3A_465 = tpu.memref_squeeze %dma_start3A_464 : memref<1x32x128xf32, #tpu.memory_space<vmem>> -> memref<32x128xf32, #tpu.memory_space<vmem>>
    %dma_start3A_466 = arith.constant 0 : i32
    %dma_start3A_467 = tpu.memref_slice %arg3[%dma_start3A_466, %multiple_of3A_460] : memref<32x1000000xf32, #tpu.memory_space<hbm>> -> memref<32x128xf32, #tpu.memory_space<hbm>>
    %dma_start3A_468 = arith.constant 0 : i32
    %dma_start3A_469 = arith.constant 0 : i32
    %dma_start3A_470 = tpu.memref_slice %arg6[%dma_start3A_461, %dma_start3A_468, %dma_start3A_469] : memref<16x32x128xf32, #tpu.memory_space<vmem>> -> memref<1x32x128xf32, #tpu.memory_space<vmem>>
    %dma_start3A_471 = tpu.memref_squeeze %dma_start3A_470 : memref<1x32x128xf32, #tpu.memory_space<vmem>> -> memref<32x128xf32, #tpu.memory_space<vmem>>
    %dma_start3A_472 = arith.constant 0 : i32
    %dma_start3A_473 = tpu.memref_slice %arg3[%dma_start3A_472, %multiple_of3A_460] : memref<32x1000000xf32, #tpu.memory_space<hbm>> -> memref<32x128xf32, #tpu.memory_space<hbm>>
    tpu.enqueue_dma source(%dma_start3A_473 : memref<32x128xf32, #tpu.memory_space<hbm>>) target(%dma_start3A_471 : memref<32x128xf32, #tpu.memory_space<vmem>>) target_semaphore(%arg8 : memref<!tpu.dma_semaphore, #tpu.memory_space<semaphore_mem>>)
    %get3A_474 = arith.constant 11 : index
    %get3A_475 = tpu.vector_load %arg5[%get3A_474] {strides = array<i32>} : memref<528xi32, #tpu.memory_space<vmem>>, vector<16xi32>,
    %slice3A_476 = vector.extract_strided_slice %get3A_475 {offsets = [0], sizes = [1], strides = [1]} : vector<16xi32> to vector<1xi32>
    %squeeze3A_477 = vector.extract %slice3A_476[0] : i32 from vector<1xi32>
    %jit3A_478 = arith.constant 128 : i32
    %div3A_479 = arith.divsi %squeeze3A_477, %jit3A_478 : i32
    %sign3A_480 = arith.constant 0 : i32
    %sign3A_481 = arith.cmpi sgt, %squeeze3A_477, %sign3A_480 : i32
    %sign3A_482 = arith.extui %sign3A_481 : i1 to i32
    %sign3A_483 = arith.constant 0 : i32
    %sign3A_484 = arith.cmpi slt, %squeeze3A_477, %sign3A_483 : i32
    %sign3A_485 = arith.extui %sign3A_484 : i1 to i32
    %sign3A_486 = arith.subi %sign3A_482, %sign3A_485 : i32
    %sign3A_487 = arith.constant 0 : i32
    %sign3A_488 = arith.cmpi sgt, %jit3A_478, %sign3A_487 : i32
    %sign3A_489 = arith.extui %sign3A_488 : i1 to i32
    %sign3A_490 = arith.constant 0 : i32
    %sign3A_491 = arith.cmpi slt, %jit3A_478, %sign3A_490 : i32
    %sign3A_492 = arith.extui %sign3A_491 : i1 to i32
    %sign3A_493 = arith.subi %sign3A_489, %sign3A_492 : i32
    %ne3A_494 = arith.cmpi ne, %sign3A_486, %sign3A_493 : i32
    %rem3A_495 = arith.remsi %squeeze3A_477, %jit3A_478 : i32
    %ne3A_496 = arith.constant 0 : i32
    %ne3A_497 = arith.cmpi ne, %rem3A_495, %ne3A_496 : i32
    %and3A_498 = arith.andi %ne3A_494, %ne3A_497 : i1
    %sub3A_499 = arith.constant 1 : i32
    %sub3A_500 = arith.subi %div3A_479, %sub3A_499 : i32
    %select_n3A_501 = arith.select %and3A_498, %sub3A_500, %div3A_479 : i32
    %mul3A_502 = arith.constant 128 : i32
    %mul3A_503 = arith.muli %select_n3A_501, %mul3A_502 : i32
    %multiple_of3A_504 = tpu.assume_multiple %mul3A_503, 128 : i32
    %dma_start3A_505 = arith.constant 11 : i32
    %dma_start3A_506 = arith.constant 0 : i32
    %dma_start3A_507 = arith.constant 0 : i32
    %dma_start3A_508 = tpu.memref_slice %arg6[%dma_start3A_505, %dma_start3A_506, %dma_start3A_507] : memref<16x32x128xf32, #tpu.memory_space<vmem>> -> memref<1x32x128xf32, #tpu.memory_space<vmem>>
    %dma_start3A_509 = tpu.memref_squeeze %dma_start3A_508 : memref<1x32x128xf32, #tpu.memory_space<vmem>> -> memref<32x128xf32, #tpu.memory_space<vmem>>
    %dma_start3A_510 = arith.constant 0 : i32
    %dma_start3A_511 = tpu.memref_slice %arg3[%dma_start3A_510, %multiple_of3A_504] : memref<32x1000000xf32, #tpu.memory_space<hbm>> -> memref<32x128xf32, #tpu.memory_space<hbm>>
    %dma_start3A_512 = arith.constant 0 : i32
    %dma_start3A_513 = arith.constant 0 : i32
    %dma_start3A_514 = tpu.memref_slice %arg6[%dma_start3A_505, %dma_start3A_512, %dma_start3A_513] : memref<16x32x128xf32, #tpu.memory_space<vmem>> -> memref<1x32x128xf32, #tpu.memory_space<vmem>>
    %dma_start3A_515 = tpu.memref_squeeze %dma_start3A_514 : memref<1x32x128xf32, #tpu.memory_space<vmem>> -> memref<32x128xf32, #tpu.memory_space<vmem>>
    %dma_start3A_516 = arith.constant 0 : i32
    %dma_start3A_517 = tpu.memref_slice %arg3[%dma_start3A_516, %multiple_of3A_504] : memref<32x1000000xf32, #tpu.memory_space<hbm>> -> memref<32x128xf32, #tpu.memory_space<hbm>>
    tpu.enqueue_dma source(%dma_start3A_517 : memref<32x128xf32, #tpu.memory_space<hbm>>) target(%dma_start3A_515 : memref<32x128xf32, #tpu.memory_space<vmem>>) target_semaphore(%arg8 : memref<!tpu.dma_semaphore, #tpu.memory_space<semaphore_mem>>)
    %get3A_518 = arith.constant 12 : index
    %get3A_519 = tpu.vector_load %arg5[%get3A_518] {strides = array<i32>} : memref<528xi32, #tpu.memory_space<vmem>>, vector<16xi32>,
    %slice3A_520 = vector.extract_strided_slice %get3A_519 {offsets = [0], sizes = [1], strides = [1]} : vector<16xi32> to vector<1xi32>
    %squeeze3A_521 = vector.extract %slice3A_520[0] : i32 from vector<1xi32>
    %jit3A_522 = arith.constant 128 : i32
    %div3A_523 = arith.divsi %squeeze3A_521, %jit3A_522 : i32
    %sign3A_524 = arith.constant 0 : i32
    %sign3A_525 = arith.cmpi sgt, %squeeze3A_521, %sign3A_524 : i32
    %sign3A_526 = arith.extui %sign3A_525 : i1 to i32
    %sign3A_527 = arith.constant 0 : i32
    %sign3A_528 = arith.cmpi slt, %squeeze3A_521, %sign3A_527 : i32
    %sign3A_529 = arith.extui %sign3A_528 : i1 to i32
    %sign3A_530 = arith.subi %sign3A_526, %sign3A_529 : i32
    %sign3A_531 = arith.constant 0 : i32
    %sign3A_532 = arith.cmpi sgt, %jit3A_522, %sign3A_531 : i32
    %sign3A_533 = arith.extui %sign3A_532 : i1 to i32
    %sign3A_534 = arith.constant 0 : i32
    %sign3A_535 = arith.cmpi slt, %jit3A_522, %sign3A_534 : i32
    %sign3A_536 = arith.extui %sign3A_535 : i1 to i32
    %sign3A_537 = arith.subi %sign3A_533, %sign3A_536 : i32
    %ne3A_538 = arith.cmpi ne, %sign3A_530, %sign3A_537 : i32
    %rem3A_539 = arith.remsi %squeeze3A_521, %jit3A_522 : i32
    %ne3A_540 = arith.constant 0 : i32
    %ne3A_541 = arith.cmpi ne, %rem3A_539, %ne3A_540 : i32
    %and3A_542 = arith.andi %ne3A_538, %ne3A_541 : i1
    %sub3A_543 = arith.constant 1 : i32
    %sub3A_544 = arith.subi %div3A_523, %sub3A_543 : i32
    %select_n3A_545 = arith.select %and3A_542, %sub3A_544, %div3A_523 : i32
    %mul3A_546 = arith.constant 128 : i32
    %mul3A_547 = arith.muli %select_n3A_545, %mul3A_546 : i32
    %multiple_of3A_548 = tpu.assume_multiple %mul3A_547, 128 : i32
    %dma_start3A_549 = arith.constant 12 : i32
    %dma_start3A_550 = arith.constant 0 : i32
    %dma_start3A_551 = arith.constant 0 : i32
    %dma_start3A_552 = tpu.memref_slice %arg6[%dma_start3A_549, %dma_start3A_550, %dma_start3A_551] : memref<16x32x128xf32, #tpu.memory_space<vmem>> -> memref<1x32x128xf32, #tpu.memory_space<vmem>>
    %dma_start3A_553 = tpu.memref_squeeze %dma_start3A_552 : memref<1x32x128xf32, #tpu.memory_space<vmem>> -> memref<32x128xf32, #tpu.memory_space<vmem>>
    %dma_start3A_554 = arith.constant 0 : i32
    %dma_start3A_555 = tpu.memref_slice %arg3[%dma_start3A_554, %multiple_of3A_548] : memref<32x1000000xf32, #tpu.memory_space<hbm>> -> memref<32x128xf32, #tpu.memory_space<hbm>>
    %dma_start3A_556 = arith.constant 0 : i32
    %dma_start3A_557 = arith.constant 0 : i32
    %dma_start3A_558 = tpu.memref_slice %arg6[%dma_start3A_549, %dma_start3A_556, %dma_start3A_557] : memref<16x32x128xf32, #tpu.memory_space<vmem>> -> memref<1x32x128xf32, #tpu.memory_space<vmem>>
    %dma_start3A_559 = tpu.memref_squeeze %dma_start3A_558 : memref<1x32x128xf32, #tpu.memory_space<vmem>> -> memref<32x128xf32, #tpu.memory_space<vmem>>
    %dma_start3A_560 = arith.constant 0 : i32
    %dma_start3A_561 = tpu.memref_slice %arg3[%dma_start3A_560, %multiple_of3A_548] : memref<32x1000000xf32, #tpu.memory_space<hbm>> -> memref<32x128xf32, #tpu.memory_space<hbm>>
    tpu.enqueue_dma source(%dma_start3A_561 : memref<32x128xf32, #tpu.memory_space<hbm>>) target(%dma_start3A_559 : memref<32x128xf32, #tpu.memory_space<vmem>>) target_semaphore(%arg8 : memref<!tpu.dma_semaphore, #tpu.memory_space<semaphore_mem>>)
    %get3A_562 = arith.constant 13 : index
    %get3A_563 = tpu.vector_load %arg5[%get3A_562] {strides = array<i32>} : memref<528xi32, #tpu.memory_space<vmem>>, vector<16xi32>,
    %slice3A_564 = vector.extract_strided_slice %get3A_563 {offsets = [0], sizes = [1], strides = [1]} : vector<16xi32> to vector<1xi32>
    %squeeze3A_565 = vector.extract %slice3A_564[0] : i32 from vector<1xi32>
    %jit3A_566 = arith.constant 128 : i32
    %div3A_567 = arith.divsi %squeeze3A_565, %jit3A_566 : i32
    %sign3A_568 = arith.constant 0 : i32
    %sign3A_569 = arith.cmpi sgt, %squeeze3A_565, %sign3A_568 : i32
    %sign3A_570 = arith.extui %sign3A_569 : i1 to i32
    %sign3A_571 = arith.constant 0 : i32
    %sign3A_572 = arith.cmpi slt, %squeeze3A_565, %sign3A_571 : i32
    %sign3A_573 = arith.extui %sign3A_572 : i1 to i32
    %sign3A_574 = arith.subi %sign3A_570, %sign3A_573 : i32
    %sign3A_575 = arith.constant 0 : i32
    %sign3A_576 = arith.cmpi sgt, %jit3A_566, %sign3A_575 : i32
    %sign3A_577 = arith.extui %sign3A_576 : i1 to i32
    %sign3A_578 = arith.constant 0 : i32
    %sign3A_579 = arith.cmpi slt, %jit3A_566, %sign3A_578 : i32
    %sign3A_580 = arith.extui %sign3A_579 : i1 to i32
    %sign3A_581 = arith.subi %sign3A_577, %sign3A_580 : i32
    %ne3A_582 = arith.cmpi ne, %sign3A_574, %sign3A_581 : i32
    %rem3A_583 = arith.remsi %squeeze3A_565, %jit3A_566 : i32
    %ne3A_584 = arith.constant 0 : i32
    %ne3A_585 = arith.cmpi ne, %rem3A_583, %ne3A_584 : i32
    %and3A_586 = arith.andi %ne3A_582, %ne3A_585 : i1
    %sub3A_587 = arith.constant 1 : i32
    %sub3A_588 = arith.subi %div3A_567, %sub3A_587 : i32
    %select_n3A_589 = arith.select %and3A_586, %sub3A_588, %div3A_567 : i32
    %mul3A_590 = arith.constant 128 : i32
    %mul3A_591 = arith.muli %select_n3A_589, %mul3A_590 : i32
    %multiple_of3A_592 = tpu.assume_multiple %mul3A_591, 128 : i32
    %dma_start3A_593 = arith.constant 13 : i32
    %dma_start3A_594 = arith.constant 0 : i32
    %dma_start3A_595 = arith.constant 0 : i32
    %dma_start3A_596 = tpu.memref_slice %arg6[%dma_start3A_593, %dma_start3A_594, %dma_start3A_595] : memref<16x32x128xf32, #tpu.memory_space<vmem>> -> memref<1x32x128xf32, #tpu.memory_space<vmem>>
    %dma_start3A_597 = tpu.memref_squeeze %dma_start3A_596 : memref<1x32x128xf32, #tpu.memory_space<vmem>> -> memref<32x128xf32, #tpu.memory_space<vmem>>
    %dma_start3A_598 = arith.constant 0 : i32
    %dma_start3A_599 = tpu.memref_slice %arg3[%dma_start3A_598, %multiple_of3A_592] : memref<32x1000000xf32, #tpu.memory_space<hbm>> -> memref<32x128xf32, #tpu.memory_space<hbm>>
    %dma_start3A_600 = arith.constant 0 : i32
    %dma_start3A_601 = arith.constant 0 : i32
    %dma_start3A_602 = tpu.memref_slice %arg6[%dma_start3A_593, %dma_start3A_600, %dma_start3A_601] : memref<16x32x128xf32, #tpu.memory_space<vmem>> -> memref<1x32x128xf32, #tpu.memory_space<vmem>>
    %dma_start3A_603 = tpu.memref_squeeze %dma_start3A_602 : memref<1x32x128xf32, #tpu.memory_space<vmem>> -> memref<32x128xf32, #tpu.memory_space<vmem>>
    %dma_start3A_604 = arith.constant 0 : i32
    %dma_start3A_605 = tpu.memref_slice %arg3[%dma_start3A_604, %multiple_of3A_592] : memref<32x1000000xf32, #tpu.memory_space<hbm>> -> memref<32x128xf32, #tpu.memory_space<hbm>>
    tpu.enqueue_dma source(%dma_start3A_605 : memref<32x128xf32, #tpu.memory_space<hbm>>) target(%dma_start3A_603 : memref<32x128xf32, #tpu.memory_space<vmem>>) target_semaphore(%arg8 : memref<!tpu.dma_semaphore, #tpu.memory_space<semaphore_mem>>)
    %get3A_606 = arith.constant 14 : index
    %get3A_607 = tpu.vector_load %arg5[%get3A_606] {strides = array<i32>} : memref<528xi32, #tpu.memory_space<vmem>>, vector<16xi32>,
    %slice3A_608 = vector.extract_strided_slice %get3A_607 {offsets = [0], sizes = [1], strides = [1]} : vector<16xi32> to vector<1xi32>
    %squeeze3A_609 = vector.extract %slice3A_608[0] : i32 from vector<1xi32>
    %jit3A_610 = arith.constant 128 : i32
    %div3A_611 = arith.divsi %squeeze3A_609, %jit3A_610 : i32
    %sign3A_612 = arith.constant 0 : i32
    %sign3A_613 = arith.cmpi sgt, %squeeze3A_609, %sign3A_612 : i32
    %sign3A_614 = arith.extui %sign3A_613 : i1 to i32
    %sign3A_615 = arith.constant 0 : i32
    %sign3A_616 = arith.cmpi slt, %squeeze3A_609, %sign3A_615 : i32
    %sign3A_617 = arith.extui %sign3A_616 : i1 to i32
    %sign3A_618 = arith.subi %sign3A_614, %sign3A_617 : i32
    %sign3A_619 = arith.constant 0 : i32
    %sign3A_620 = arith.cmpi sgt, %jit3A_610, %sign3A_619 : i32
    %sign3A_621 = arith.extui %sign3A_620 : i1 to i32
    %sign3A_622 = arith.constant 0 : i32
    %sign3A_623 = arith.cmpi slt, %jit3A_610, %sign3A_622 : i32
    %sign3A_624 = arith.extui %sign3A_623 : i1 to i32
    %sign3A_625 = arith.subi %sign3A_621, %sign3A_624 : i32
    %ne3A_626 = arith.cmpi ne, %sign3A_618, %sign3A_625 : i32
    %rem3A_627 = arith.remsi %squeeze3A_609, %jit3A_610 : i32
    %ne3A_628 = arith.constant 0 : i32
    %ne3A_629 = arith.cmpi ne, %rem3A_627, %ne3A_628 : i32
    %and3A_630 = arith.andi %ne3A_626, %ne3A_629 : i1
    %sub3A_631 = arith.constant 1 : i32
    %sub3A_632 = arith.subi %div3A_611, %sub3A_631 : i32
    %select_n3A_633 = arith.select %and3A_630, %sub3A_632, %div3A_611 : i32
    %mul3A_634 = arith.constant 128 : i32
    %mul3A_635 = arith.muli %select_n3A_633, %mul3A_634 : i32
    %multiple_of3A_636 = tpu.assume_multiple %mul3A_635, 128 : i32
    %dma_start3A_637 = arith.constant 14 : i32
    %dma_start3A_638 = arith.constant 0 : i32
    %dma_start3A_639 = arith.constant 0 : i32
    %dma_start3A_640 = tpu.memref_slice %arg6[%dma_start3A_637, %dma_start3A_638, %dma_start3A_639] : memref<16x32x128xf32, #tpu.memory_space<vmem>> -> memref<1x32x128xf32, #tpu.memory_space<vmem>>
    %dma_start3A_641 = tpu.memref_squeeze %dma_start3A_640 : memref<1x32x128xf32, #tpu.memory_space<vmem>> -> memref<32x128xf32, #tpu.memory_space<vmem>>
    %dma_start3A_642 = arith.constant 0 : i32
    %dma_start3A_643 = tpu.memref_slice %arg3[%dma_start3A_642, %multiple_of3A_636] : memref<32x1000000xf32, #tpu.memory_space<hbm>> -> memref<32x128xf32, #tpu.memory_space<hbm>>
    %dma_start3A_644 = arith.constant 0 : i32
    %dma_start3A_645 = arith.constant 0 : i32
    %dma_start3A_646 = tpu.memref_slice %arg6[%dma_start3A_637, %dma_start3A_644, %dma_start3A_645] : memref<16x32x128xf32, #tpu.memory_space<vmem>> -> memref<1x32x128xf32, #tpu.memory_space<vmem>>
    %dma_start3A_647 = tpu.memref_squeeze %dma_start3A_646 : memref<1x32x128xf32, #tpu.memory_space<vmem>> -> memref<32x128xf32, #tpu.memory_space<vmem>>
    %dma_start3A_648 = arith.constant 0 : i32
    %dma_start3A_649 = tpu.memref_slice %arg3[%dma_start3A_648, %multiple_of3A_636] : memref<32x1000000xf32, #tpu.memory_space<hbm>> -> memref<32x128xf32, #tpu.memory_space<hbm>>
    tpu.enqueue_dma source(%dma_start3A_649 : memref<32x128xf32, #tpu.memory_space<hbm>>) target(%dma_start3A_647 : memref<32x128xf32, #tpu.memory_space<vmem>>) target_semaphore(%arg8 : memref<!tpu.dma_semaphore, #tpu.memory_space<semaphore_mem>>)
    %get3A_650 = arith.constant 15 : index
    %get3A_651 = tpu.vector_load %arg5[%get3A_650] {strides = array<i32>} : memref<528xi32, #tpu.memory_space<vmem>>, vector<16xi32>,
    %slice3A_652 = vector.extract_strided_slice %get3A_651 {offsets = [0], sizes = [1], strides = [1]} : vector<16xi32> to vector<1xi32>
    %squeeze3A_653 = vector.extract %slice3A_652[0] : i32 from vector<1xi32>
    %jit3A_654 = arith.constant 128 : i32
    %div3A_655 = arith.divsi %squeeze3A_653, %jit3A_654 : i32
    %sign3A_656 = arith.constant 0 : i32
    %sign3A_657 = arith.cmpi sgt, %squeeze3A_653, %sign3A_656 : i32
    %sign3A_658 = arith.extui %sign3A_657 : i1 to i32
    %sign3A_659 = arith.constant 0 : i32
    %sign3A_660 = arith.cmpi slt, %squeeze3A_653, %sign3A_659 : i32
    %sign3A_661 = arith.extui %sign3A_660 : i1 to i32
    %sign3A_662 = arith.subi %sign3A_658, %sign3A_661 : i32
    %sign3A_663 = arith.constant 0 : i32
    %sign3A_664 = arith.cmpi sgt, %jit3A_654, %sign3A_663 : i32
    %sign3A_665 = arith.extui %sign3A_664 : i1 to i32
    %sign3A_666 = arith.constant 0 : i32
    %sign3A_667 = arith.cmpi slt, %jit3A_654, %sign3A_666 : i32
    %sign3A_668 = arith.extui %sign3A_667 : i1 to i32
    %sign3A_669 = arith.subi %sign3A_665, %sign3A_668 : i32
    %ne3A_670 = arith.cmpi ne, %sign3A_662, %sign3A_669 : i32
    %rem3A_671 = arith.remsi %squeeze3A_653, %jit3A_654 : i32
    %ne3A_672 = arith.constant 0 : i32
    %ne3A_673 = arith.cmpi ne, %rem3A_671, %ne3A_672 : i32
    %and3A_674 = arith.andi %ne3A_670, %ne3A_673 : i1
    %sub3A_675 = arith.constant 1 : i32
    %sub3A_676 = arith.subi %div3A_655, %sub3A_675 : i32
    %select_n3A_677 = arith.select %and3A_674, %sub3A_676, %div3A_655 : i32
    %mul3A_678 = arith.constant 128 : i32
    %mul3A_679 = arith.muli %select_n3A_677, %mul3A_678 : i32
    %multiple_of3A_680 = tpu.assume_multiple %mul3A_679, 128 : i32
    %dma_start3A_681 = arith.constant 15 : i32
    %dma_start3A_682 = arith.constant 0 : i32
    %dma_start3A_683 = arith.constant 0 : i32
    %dma_start3A_684 = tpu.memref_slice %arg6[%dma_start3A_681, %dma_start3A_682, %dma_start3A_683] : memref<16x32x128xf32, #tpu.memory_space<vmem>> -> memref<1x32x128xf32, #tpu.memory_space<vmem>>
    %dma_start3A_685 = tpu.memref_squeeze %dma_start3A_684 : memref<1x32x128xf32, #tpu.memory_space<vmem>> -> memref<32x128xf32, #tpu.memory_space<vmem>>
    %dma_start3A_686 = arith.constant 0 : i32
    %dma_start3A_687 = tpu.memref_slice %arg3[%dma_start3A_686, %multiple_of3A_680] : memref<32x1000000xf32, #tpu.memory_space<hbm>> -> memref<32x128xf32, #tpu.memory_space<hbm>>
    %dma_start3A_688 = arith.constant 0 : i32
    %dma_start3A_689 = arith.constant 0 : i32
    %dma_start3A_690 = tpu.memref_slice %arg6[%dma_start3A_681, %dma_start3A_688, %dma_start3A_689] : memref<16x32x128xf32, #tpu.memory_space<vmem>> -> memref<1x32x128xf32, #tpu.memory_space<vmem>>
    %dma_start3A_691 = tpu.memref_squeeze %dma_start3A_690 : memref<1x32x128xf32, #tpu.memory_space<vmem>> -> memref<32x128xf32, #tpu.memory_space<vmem>>
    %dma_start3A_692 = arith.constant 0 : i32
    %dma_start3A_693 = tpu.memref_slice %arg3[%dma_start3A_692, %multiple_of3A_680] : memref<32x1000000xf32, #tpu.memory_space<hbm>> -> memref<32x128xf32, #tpu.memory_space<hbm>>
    tpu.enqueue_dma source(%dma_start3A_693 : memref<32x128xf32, #tpu.memory_space<hbm>>) target(%dma_start3A_691 : memref<32x128xf32, #tpu.memory_space<vmem>>) target_semaphore(%arg8 : memref<!tpu.dma_semaphore, #tpu.memory_space<semaphore_mem>>)
    %scan3A = arith.constant 0 : i32
    %scan3A_694 = arith.constant 0 : i32
    %scan3A_695 = arith.constant 496 : i32
    %scan3A_696 = arith.addi %scan3A_694, %scan3A_695 : i32
    %scan3A_697 = arith.constant 1 : i32
    %scan3A_698 = scf.for %scan3A_1465 = %scan3A_694 to %scan3A_696 step %scan3A_697 iter_args(%scan3A_1466 = %scan3A) -> (i32)  : i32 {
      %rem3A_1467 = arith.constant 16 : i32
      %rem3A_1468 = arith.remsi %scan3A_1465, %rem3A_1467 : i32
      %dma_wait3A_1469 = arith.constant 0 : i32
      %dma_wait3A_1470 = arith.constant 0 : i32
      %dma_wait3A_1471 = arith.constant 0 : i32
      %dma_wait3A_1472 = tpu.memref_slice %arg6[%dma_wait3A_1469, %dma_wait3A_1470, %dma_wait3A_1471] : memref<16x32x128xf32, #tpu.memory_space<vmem>> -> memref<1x32x128xf32, #tpu.memory_space<vmem>>
      %dma_wait3A_1473 = tpu.memref_squeeze %dma_wait3A_1472 : memref<1x32x128xf32, #tpu.memory_space<vmem>> -> memref<32x128xf32, #tpu.memory_space<vmem>>
      %dma_wait3A_1474 = arith.constant 0 : i32
      %dma_wait3A_1475 = arith.constant 0 : i32
      %dma_wait3A_1476 = tpu.memref_slice %arg3[%dma_wait3A_1474, %dma_wait3A_1475] : memref<32x1000000xf32, #tpu.memory_space<hbm>> -> memref<32x128xf32, #tpu.memory_space<hbm>>
      %dma_wait3A_1477 = arith.constant 0 : i32
      %dma_wait3A_1478 = arith.constant 0 : i32
      %dma_wait3A_1479 = tpu.memref_slice %arg6[%dma_wait3A_1469, %dma_wait3A_1477, %dma_wait3A_1478] : memref<16x32x128xf32, #tpu.memory_space<vmem>> -> memref<1x32x128xf32, #tpu.memory_space<vmem>>
      %dma_wait3A_1480 = tpu.memref_squeeze %dma_wait3A_1479 : memref<1x32x128xf32, #tpu.memory_space<vmem>> -> memref<32x128xf32, #tpu.memory_space<vmem>>
      %dma_wait3A_1481 = arith.constant 0 : i32
      %dma_wait3A_1482 = arith.constant 0 : i32
      %dma_wait3A_1483 = tpu.memref_slice %arg3[%dma_wait3A_1481, %dma_wait3A_1482] : memref<32x1000000xf32, #tpu.memory_space<hbm>> -> memref<32x128xf32, #tpu.memory_space<hbm>>
      tpu.wait_dma2 semaphore(%arg8 : memref<!tpu.dma_semaphore, #tpu.memory_space<semaphore_mem>>) src(%dma_wait3A_1483 : memref<32x128xf32, #tpu.memory_space<hbm>>) dst(%dma_wait3A_1480 : memref<32x128xf32, #tpu.memory_space<vmem>>)
      %get3A_1484 = arith.index_cast %scan3A_1465 : i32 to index
      %get3A_1485 = tpu.vector_load %arg5[%get3A_1484] {strides = array<i32>} : memref<528xi32, #tpu.memory_space<vmem>>, vector<16xi32>,
      %slice3A_1486 = vector.extract_strided_slice %get3A_1485 {offsets = [0], sizes = [1], strides = [1]} : vector<16xi32> to vector<1xi32>
      %squeeze3A_1487 = vector.extract %slice3A_1486[0] : i32 from vector<1xi32>
      %rem3A_1488 = arith.constant 128 : i32
      %rem3A_1489 = arith.remsi %squeeze3A_1487, %rem3A_1488 : i32
      %broadcast_in_dim3A_1490 = vector.broadcast %rem3A_1489 : i32 to vector<16xi32>
      %broadcast_in_dim3A_1491 = vector.broadcast %scan3A_1465 : i32 to vector<16xi32>
      %add3A_1492 = arith.constant 0 : i32
      %add3A_1493 = vector.broadcast %add3A_1492 : i32 to vector<16xi32>
      %add3A_1494 = arith.addi %add3A_1493, %iota3A : vector<16xi32>
      %gather3A_1495 = arith.constant 0 : i32
      %gather3A_1496 = arith.constant 0 : i32
      %gather3A_1497 = tpu.memref_slice %arg6[%rem3A_1468, %gather3A_1495, %gather3A_1496] : memref<16x32x128xf32, #tpu.memory_space<vmem>> -> memref<1x32x128xf32, #tpu.memory_space<vmem>>
      %gather3A_1498 = tpu.memref_squeeze %gather3A_1497 : memref<1x32x128xf32, #tpu.memory_space<vmem>> -> memref<32x128xf32, #tpu.memory_space<vmem>>
      %gather3A_1499 = tpu.vector_load_idx %gather3A_1498[%add3A_1494, %broadcast_in_dim3A_1490] : memref<32x128xf32, #tpu.memory_space<vmem>>[vector<16xi32>, vector<16xi32>], vector<16xf32>,
      %add3A_1500 = arith.constant 0 : i32
      %add3A_1501 = vector.broadcast %add3A_1500 : i32 to vector<16xi32>
      %add3A_1502 = arith.addi %add3A_1501, %iota3A : vector<16xi32>
      tpu.vector_store_idx %arg7[%add3A_1502, %broadcast_in_dim3A_1491], %gather3A_1499 : memref<32x512xf32, #tpu.memory_space<vmem>>[vector<16xi32>, vector<16xi32>], vector<16xf32>,
      %add3A_1503 = arith.constant 16 : i32
      %add3A_1504 = vector.broadcast %add3A_1503 : i32 to vector<16xi32>
      %add3A_1505 = arith.addi %add3A_1504, %iota3A : vector<16xi32>
      %gather3A_1506 = arith.constant 0 : i32
      %gather3A_1507 = arith.constant 0 : i32
      %gather3A_1508 = tpu.memref_slice %arg6[%rem3A_1468, %gather3A_1506, %gather3A_1507] : memref<16x32x128xf32, #tpu.memory_space<vmem>> -> memref<1x32x128xf32, #tpu.memory_space<vmem>>
      %gather3A_1509 = tpu.memref_squeeze %gather3A_1508 : memref<1x32x128xf32, #tpu.memory_space<vmem>> -> memref<32x128xf32, #tpu.memory_space<vmem>>
      %gather3A_1510 = tpu.vector_load_idx %gather3A_1509[%add3A_1505, %broadcast_in_dim3A_1490] : memref<32x128xf32, #tpu.memory_space<vmem>>[vector<16xi32>, vector<16xi32>], vector<16xf32>,
      %add3A_1511 = arith.constant 16 : i32
      %add3A_1512 = vector.broadcast %add3A_1511 : i32 to vector<16xi32>
      %add3A_1513 = arith.addi %add3A_1512, %iota3A : vector<16xi32>
      tpu.vector_store_idx %arg7[%add3A_1513, %broadcast_in_dim3A_1491], %gather3A_1510 : memref<32x512xf32, #tpu.memory_space<vmem>>[vector<16xi32>, vector<16xi32>], vector<16xf32>,
      %add3A_1514 = arith.constant 16 : i32
      %add3A_1515 = arith.addi %scan3A_1465, %add3A_1514 : i32
      %get3A_1516 = arith.index_cast %add3A_1515 : i32 to index
      %get3A_1517 = tpu.vector_load %arg5[%get3A_1516] {strides = array<i32>} : memref<528xi32, #tpu.memory_space<vmem>>, vector<16xi32>,
      %slice3A_1518 = vector.extract_strided_slice %get3A_1517 {offsets = [0], sizes = [1], strides = [1]} : vector<16xi32> to vector<1xi32>
      %squeeze3A_1519 = vector.extract %slice3A_1518[0] : i32 from vector<1xi32>
      %jit3A_1520 = arith.constant 128 : i32
      %div3A_1521 = arith.divsi %squeeze3A_1519, %jit3A_1520 : i32
      %sign3A_1522 = arith.constant 0 : i32
      %sign3A_1523 = arith.cmpi sgt, %squeeze3A_1519, %sign3A_1522 : i32
      %sign3A_1524 = arith.extui %sign3A_1523 : i1 to i32
      %sign3A_1525 = arith.constant 0 : i32
      %sign3A_1526 = arith.cmpi slt, %squeeze3A_1519, %sign3A_1525 : i32
      %sign3A_1527 = arith.extui %sign3A_1526 : i1 to i32
      %sign3A_1528 = arith.subi %sign3A_1524, %sign3A_1527 : i32
      %sign3A_1529 = arith.constant 0 : i32
      %sign3A_1530 = arith.cmpi sgt, %jit3A_1520, %sign3A_1529 : i32
      %sign3A_1531 = arith.extui %sign3A_1530 : i1 to i32
      %sign3A_1532 = arith.constant 0 : i32
      %sign3A_1533 = arith.cmpi slt, %jit3A_1520, %sign3A_1532 : i32
      %sign3A_1534 = arith.extui %sign3A_1533 : i1 to i32
      %sign3A_1535 = arith.subi %sign3A_1531, %sign3A_1534 : i32
      %ne3A_1536 = arith.cmpi ne, %sign3A_1528, %sign3A_1535 : i32
      %rem3A_1537 = arith.remsi %squeeze3A_1519, %jit3A_1520 : i32
      %ne3A_1538 = arith.constant 0 : i32
      %ne3A_1539 = arith.cmpi ne, %rem3A_1537, %ne3A_1538 : i32
      %and3A_1540 = arith.andi %ne3A_1536, %ne3A_1539 : i1
      %sub3A_1541 = arith.constant 1 : i32
      %sub3A_1542 = arith.subi %div3A_1521, %sub3A_1541 : i32
      %select_n3A_1543 = arith.select %and3A_1540, %sub3A_1542, %div3A_1521 : i32
      %mul3A_1544 = arith.constant 128 : i32
      %mul3A_1545 = arith.muli %select_n3A_1543, %mul3A_1544 : i32
      %multiple_of3A_1546 = tpu.assume_multiple %mul3A_1545, 128 : i32
      %dma_start3A_1547 = arith.constant 0 : i32
      %dma_start3A_1548 = arith.constant 0 : i32
      %dma_start3A_1549 = tpu.memref_slice %arg6[%rem3A_1468, %dma_start3A_1547, %dma_start3A_1548] : memref<16x32x128xf32, #tpu.memory_space<vmem>> -> memref<1x32x128xf32, #tpu.memory_space<vmem>>
      %dma_start3A_1550 = tpu.memref_squeeze %dma_start3A_1549 : memref<1x32x128xf32, #tpu.memory_space<vmem>> -> memref<32x128xf32, #tpu.memory_space<vmem>>
      %dma_start3A_1551 = arith.constant 0 : i32
      %dma_start3A_1552 = tpu.memref_slice %arg3[%dma_start3A_1551, %multiple_of3A_1546] : memref<32x1000000xf32, #tpu.memory_space<hbm>> -> memref<32x128xf32, #tpu.memory_space<hbm>>
      %dma_start3A_1553 = arith.constant 0 : i32
      %dma_start3A_1554 = arith.constant 0 : i32
      %dma_start3A_1555 = tpu.memref_slice %arg6[%rem3A_1468, %dma_start3A_1553, %dma_start3A_1554] : memref<16x32x128xf32, #tpu.memory_space<vmem>> -> memref<1x32x128xf32, #tpu.memory_space<vmem>>
      %dma_start3A_1556 = tpu.memref_squeeze %dma_start3A_1555 : memref<1x32x128xf32, #tpu.memory_space<vmem>> -> memref<32x128xf32, #tpu.memory_space<vmem>>
      %dma_start3A_1557 = arith.constant 0 : i32
      %dma_start3A_1558 = tpu.memref_slice %arg3[%dma_start3A_1557, %multiple_of3A_1546] : memref<32x1000000xf32, #tpu.memory_space<hbm>> -> memref<32x128xf32, #tpu.memory_space<hbm>>
      tpu.enqueue_dma source(%dma_start3A_1558 : memref<32x128xf32, #tpu.memory_space<hbm>>) target(%dma_start3A_1556 : memref<32x128xf32, #tpu.memory_space<vmem>>) target_semaphore(%arg8 : memref<!tpu.dma_semaphore, #tpu.memory_space<semaphore_mem>>)
      %scan3A_1559 = arith.constant 0 : i32
      scf.yield %scan3A_1559 : i32
    }
    %scan3A_699 = arith.constant 496 : i32
    %dma_wait3A = arith.constant 0 : i32
    %dma_wait3A_700 = arith.constant 0 : i32
    %dma_wait3A_701 = arith.constant 0 : i32
    %dma_wait3A_702 = tpu.memref_slice %arg6[%dma_wait3A, %dma_wait3A_700, %dma_wait3A_701] : memref<16x32x128xf32, #tpu.memory_space<vmem>> -> memref<1x32x128xf32, #tpu.memory_space<vmem>>
    %dma_wait3A_703 = tpu.memref_squeeze %dma_wait3A_702 : memref<1x32x128xf32, #tpu.memory_space<vmem>> -> memref<32x128xf32, #tpu.memory_space<vmem>>
    %dma_wait3A_704 = arith.constant 0 : i32
    %dma_wait3A_705 = arith.constant 0 : i32
    %dma_wait3A_706 = tpu.memref_slice %arg3[%dma_wait3A_704, %dma_wait3A_705] : memref<32x1000000xf32, #tpu.memory_space<hbm>> -> memref<32x128xf32, #tpu.memory_space<hbm>>
    %dma_wait3A_707 = arith.constant 0 : i32
    %dma_wait3A_708 = arith.constant 0 : i32
    %dma_wait3A_709 = tpu.memref_slice %arg6[%dma_wait3A, %dma_wait3A_707, %dma_wait3A_708] : memref<16x32x128xf32, #tpu.memory_space<vmem>> -> memref<1x32x128xf32, #tpu.memory_space<vmem>>
    %dma_wait3A_710 = tpu.memref_squeeze %dma_wait3A_709 : memref<1x32x128xf32, #tpu.memory_space<vmem>> -> memref<32x128xf32, #tpu.memory_space<vmem>>
    %dma_wait3A_711 = arith.constant 0 : i32
    %dma_wait3A_712 = arith.constant 0 : i32
    %dma_wait3A_713 = tpu.memref_slice %arg3[%dma_wait3A_711, %dma_wait3A_712] : memref<32x1000000xf32, #tpu.memory_space<hbm>> -> memref<32x128xf32, #tpu.memory_space<hbm>>
    tpu.wait_dma2 semaphore(%arg8 : memref<!tpu.dma_semaphore, #tpu.memory_space<semaphore_mem>>) src(%dma_wait3A_713 : memref<32x128xf32, #tpu.memory_space<hbm>>) dst(%dma_wait3A_710 : memref<32x128xf32, #tpu.memory_space<vmem>>)
    %get3A_714 = arith.constant 496 : index
    %get3A_715 = tpu.vector_load %arg5[%get3A_714] {strides = array<i32>} : memref<528xi32, #tpu.memory_space<vmem>>, vector<16xi32>,
    %slice3A_716 = vector.extract_strided_slice %get3A_715 {offsets = [0], sizes = [1], strides = [1]} : vector<16xi32> to vector<1xi32>
    %squeeze3A_717 = vector.extract %slice3A_716[0] : i32 from vector<1xi32>
    %rem3A_718 = arith.constant 128 : i32
    %rem3A_719 = arith.remsi %squeeze3A_717, %rem3A_718 : i32
    %broadcast_in_dim3A = vector.broadcast %rem3A_719 : i32 to vector<16xi32>
    %broadcast_in_dim3A_720 = arith.constant 496 : i32
    %broadcast_in_dim3A_721 = vector.broadcast %broadcast_in_dim3A_720 : i32 to vector<16xi32>
    %add3A_722 = arith.constant 0 : i32
    %add3A_723 = vector.broadcast %add3A_722 : i32 to vector<16xi32>
    %add3A_724 = arith.addi %add3A_723, %iota3A : vector<16xi32>
    %gather3A = arith.constant 0 : i32
    %gather3A_725 = arith.constant 0 : i32
    %gather3A_726 = arith.constant 0 : i32
    %gather3A_727 = tpu.memref_slice %arg6[%gather3A, %gather3A_725, %gather3A_726] : memref<16x32x128xf32, #tpu.memory_space<vmem>> -> memref<1x32x128xf32, #tpu.memory_space<vmem>>
    %gather3A_728 = tpu.memref_squeeze %gather3A_727 : memref<1x32x128xf32, #tpu.memory_space<vmem>> -> memref<32x128xf32, #tpu.memory_space<vmem>>
    %gather3A_729 = tpu.vector_load_idx %gather3A_728[%add3A_724, %broadcast_in_dim3A] : memref<32x128xf32, #tpu.memory_space<vmem>>[vector<16xi32>, vector<16xi32>], vector<16xf32>,
    %add3A_730 = arith.constant 0 : i32
    %add3A_731 = vector.broadcast %add3A_730 : i32 to vector<16xi32>
    %add3A_732 = arith.addi %add3A_731, %iota3A : vector<16xi32>
    tpu.vector_store_idx %arg7[%add3A_732, %broadcast_in_dim3A_721], %gather3A_729 : memref<32x512xf32, #tpu.memory_space<vmem>>[vector<16xi32>, vector<16xi32>], vector<16xf32>,
    %add3A_733 = arith.constant 16 : i32
    %add3A_734 = vector.broadcast %add3A_733 : i32 to vector<16xi32>
    %add3A_735 = arith.addi %add3A_734, %iota3A : vector<16xi32>
    %gather3A_736 = arith.constant 0 : i32
    %gather3A_737 = arith.constant 0 : i32
    %gather3A_738 = arith.constant 0 : i32
    %gather3A_739 = tpu.memref_slice %arg6[%gather3A_736, %gather3A_737, %gather3A_738] : memref<16x32x128xf32, #tpu.memory_space<vmem>> -> memref<1x32x128xf32, #tpu.memory_space<vmem>>
    %gather3A_740 = tpu.memref_squeeze %gather3A_739 : memref<1x32x128xf32, #tpu.memory_space<vmem>> -> memref<32x128xf32, #tpu.memory_space<vmem>>
    %gather3A_741 = tpu.vector_load_idx %gather3A_740[%add3A_735, %broadcast_in_dim3A] : memref<32x128xf32, #tpu.memory_space<vmem>>[vector<16xi32>, vector<16xi32>], vector<16xf32>,
    %add3A_742 = arith.constant 16 : i32
    %add3A_743 = vector.broadcast %add3A_742 : i32 to vector<16xi32>
    %add3A_744 = arith.addi %add3A_743, %iota3A : vector<16xi32>
    tpu.vector_store_idx %arg7[%add3A_744, %broadcast_in_dim3A_721], %gather3A_741 : memref<32x512xf32, #tpu.memory_space<vmem>>[vector<16xi32>, vector<16xi32>], vector<16xf32>,
    %dma_wait3A_745 = arith.constant 0 : i32
    %dma_wait3A_746 = arith.constant 0 : i32
    %dma_wait3A_747 = arith.constant 0 : i32
    %dma_wait3A_748 = tpu.memref_slice %arg6[%dma_wait3A_745, %dma_wait3A_746, %dma_wait3A_747] : memref<16x32x128xf32, #tpu.memory_space<vmem>> -> memref<1x32x128xf32, #tpu.memory_space<vmem>>
    %dma_wait3A_749 = tpu.memref_squeeze %dma_wait3A_748 : memref<1x32x128xf32, #tpu.memory_space<vmem>> -> memref<32x128xf32, #tpu.memory_space<vmem>>
    %dma_wait3A_750 = arith.constant 0 : i32
    %dma_wait3A_751 = arith.constant 0 : i32
    %dma_wait3A_752 = tpu.memref_slice %arg3[%dma_wait3A_750, %dma_wait3A_751] : memref<32x1000000xf32, #tpu.memory_space<hbm>> -> memref<32x128xf32, #tpu.memory_space<hbm>>
    %dma_wait3A_753 = arith.constant 0 : i32
    %dma_wait3A_754 = arith.constant 0 : i32
    %dma_wait3A_755 = tpu.memref_slice %arg6[%dma_wait3A_745, %dma_wait3A_753, %dma_wait3A_754] : memref<16x32x128xf32, #tpu.memory_space<vmem>> -> memref<1x32x128xf32, #tpu.memory_space<vmem>>
    %dma_wait3A_756 = tpu.memref_squeeze %dma_wait3A_755 : memref<1x32x128xf32, #tpu.memory_space<vmem>> -> memref<32x128xf32, #tpu.memory_space<vmem>>
    %dma_wait3A_757 = arith.constant 0 : i32
    %dma_wait3A_758 = arith.constant 0 : i32
    %dma_wait3A_759 = tpu.memref_slice %arg3[%dma_wait3A_757, %dma_wait3A_758] : memref<32x1000000xf32, #tpu.memory_space<hbm>> -> memref<32x128xf32, #tpu.memory_space<hbm>>
    tpu.wait_dma2 semaphore(%arg8 : memref<!tpu.dma_semaphore, #tpu.memory_space<semaphore_mem>>) src(%dma_wait3A_759 : memref<32x128xf32, #tpu.memory_space<hbm>>) dst(%dma_wait3A_756 : memref<32x128xf32, #tpu.memory_space<vmem>>)
    %get3A_760 = arith.constant 497 : index
    %get3A_761 = tpu.vector_load %arg5[%get3A_760] {strides = array<i32>} : memref<528xi32, #tpu.memory_space<vmem>>, vector<16xi32>,
    %slice3A_762 = vector.extract_strided_slice %get3A_761 {offsets = [0], sizes = [1], strides = [1]} : vector<16xi32> to vector<1xi32>
    %squeeze3A_763 = vector.extract %slice3A_762[0] : i32 from vector<1xi32>
    %rem3A_764 = arith.constant 128 : i32
    %rem3A_765 = arith.remsi %squeeze3A_763, %rem3A_764 : i32
    %broadcast_in_dim3A_766 = vector.broadcast %rem3A_765 : i32 to vector<16xi32>
    %broadcast_in_dim3A_767 = arith.constant 497 : i32
    %broadcast_in_dim3A_768 = vector.broadcast %broadcast_in_dim3A_767 : i32 to vector<16xi32>
    %add3A_769 = arith.constant 0 : i32
    %add3A_770 = vector.broadcast %add3A_769 : i32 to vector<16xi32>
    %add3A_771 = arith.addi %add3A_770, %iota3A : vector<16xi32>
    %gather3A_772 = arith.constant 1 : i32
    %gather3A_773 = arith.constant 0 : i32
    %gather3A_774 = arith.constant 0 : i32
    %gather3A_775 = tpu.memref_slice %arg6[%gather3A_772, %gather3A_773, %gather3A_774] : memref<16x32x128xf32, #tpu.memory_space<vmem>> -> memref<1x32x128xf32, #tpu.memory_space<vmem>>
    %gather3A_776 = tpu.memref_squeeze %gather3A_775 : memref<1x32x128xf32, #tpu.memory_space<vmem>> -> memref<32x128xf32, #tpu.memory_space<vmem>>
    %gather3A_777 = tpu.vector_load_idx %gather3A_776[%add3A_771, %broadcast_in_dim3A_766] : memref<32x128xf32, #tpu.memory_space<vmem>>[vector<16xi32>, vector<16xi32>], vector<16xf32>,
    %add3A_778 = arith.constant 0 : i32
    %add3A_779 = vector.broadcast %add3A_778 : i32 to vector<16xi32>
    %add3A_780 = arith.addi %add3A_779, %iota3A : vector<16xi32>
    tpu.vector_store_idx %arg7[%add3A_780, %broadcast_in_dim3A_768], %gather3A_777 : memref<32x512xf32, #tpu.memory_space<vmem>>[vector<16xi32>, vector<16xi32>], vector<16xf32>,
    %add3A_781 = arith.constant 16 : i32
    %add3A_782 = vector.broadcast %add3A_781 : i32 to vector<16xi32>
    %add3A_783 = arith.addi %add3A_782, %iota3A : vector<16xi32>
    %gather3A_784 = arith.constant 1 : i32
    %gather3A_785 = arith.constant 0 : i32
    %gather3A_786 = arith.constant 0 : i32
    %gather3A_787 = tpu.memref_slice %arg6[%gather3A_784, %gather3A_785, %gather3A_786] : memref<16x32x128xf32, #tpu.memory_space<vmem>> -> memref<1x32x128xf32, #tpu.memory_space<vmem>>
    %gather3A_788 = tpu.memref_squeeze %gather3A_787 : memref<1x32x128xf32, #tpu.memory_space<vmem>> -> memref<32x128xf32, #tpu.memory_space<vmem>>
    %gather3A_789 = tpu.vector_load_idx %gather3A_788[%add3A_783, %broadcast_in_dim3A_766] : memref<32x128xf32, #tpu.memory_space<vmem>>[vector<16xi32>, vector<16xi32>], vector<16xf32>,
    %add3A_790 = arith.constant 16 : i32
    %add3A_791 = vector.broadcast %add3A_790 : i32 to vector<16xi32>
    %add3A_792 = arith.addi %add3A_791, %iota3A : vector<16xi32>
    tpu.vector_store_idx %arg7[%add3A_792, %broadcast_in_dim3A_768], %gather3A_789 : memref<32x512xf32, #tpu.memory_space<vmem>>[vector<16xi32>, vector<16xi32>], vector<16xf32>,
    %dma_wait3A_793 = arith.constant 0 : i32
    %dma_wait3A_794 = arith.constant 0 : i32
    %dma_wait3A_795 = arith.constant 0 : i32
    %dma_wait3A_796 = tpu.memref_slice %arg6[%dma_wait3A_793, %dma_wait3A_794, %dma_wait3A_795] : memref<16x32x128xf32, #tpu.memory_space<vmem>> -> memref<1x32x128xf32, #tpu.memory_space<vmem>>
    %dma_wait3A_797 = tpu.memref_squeeze %dma_wait3A_796 : memref<1x32x128xf32, #tpu.memory_space<vmem>> -> memref<32x128xf32, #tpu.memory_space<vmem>>
    %dma_wait3A_798 = arith.constant 0 : i32
    %dma_wait3A_799 = arith.constant 0 : i32
    %dma_wait3A_800 = tpu.memref_slice %arg3[%dma_wait3A_798, %dma_wait3A_799] : memref<32x1000000xf32, #tpu.memory_space<hbm>> -> memref<32x128xf32, #tpu.memory_space<hbm>>
    %dma_wait3A_801 = arith.constant 0 : i32
    %dma_wait3A_802 = arith.constant 0 : i32
    %dma_wait3A_803 = tpu.memref_slice %arg6[%dma_wait3A_793, %dma_wait3A_801, %dma_wait3A_802] : memref<16x32x128xf32, #tpu.memory_space<vmem>> -> memref<1x32x128xf32, #tpu.memory_space<vmem>>
    %dma_wait3A_804 = tpu.memref_squeeze %dma_wait3A_803 : memref<1x32x128xf32, #tpu.memory_space<vmem>> -> memref<32x128xf32, #tpu.memory_space<vmem>>
    %dma_wait3A_805 = arith.constant 0 : i32
    %dma_wait3A_806 = arith.constant 0 : i32
    %dma_wait3A_807 = tpu.memref_slice %arg3[%dma_wait3A_805, %dma_wait3A_806] : memref<32x1000000xf32, #tpu.memory_space<hbm>> -> memref<32x128xf32, #tpu.memory_space<hbm>>
    tpu.wait_dma2 semaphore(%arg8 : memref<!tpu.dma_semaphore, #tpu.memory_space<semaphore_mem>>) src(%dma_wait3A_807 : memref<32x128xf32, #tpu.memory_space<hbm>>) dst(%dma_wait3A_804 : memref<32x128xf32, #tpu.memory_space<vmem>>)
    %get3A_808 = arith.constant 498 : index
    %get3A_809 = tpu.vector_load %arg5[%get3A_808] {strides = array<i32>} : memref<528xi32, #tpu.memory_space<vmem>>, vector<16xi32>,
    %slice3A_810 = vector.extract_strided_slice %get3A_809 {offsets = [0], sizes = [1], strides = [1]} : vector<16xi32> to vector<1xi32>
    %squeeze3A_811 = vector.extract %slice3A_810[0] : i32 from vector<1xi32>
    %rem3A_812 = arith.constant 128 : i32
    %rem3A_813 = arith.remsi %squeeze3A_811, %rem3A_812 : i32
    %broadcast_in_dim3A_814 = vector.broadcast %rem3A_813 : i32 to vector<16xi32>
    %broadcast_in_dim3A_815 = arith.constant 498 : i32
    %broadcast_in_dim3A_816 = vector.broadcast %broadcast_in_dim3A_815 : i32 to vector<16xi32>
    %add3A_817 = arith.constant 0 : i32
    %add3A_818 = vector.broadcast %add3A_817 : i32 to vector<16xi32>
    %add3A_819 = arith.addi %add3A_818, %iota3A : vector<16xi32>
    %gather3A_820 = arith.constant 2 : i32
    %gather3A_821 = arith.constant 0 : i32
    %gather3A_822 = arith.constant 0 : i32
    %gather3A_823 = tpu.memref_slice %arg6[%gather3A_820, %gather3A_821, %gather3A_822] : memref<16x32x128xf32, #tpu.memory_space<vmem>> -> memref<1x32x128xf32, #tpu.memory_space<vmem>>
    %gather3A_824 = tpu.memref_squeeze %gather3A_823 : memref<1x32x128xf32, #tpu.memory_space<vmem>> -> memref<32x128xf32, #tpu.memory_space<vmem>>
    %gather3A_825 = tpu.vector_load_idx %gather3A_824[%add3A_819, %broadcast_in_dim3A_814] : memref<32x128xf32, #tpu.memory_space<vmem>>[vector<16xi32>, vector<16xi32>], vector<16xf32>,
    %add3A_826 = arith.constant 0 : i32
    %add3A_827 = vector.broadcast %add3A_826 : i32 to vector<16xi32>
    %add3A_828 = arith.addi %add3A_827, %iota3A : vector<16xi32>
    tpu.vector_store_idx %arg7[%add3A_828, %broadcast_in_dim3A_816], %gather3A_825 : memref<32x512xf32, #tpu.memory_space<vmem>>[vector<16xi32>, vector<16xi32>], vector<16xf32>,
    %add3A_829 = arith.constant 16 : i32
    %add3A_830 = vector.broadcast %add3A_829 : i32 to vector<16xi32>
    %add3A_831 = arith.addi %add3A_830, %iota3A : vector<16xi32>
    %gather3A_832 = arith.constant 2 : i32
    %gather3A_833 = arith.constant 0 : i32
    %gather3A_834 = arith.constant 0 : i32
    %gather3A_835 = tpu.memref_slice %arg6[%gather3A_832, %gather3A_833, %gather3A_834] : memref<16x32x128xf32, #tpu.memory_space<vmem>> -> memref<1x32x128xf32, #tpu.memory_space<vmem>>
    %gather3A_836 = tpu.memref_squeeze %gather3A_835 : memref<1x32x128xf32, #tpu.memory_space<vmem>> -> memref<32x128xf32, #tpu.memory_space<vmem>>
    %gather3A_837 = tpu.vector_load_idx %gather3A_836[%add3A_831, %broadcast_in_dim3A_814] : memref<32x128xf32, #tpu.memory_space<vmem>>[vector<16xi32>, vector<16xi32>], vector<16xf32>,
    %add3A_838 = arith.constant 16 : i32
    %add3A_839 = vector.broadcast %add3A_838 : i32 to vector<16xi32>
    %add3A_840 = arith.addi %add3A_839, %iota3A : vector<16xi32>
    tpu.vector_store_idx %arg7[%add3A_840, %broadcast_in_dim3A_816], %gather3A_837 : memref<32x512xf32, #tpu.memory_space<vmem>>[vector<16xi32>, vector<16xi32>], vector<16xf32>,
    %dma_wait3A_841 = arith.constant 0 : i32
    %dma_wait3A_842 = arith.constant 0 : i32
    %dma_wait3A_843 = arith.constant 0 : i32
    %dma_wait3A_844 = tpu.memref_slice %arg6[%dma_wait3A_841, %dma_wait3A_842, %dma_wait3A_843] : memref<16x32x128xf32, #tpu.memory_space<vmem>> -> memref<1x32x128xf32, #tpu.memory_space<vmem>>
    %dma_wait3A_845 = tpu.memref_squeeze %dma_wait3A_844 : memref<1x32x128xf32, #tpu.memory_space<vmem>> -> memref<32x128xf32, #tpu.memory_space<vmem>>
    %dma_wait3A_846 = arith.constant 0 : i32
    %dma_wait3A_847 = arith.constant 0 : i32
    %dma_wait3A_848 = tpu.memref_slice %arg3[%dma_wait3A_846, %dma_wait3A_847] : memref<32x1000000xf32, #tpu.memory_space<hbm>> -> memref<32x128xf32, #tpu.memory_space<hbm>>
    %dma_wait3A_849 = arith.constant 0 : i32
    %dma_wait3A_850 = arith.constant 0 : i32
    %dma_wait3A_851 = tpu.memref_slice %arg6[%dma_wait3A_841, %dma_wait3A_849, %dma_wait3A_850] : memref<16x32x128xf32, #tpu.memory_space<vmem>> -> memref<1x32x128xf32, #tpu.memory_space<vmem>>
    %dma_wait3A_852 = tpu.memref_squeeze %dma_wait3A_851 : memref<1x32x128xf32, #tpu.memory_space<vmem>> -> memref<32x128xf32, #tpu.memory_space<vmem>>
    %dma_wait3A_853 = arith.constant 0 : i32
    %dma_wait3A_854 = arith.constant 0 : i32
    %dma_wait3A_855 = tpu.memref_slice %arg3[%dma_wait3A_853, %dma_wait3A_854] : memref<32x1000000xf32, #tpu.memory_space<hbm>> -> memref<32x128xf32, #tpu.memory_space<hbm>>
    tpu.wait_dma2 semaphore(%arg8 : memref<!tpu.dma_semaphore, #tpu.memory_space<semaphore_mem>>) src(%dma_wait3A_855 : memref<32x128xf32, #tpu.memory_space<hbm>>) dst(%dma_wait3A_852 : memref<32x128xf32, #tpu.memory_space<vmem>>)
    %get3A_856 = arith.constant 499 : index
    %get3A_857 = tpu.vector_load %arg5[%get3A_856] {strides = array<i32>} : memref<528xi32, #tpu.memory_space<vmem>>, vector<16xi32>,
    %slice3A_858 = vector.extract_strided_slice %get3A_857 {offsets = [0], sizes = [1], strides = [1]} : vector<16xi32> to vector<1xi32>
    %squeeze3A_859 = vector.extract %slice3A_858[0] : i32 from vector<1xi32>
    %rem3A_860 = arith.constant 128 : i32
    %rem3A_861 = arith.remsi %squeeze3A_859, %rem3A_860 : i32
    %broadcast_in_dim3A_862 = vector.broadcast %rem3A_861 : i32 to vector<16xi32>
    %broadcast_in_dim3A_863 = arith.constant 499 : i32
    %broadcast_in_dim3A_864 = vector.broadcast %broadcast_in_dim3A_863 : i32 to vector<16xi32>
    %add3A_865 = arith.constant 0 : i32
    %add3A_866 = vector.broadcast %add3A_865 : i32 to vector<16xi32>
    %add3A_867 = arith.addi %add3A_866, %iota3A : vector<16xi32>
    %gather3A_868 = arith.constant 3 : i32
    %gather3A_869 = arith.constant 0 : i32
    %gather3A_870 = arith.constant 0 : i32
    %gather3A_871 = tpu.memref_slice %arg6[%gather3A_868, %gather3A_869, %gather3A_870] : memref<16x32x128xf32, #tpu.memory_space<vmem>> -> memref<1x32x128xf32, #tpu.memory_space<vmem>>
    %gather3A_872 = tpu.memref_squeeze %gather3A_871 : memref<1x32x128xf32, #tpu.memory_space<vmem>> -> memref<32x128xf32, #tpu.memory_space<vmem>>
    %gather3A_873 = tpu.vector_load_idx %gather3A_872[%add3A_867, %broadcast_in_dim3A_862] : memref<32x128xf32, #tpu.memory_space<vmem>>[vector<16xi32>, vector<16xi32>], vector<16xf32>,
    %add3A_874 = arith.constant 0 : i32
    %add3A_875 = vector.broadcast %add3A_874 : i32 to vector<16xi32>
    %add3A_876 = arith.addi %add3A_875, %iota3A : vector<16xi32>
    tpu.vector_store_idx %arg7[%add3A_876, %broadcast_in_dim3A_864], %gather3A_873 : memref<32x512xf32, #tpu.memory_space<vmem>>[vector<16xi32>, vector<16xi32>], vector<16xf32>,
    %add3A_877 = arith.constant 16 : i32
    %add3A_878 = vector.broadcast %add3A_877 : i32 to vector<16xi32>
    %add3A_879 = arith.addi %add3A_878, %iota3A : vector<16xi32>
    %gather3A_880 = arith.constant 3 : i32
    %gather3A_881 = arith.constant 0 : i32
    %gather3A_882 = arith.constant 0 : i32
    %gather3A_883 = tpu.memref_slice %arg6[%gather3A_880, %gather3A_881, %gather3A_882] : memref<16x32x128xf32, #tpu.memory_space<vmem>> -> memref<1x32x128xf32, #tpu.memory_space<vmem>>
    %gather3A_884 = tpu.memref_squeeze %gather3A_883 : memref<1x32x128xf32, #tpu.memory_space<vmem>> -> memref<32x128xf32, #tpu.memory_space<vmem>>
    %gather3A_885 = tpu.vector_load_idx %gather3A_884[%add3A_879, %broadcast_in_dim3A_862] : memref<32x128xf32, #tpu.memory_space<vmem>>[vector<16xi32>, vector<16xi32>], vector<16xf32>,
    %add3A_886 = arith.constant 16 : i32
    %add3A_887 = vector.broadcast %add3A_886 : i32 to vector<16xi32>
    %add3A_888 = arith.addi %add3A_887, %iota3A : vector<16xi32>
    tpu.vector_store_idx %arg7[%add3A_888, %broadcast_in_dim3A_864], %gather3A_885 : memref<32x512xf32, #tpu.memory_space<vmem>>[vector<16xi32>, vector<16xi32>], vector<16xf32>,
    %dma_wait3A_889 = arith.constant 0 : i32
    %dma_wait3A_890 = arith.constant 0 : i32
    %dma_wait3A_891 = arith.constant 0 : i32
    %dma_wait3A_892 = tpu.memref_slice %arg6[%dma_wait3A_889, %dma_wait3A_890, %dma_wait3A_891] : memref<16x32x128xf32, #tpu.memory_space<vmem>> -> memref<1x32x128xf32, #tpu.memory_space<vmem>>
    %dma_wait3A_893 = tpu.memref_squeeze %dma_wait3A_892 : memref<1x32x128xf32, #tpu.memory_space<vmem>> -> memref<32x128xf32, #tpu.memory_space<vmem>>
    %dma_wait3A_894 = arith.constant 0 : i32
    %dma_wait3A_895 = arith.constant 0 : i32
    %dma_wait3A_896 = tpu.memref_slice %arg3[%dma_wait3A_894, %dma_wait3A_895] : memref<32x1000000xf32, #tpu.memory_space<hbm>> -> memref<32x128xf32, #tpu.memory_space<hbm>>
    %dma_wait3A_897 = arith.constant 0 : i32
    %dma_wait3A_898 = arith.constant 0 : i32
    %dma_wait3A_899 = tpu.memref_slice %arg6[%dma_wait3A_889, %dma_wait3A_897, %dma_wait3A_898] : memref<16x32x128xf32, #tpu.memory_space<vmem>> -> memref<1x32x128xf32, #tpu.memory_space<vmem>>
    %dma_wait3A_900 = tpu.memref_squeeze %dma_wait3A_899 : memref<1x32x128xf32, #tpu.memory_space<vmem>> -> memref<32x128xf32, #tpu.memory_space<vmem>>
    %dma_wait3A_901 = arith.constant 0 : i32
    %dma_wait3A_902 = arith.constant 0 : i32
    %dma_wait3A_903 = tpu.memref_slice %arg3[%dma_wait3A_901, %dma_wait3A_902] : memref<32x1000000xf32, #tpu.memory_space<hbm>> -> memref<32x128xf32, #tpu.memory_space<hbm>>
    tpu.wait_dma2 semaphore(%arg8 : memref<!tpu.dma_semaphore, #tpu.memory_space<semaphore_mem>>) src(%dma_wait3A_903 : memref<32x128xf32, #tpu.memory_space<hbm>>) dst(%dma_wait3A_900 : memref<32x128xf32, #tpu.memory_space<vmem>>)
    %get3A_904 = arith.constant 500 : index
    %get3A_905 = tpu.vector_load %arg5[%get3A_904] {strides = array<i32>} : memref<528xi32, #tpu.memory_space<vmem>>, vector<16xi32>,
    %slice3A_906 = vector.extract_strided_slice %get3A_905 {offsets = [0], sizes = [1], strides = [1]} : vector<16xi32> to vector<1xi32>
    %squeeze3A_907 = vector.extract %slice3A_906[0] : i32 from vector<1xi32>
    %rem3A_908 = arith.constant 128 : i32
    %rem3A_909 = arith.remsi %squeeze3A_907, %rem3A_908 : i32
    %broadcast_in_dim3A_910 = vector.broadcast %rem3A_909 : i32 to vector<16xi32>
    %broadcast_in_dim3A_911 = arith.constant 500 : i32
    %broadcast_in_dim3A_912 = vector.broadcast %broadcast_in_dim3A_911 : i32 to vector<16xi32>
    %add3A_913 = arith.constant 0 : i32
    %add3A_914 = vector.broadcast %add3A_913 : i32 to vector<16xi32>
    %add3A_915 = arith.addi %add3A_914, %iota3A : vector<16xi32>
    %gather3A_916 = arith.constant 4 : i32
    %gather3A_917 = arith.constant 0 : i32
    %gather3A_918 = arith.constant 0 : i32
    %gather3A_919 = tpu.memref_slice %arg6[%gather3A_916, %gather3A_917, %gather3A_918] : memref<16x32x128xf32, #tpu.memory_space<vmem>> -> memref<1x32x128xf32, #tpu.memory_space<vmem>>
    %gather3A_920 = tpu.memref_squeeze %gather3A_919 : memref<1x32x128xf32, #tpu.memory_space<vmem>> -> memref<32x128xf32, #tpu.memory_space<vmem>>
    %gather3A_921 = tpu.vector_load_idx %gather3A_920[%add3A_915, %broadcast_in_dim3A_910] : memref<32x128xf32, #tpu.memory_space<vmem>>[vector<16xi32>, vector<16xi32>], vector<16xf32>,
    %add3A_922 = arith.constant 0 : i32
    %add3A_923 = vector.broadcast %add3A_922 : i32 to vector<16xi32>
    %add3A_924 = arith.addi %add3A_923, %iota3A : vector<16xi32>
    tpu.vector_store_idx %arg7[%add3A_924, %broadcast_in_dim3A_912], %gather3A_921 : memref<32x512xf32, #tpu.memory_space<vmem>>[vector<16xi32>, vector<16xi32>], vector<16xf32>,
    %add3A_925 = arith.constant 16 : i32
    %add3A_926 = vector.broadcast %add3A_925 : i32 to vector<16xi32>
    %add3A_927 = arith.addi %add3A_926, %iota3A : vector<16xi32>
    %gather3A_928 = arith.constant 4 : i32
    %gather3A_929 = arith.constant 0 : i32
    %gather3A_930 = arith.constant 0 : i32
    %gather3A_931 = tpu.memref_slice %arg6[%gather3A_928, %gather3A_929, %gather3A_930] : memref<16x32x128xf32, #tpu.memory_space<vmem>> -> memref<1x32x128xf32, #tpu.memory_space<vmem>>
    %gather3A_932 = tpu.memref_squeeze %gather3A_931 : memref<1x32x128xf32, #tpu.memory_space<vmem>> -> memref<32x128xf32, #tpu.memory_space<vmem>>
    %gather3A_933 = tpu.vector_load_idx %gather3A_932[%add3A_927, %broadcast_in_dim3A_910] : memref<32x128xf32, #tpu.memory_space<vmem>>[vector<16xi32>, vector<16xi32>], vector<16xf32>,
    %add3A_934 = arith.constant 16 : i32
    %add3A_935 = vector.broadcast %add3A_934 : i32 to vector<16xi32>
    %add3A_936 = arith.addi %add3A_935, %iota3A : vector<16xi32>
    tpu.vector_store_idx %arg7[%add3A_936, %broadcast_in_dim3A_912], %gather3A_933 : memref<32x512xf32, #tpu.memory_space<vmem>>[vector<16xi32>, vector<16xi32>], vector<16xf32>,
    %dma_wait3A_937 = arith.constant 0 : i32
    %dma_wait3A_938 = arith.constant 0 : i32
    %dma_wait3A_939 = arith.constant 0 : i32
    %dma_wait3A_940 = tpu.memref_slice %arg6[%dma_wait3A_937, %dma_wait3A_938, %dma_wait3A_939] : memref<16x32x128xf32, #tpu.memory_space<vmem>> -> memref<1x32x128xf32, #tpu.memory_space<vmem>>
    %dma_wait3A_941 = tpu.memref_squeeze %dma_wait3A_940 : memref<1x32x128xf32, #tpu.memory_space<vmem>> -> memref<32x128xf32, #tpu.memory_space<vmem>>
    %dma_wait3A_942 = arith.constant 0 : i32
    %dma_wait3A_943 = arith.constant 0 : i32
    %dma_wait3A_944 = tpu.memref_slice %arg3[%dma_wait3A_942, %dma_wait3A_943] : memref<32x1000000xf32, #tpu.memory_space<hbm>> -> memref<32x128xf32, #tpu.memory_space<hbm>>
    %dma_wait3A_945 = arith.constant 0 : i32
    %dma_wait3A_946 = arith.constant 0 : i32
    %dma_wait3A_947 = tpu.memref_slice %arg6[%dma_wait3A_937, %dma_wait3A_945, %dma_wait3A_946] : memref<16x32x128xf32, #tpu.memory_space<vmem>> -> memref<1x32x128xf32, #tpu.memory_space<vmem>>
    %dma_wait3A_948 = tpu.memref_squeeze %dma_wait3A_947 : memref<1x32x128xf32, #tpu.memory_space<vmem>> -> memref<32x128xf32, #tpu.memory_space<vmem>>
    %dma_wait3A_949 = arith.constant 0 : i32
    %dma_wait3A_950 = arith.constant 0 : i32
    %dma_wait3A_951 = tpu.memref_slice %arg3[%dma_wait3A_949, %dma_wait3A_950] : memref<32x1000000xf32, #tpu.memory_space<hbm>> -> memref<32x128xf32, #tpu.memory_space<hbm>>
    tpu.wait_dma2 semaphore(%arg8 : memref<!tpu.dma_semaphore, #tpu.memory_space<semaphore_mem>>) src(%dma_wait3A_951 : memref<32x128xf32, #tpu.memory_space<hbm>>) dst(%dma_wait3A_948 : memref<32x128xf32, #tpu.memory_space<vmem>>)
    %get3A_952 = arith.constant 501 : index
    %get3A_953 = tpu.vector_load %arg5[%get3A_952] {strides = array<i32>} : memref<528xi32, #tpu.memory_space<vmem>>, vector<16xi32>,
    %slice3A_954 = vector.extract_strided_slice %get3A_953 {offsets = [0], sizes = [1], strides = [1]} : vector<16xi32> to vector<1xi32>
    %squeeze3A_955 = vector.extract %slice3A_954[0] : i32 from vector<1xi32>
    %rem3A_956 = arith.constant 128 : i32
    %rem3A_957 = arith.remsi %squeeze3A_955, %rem3A_956 : i32
    %broadcast_in_dim3A_958 = vector.broadcast %rem3A_957 : i32 to vector<16xi32>
    %broadcast_in_dim3A_959 = arith.constant 501 : i32
    %broadcast_in_dim3A_960 = vector.broadcast %broadcast_in_dim3A_959 : i32 to vector<16xi32>
    %add3A_961 = arith.constant 0 : i32
    %add3A_962 = vector.broadcast %add3A_961 : i32 to vector<16xi32>
    %add3A_963 = arith.addi %add3A_962, %iota3A : vector<16xi32>
    %gather3A_964 = arith.constant 5 : i32
    %gather3A_965 = arith.constant 0 : i32
    %gather3A_966 = arith.constant 0 : i32
    %gather3A_967 = tpu.memref_slice %arg6[%gather3A_964, %gather3A_965, %gather3A_966] : memref<16x32x128xf32, #tpu.memory_space<vmem>> -> memref<1x32x128xf32, #tpu.memory_space<vmem>>
    %gather3A_968 = tpu.memref_squeeze %gather3A_967 : memref<1x32x128xf32, #tpu.memory_space<vmem>> -> memref<32x128xf32, #tpu.memory_space<vmem>>
    %gather3A_969 = tpu.vector_load_idx %gather3A_968[%add3A_963, %broadcast_in_dim3A_958] : memref<32x128xf32, #tpu.memory_space<vmem>>[vector<16xi32>, vector<16xi32>], vector<16xf32>,
    %add3A_970 = arith.constant 0 : i32
    %add3A_971 = vector.broadcast %add3A_970 : i32 to vector<16xi32>
    %add3A_972 = arith.addi %add3A_971, %iota3A : vector<16xi32>
    tpu.vector_store_idx %arg7[%add3A_972, %broadcast_in_dim3A_960], %gather3A_969 : memref<32x512xf32, #tpu.memory_space<vmem>>[vector<16xi32>, vector<16xi32>], vector<16xf32>,
    %add3A_973 = arith.constant 16 : i32
    %add3A_974 = vector.broadcast %add3A_973 : i32 to vector<16xi32>
    %add3A_975 = arith.addi %add3A_974, %iota3A : vector<16xi32>
    %gather3A_976 = arith.constant 5 : i32
    %gather3A_977 = arith.constant 0 : i32
    %gather3A_978 = arith.constant 0 : i32
    %gather3A_979 = tpu.memref_slice %arg6[%gather3A_976, %gather3A_977, %gather3A_978] : memref<16x32x128xf32, #tpu.memory_space<vmem>> -> memref<1x32x128xf32, #tpu.memory_space<vmem>>
    %gather3A_980 = tpu.memref_squeeze %gather3A_979 : memref<1x32x128xf32, #tpu.memory_space<vmem>> -> memref<32x128xf32, #tpu.memory_space<vmem>>
    %gather3A_981 = tpu.vector_load_idx %gather3A_980[%add3A_975, %broadcast_in_dim3A_958] : memref<32x128xf32, #tpu.memory_space<vmem>>[vector<16xi32>, vector<16xi32>], vector<16xf32>,
    %add3A_982 = arith.constant 16 : i32
    %add3A_983 = vector.broadcast %add3A_982 : i32 to vector<16xi32>
    %add3A_984 = arith.addi %add3A_983, %iota3A : vector<16xi32>
    tpu.vector_store_idx %arg7[%add3A_984, %broadcast_in_dim3A_960], %gather3A_981 : memref<32x512xf32, #tpu.memory_space<vmem>>[vector<16xi32>, vector<16xi32>], vector<16xf32>,
    %dma_wait3A_985 = arith.constant 0 : i32
    %dma_wait3A_986 = arith.constant 0 : i32
    %dma_wait3A_987 = arith.constant 0 : i32
    %dma_wait3A_988 = tpu.memref_slice %arg6[%dma_wait3A_985, %dma_wait3A_986, %dma_wait3A_987] : memref<16x32x128xf32, #tpu.memory_space<vmem>> -> memref<1x32x128xf32, #tpu.memory_space<vmem>>
    %dma_wait3A_989 = tpu.memref_squeeze %dma_wait3A_988 : memref<1x32x128xf32, #tpu.memory_space<vmem>> -> memref<32x128xf32, #tpu.memory_space<vmem>>
    %dma_wait3A_990 = arith.constant 0 : i32
    %dma_wait3A_991 = arith.constant 0 : i32
    %dma_wait3A_992 = tpu.memref_slice %arg3[%dma_wait3A_990, %dma_wait3A_991] : memref<32x1000000xf32, #tpu.memory_space<hbm>> -> memref<32x128xf32, #tpu.memory_space<hbm>>
    %dma_wait3A_993 = arith.constant 0 : i32
    %dma_wait3A_994 = arith.constant 0 : i32
    %dma_wait3A_995 = tpu.memref_slice %arg6[%dma_wait3A_985, %dma_wait3A_993, %dma_wait3A_994] : memref<16x32x128xf32, #tpu.memory_space<vmem>> -> memref<1x32x128xf32, #tpu.memory_space<vmem>>
    %dma_wait3A_996 = tpu.memref_squeeze %dma_wait3A_995 : memref<1x32x128xf32, #tpu.memory_space<vmem>> -> memref<32x128xf32, #tpu.memory_space<vmem>>
    %dma_wait3A_997 = arith.constant 0 : i32
    %dma_wait3A_998 = arith.constant 0 : i32
    %dma_wait3A_999 = tpu.memref_slice %arg3[%dma_wait3A_997, %dma_wait3A_998] : memref<32x1000000xf32, #tpu.memory_space<hbm>> -> memref<32x128xf32, #tpu.memory_space<hbm>>
    tpu.wait_dma2 semaphore(%arg8 : memref<!tpu.dma_semaphore, #tpu.memory_space<semaphore_mem>>) src(%dma_wait3A_999 : memref<32x128xf32, #tpu.memory_space<hbm>>) dst(%dma_wait3A_996 : memref<32x128xf32, #tpu.memory_space<vmem>>)
    %get3A_1000 = arith.constant 502 : index
    %get3A_1001 = tpu.vector_load %arg5[%get3A_1000] {strides = array<i32>} : memref<528xi32, #tpu.memory_space<vmem>>, vector<16xi32>,
    %slice3A_1002 = vector.extract_strided_slice %get3A_1001 {offsets = [0], sizes = [1], strides = [1]} : vector<16xi32> to vector<1xi32>
    %squeeze3A_1003 = vector.extract %slice3A_1002[0] : i32 from vector<1xi32>
    %rem3A_1004 = arith.constant 128 : i32
    %rem3A_1005 = arith.remsi %squeeze3A_1003, %rem3A_1004 : i32
    %broadcast_in_dim3A_1006 = vector.broadcast %rem3A_1005 : i32 to vector<16xi32>
    %broadcast_in_dim3A_1007 = arith.constant 502 : i32
    %broadcast_in_dim3A_1008 = vector.broadcast %broadcast_in_dim3A_1007 : i32 to vector<16xi32>
    %add3A_1009 = arith.constant 0 : i32
    %add3A_1010 = vector.broadcast %add3A_1009 : i32 to vector<16xi32>
    %add3A_1011 = arith.addi %add3A_1010, %iota3A : vector<16xi32>
    %gather3A_1012 = arith.constant 6 : i32
    %gather3A_1013 = arith.constant 0 : i32
    %gather3A_1014 = arith.constant 0 : i32
    %gather3A_1015 = tpu.memref_slice %arg6[%gather3A_1012, %gather3A_1013, %gather3A_1014] : memref<16x32x128xf32, #tpu.memory_space<vmem>> -> memref<1x32x128xf32, #tpu.memory_space<vmem>>
    %gather3A_1016 = tpu.memref_squeeze %gather3A_1015 : memref<1x32x128xf32, #tpu.memory_space<vmem>> -> memref<32x128xf32, #tpu.memory_space<vmem>>
    %gather3A_1017 = tpu.vector_load_idx %gather3A_1016[%add3A_1011, %broadcast_in_dim3A_1006] : memref<32x128xf32, #tpu.memory_space<vmem>>[vector<16xi32>, vector<16xi32>], vector<16xf32>,
    %add3A_1018 = arith.constant 0 : i32
    %add3A_1019 = vector.broadcast %add3A_1018 : i32 to vector<16xi32>
    %add3A_1020 = arith.addi %add3A_1019, %iota3A : vector<16xi32>
    tpu.vector_store_idx %arg7[%add3A_1020, %broadcast_in_dim3A_1008], %gather3A_1017 : memref<32x512xf32, #tpu.memory_space<vmem>>[vector<16xi32>, vector<16xi32>], vector<16xf32>,
    %add3A_1021 = arith.constant 16 : i32
    %add3A_1022 = vector.broadcast %add3A_1021 : i32 to vector<16xi32>
    %add3A_1023 = arith.addi %add3A_1022, %iota3A : vector<16xi32>
    %gather3A_1024 = arith.constant 6 : i32
    %gather3A_1025 = arith.constant 0 : i32
    %gather3A_1026 = arith.constant 0 : i32
    %gather3A_1027 = tpu.memref_slice %arg6[%gather3A_1024, %gather3A_1025, %gather3A_1026] : memref<16x32x128xf32, #tpu.memory_space<vmem>> -> memref<1x32x128xf32, #tpu.memory_space<vmem>>
    %gather3A_1028 = tpu.memref_squeeze %gather3A_1027 : memref<1x32x128xf32, #tpu.memory_space<vmem>> -> memref<32x128xf32, #tpu.memory_space<vmem>>
    %gather3A_1029 = tpu.vector_load_idx %gather3A_1028[%add3A_1023, %broadcast_in_dim3A_1006] : memref<32x128xf32, #tpu.memory_space<vmem>>[vector<16xi32>, vector<16xi32>], vector<16xf32>,
    %add3A_1030 = arith.constant 16 : i32
    %add3A_1031 = vector.broadcast %add3A_1030 : i32 to vector<16xi32>
    %add3A_1032 = arith.addi %add3A_1031, %iota3A : vector<16xi32>
    tpu.vector_store_idx %arg7[%add3A_1032, %broadcast_in_dim3A_1008], %gather3A_1029 : memref<32x512xf32, #tpu.memory_space<vmem>>[vector<16xi32>, vector<16xi32>], vector<16xf32>,
    %dma_wait3A_1033 = arith.constant 0 : i32
    %dma_wait3A_1034 = arith.constant 0 : i32
    %dma_wait3A_1035 = arith.constant 0 : i32
    %dma_wait3A_1036 = tpu.memref_slice %arg6[%dma_wait3A_1033, %dma_wait3A_1034, %dma_wait3A_1035] : memref<16x32x128xf32, #tpu.memory_space<vmem>> -> memref<1x32x128xf32, #tpu.memory_space<vmem>>
    %dma_wait3A_1037 = tpu.memref_squeeze %dma_wait3A_1036 : memref<1x32x128xf32, #tpu.memory_space<vmem>> -> memref<32x128xf32, #tpu.memory_space<vmem>>
    %dma_wait3A_1038 = arith.constant 0 : i32
    %dma_wait3A_1039 = arith.constant 0 : i32
    %dma_wait3A_1040 = tpu.memref_slice %arg3[%dma_wait3A_1038, %dma_wait3A_1039] : memref<32x1000000xf32, #tpu.memory_space<hbm>> -> memref<32x128xf32, #tpu.memory_space<hbm>>
    %dma_wait3A_1041 = arith.constant 0 : i32
    %dma_wait3A_1042 = arith.constant 0 : i32
    %dma_wait3A_1043 = tpu.memref_slice %arg6[%dma_wait3A_1033, %dma_wait3A_1041, %dma_wait3A_1042] : memref<16x32x128xf32, #tpu.memory_space<vmem>> -> memref<1x32x128xf32, #tpu.memory_space<vmem>>
    %dma_wait3A_1044 = tpu.memref_squeeze %dma_wait3A_1043 : memref<1x32x128xf32, #tpu.memory_space<vmem>> -> memref<32x128xf32, #tpu.memory_space<vmem>>
    %dma_wait3A_1045 = arith.constant 0 : i32
    %dma_wait3A_1046 = arith.constant 0 : i32
    %dma_wait3A_1047 = tpu.memref_slice %arg3[%dma_wait3A_1045, %dma_wait3A_1046] : memref<32x1000000xf32, #tpu.memory_space<hbm>> -> memref<32x128xf32, #tpu.memory_space<hbm>>
    tpu.wait_dma2 semaphore(%arg8 : memref<!tpu.dma_semaphore, #tpu.memory_space<semaphore_mem>>) src(%dma_wait3A_1047 : memref<32x128xf32, #tpu.memory_space<hbm>>) dst(%dma_wait3A_1044 : memref<32x128xf32, #tpu.memory_space<vmem>>)
    %get3A_1048 = arith.constant 503 : index
    %get3A_1049 = tpu.vector_load %arg5[%get3A_1048] {strides = array<i32>} : memref<528xi32, #tpu.memory_space<vmem>>, vector<16xi32>,
    %slice3A_1050 = vector.extract_strided_slice %get3A_1049 {offsets = [0], sizes = [1], strides = [1]} : vector<16xi32> to vector<1xi32>
    %squeeze3A_1051 = vector.extract %slice3A_1050[0] : i32 from vector<1xi32>
    %rem3A_1052 = arith.constant 128 : i32
    %rem3A_1053 = arith.remsi %squeeze3A_1051, %rem3A_1052 : i32
    %broadcast_in_dim3A_1054 = vector.broadcast %rem3A_1053 : i32 to vector<16xi32>
    %broadcast_in_dim3A_1055 = arith.constant 503 : i32
    %broadcast_in_dim3A_1056 = vector.broadcast %broadcast_in_dim3A_1055 : i32 to vector<16xi32>
    %add3A_1057 = arith.constant 0 : i32
    %add3A_1058 = vector.broadcast %add3A_1057 : i32 to vector<16xi32>
    %add3A_1059 = arith.addi %add3A_1058, %iota3A : vector<16xi32>
    %gather3A_1060 = arith.constant 7 : i32
    %gather3A_1061 = arith.constant 0 : i32
    %gather3A_1062 = arith.constant 0 : i32
    %gather3A_1063 = tpu.memref_slice %arg6[%gather3A_1060, %gather3A_1061, %gather3A_1062] : memref<16x32x128xf32, #tpu.memory_space<vmem>> -> memref<1x32x128xf32, #tpu.memory_space<vmem>>
    %gather3A_1064 = tpu.memref_squeeze %gather3A_1063 : memref<1x32x128xf32, #tpu.memory_space<vmem>> -> memref<32x128xf32, #tpu.memory_space<vmem>>
    %gather3A_1065 = tpu.vector_load_idx %gather3A_1064[%add3A_1059, %broadcast_in_dim3A_1054] : memref<32x128xf32, #tpu.memory_space<vmem>>[vector<16xi32>, vector<16xi32>], vector<16xf32>,
    %add3A_1066 = arith.constant 0 : i32
    %add3A_1067 = vector.broadcast %add3A_1066 : i32 to vector<16xi32>
    %add3A_1068 = arith.addi %add3A_1067, %iota3A : vector<16xi32>
    tpu.vector_store_idx %arg7[%add3A_1068, %broadcast_in_dim3A_1056], %gather3A_1065 : memref<32x512xf32, #tpu.memory_space<vmem>>[vector<16xi32>, vector<16xi32>], vector<16xf32>,
    %add3A_1069 = arith.constant 16 : i32
    %add3A_1070 = vector.broadcast %add3A_1069 : i32 to vector<16xi32>
    %add3A_1071 = arith.addi %add3A_1070, %iota3A : vector<16xi32>
    %gather3A_1072 = arith.constant 7 : i32
    %gather3A_1073 = arith.constant 0 : i32
    %gather3A_1074 = arith.constant 0 : i32
    %gather3A_1075 = tpu.memref_slice %arg6[%gather3A_1072, %gather3A_1073, %gather3A_1074] : memref<16x32x128xf32, #tpu.memory_space<vmem>> -> memref<1x32x128xf32, #tpu.memory_space<vmem>>
    %gather3A_1076 = tpu.memref_squeeze %gather3A_1075 : memref<1x32x128xf32, #tpu.memory_space<vmem>> -> memref<32x128xf32, #tpu.memory_space<vmem>>
    %gather3A_1077 = tpu.vector_load_idx %gather3A_1076[%add3A_1071, %broadcast_in_dim3A_1054] : memref<32x128xf32, #tpu.memory_space<vmem>>[vector<16xi32>, vector<16xi32>], vector<16xf32>,
    %add3A_1078 = arith.constant 16 : i32
    %add3A_1079 = vector.broadcast %add3A_1078 : i32 to vector<16xi32>
    %add3A_1080 = arith.addi %add3A_1079, %iota3A : vector<16xi32>
    tpu.vector_store_idx %arg7[%add3A_1080, %broadcast_in_dim3A_1056], %gather3A_1077 : memref<32x512xf32, #tpu.memory_space<vmem>>[vector<16xi32>, vector<16xi32>], vector<16xf32>,
    %dma_wait3A_1081 = arith.constant 0 : i32
    %dma_wait3A_1082 = arith.constant 0 : i32
    %dma_wait3A_1083 = arith.constant 0 : i32
    %dma_wait3A_1084 = tpu.memref_slice %arg6[%dma_wait3A_1081, %dma_wait3A_1082, %dma_wait3A_1083] : memref<16x32x128xf32, #tpu.memory_space<vmem>> -> memref<1x32x128xf32, #tpu.memory_space<vmem>>
    %dma_wait3A_1085 = tpu.memref_squeeze %dma_wait3A_1084 : memref<1x32x128xf32, #tpu.memory_space<vmem>> -> memref<32x128xf32, #tpu.memory_space<vmem>>
    %dma_wait3A_1086 = arith.constant 0 : i32
    %dma_wait3A_1087 = arith.constant 0 : i32
    %dma_wait3A_1088 = tpu.memref_slice %arg3[%dma_wait3A_1086, %dma_wait3A_1087] : memref<32x1000000xf32, #tpu.memory_space<hbm>> -> memref<32x128xf32, #tpu.memory_space<hbm>>
    %dma_wait3A_1089 = arith.constant 0 : i32
    %dma_wait3A_1090 = arith.constant 0 : i32
    %dma_wait3A_1091 = tpu.memref_slice %arg6[%dma_wait3A_1081, %dma_wait3A_1089, %dma_wait3A_1090] : memref<16x32x128xf32, #tpu.memory_space<vmem>> -> memref<1x32x128xf32, #tpu.memory_space<vmem>>
    %dma_wait3A_1092 = tpu.memref_squeeze %dma_wait3A_1091 : memref<1x32x128xf32, #tpu.memory_space<vmem>> -> memref<32x128xf32, #tpu.memory_space<vmem>>
    %dma_wait3A_1093 = arith.constant 0 : i32
    %dma_wait3A_1094 = arith.constant 0 : i32
    %dma_wait3A_1095 = tpu.memref_slice %arg3[%dma_wait3A_1093, %dma_wait3A_1094] : memref<32x1000000xf32, #tpu.memory_space<hbm>> -> memref<32x128xf32, #tpu.memory_space<hbm>>
    tpu.wait_dma2 semaphore(%arg8 : memref<!tpu.dma_semaphore, #tpu.memory_space<semaphore_mem>>) src(%dma_wait3A_1095 : memref<32x128xf32, #tpu.memory_space<hbm>>) dst(%dma_wait3A_1092 : memref<32x128xf32, #tpu.memory_space<vmem>>)
    %get3A_1096 = arith.constant 504 : index
    %get3A_1097 = tpu.vector_load %arg5[%get3A_1096] {strides = array<i32>} : memref<528xi32, #tpu.memory_space<vmem>>, vector<16xi32>,
    %slice3A_1098 = vector.extract_strided_slice %get3A_1097 {offsets = [0], sizes = [1], strides = [1]} : vector<16xi32> to vector<1xi32>
    %squeeze3A_1099 = vector.extract %slice3A_1098[0] : i32 from vector<1xi32>
    %rem3A_1100 = arith.constant 128 : i32
    %rem3A_1101 = arith.remsi %squeeze3A_1099, %rem3A_1100 : i32
    %broadcast_in_dim3A_1102 = vector.broadcast %rem3A_1101 : i32 to vector<16xi32>
    %broadcast_in_dim3A_1103 = arith.constant 504 : i32
    %broadcast_in_dim3A_1104 = vector.broadcast %broadcast_in_dim3A_1103 : i32 to vector<16xi32>
    %add3A_1105 = arith.constant 0 : i32
    %add3A_1106 = vector.broadcast %add3A_1105 : i32 to vector<16xi32>
    %add3A_1107 = arith.addi %add3A_1106, %iota3A : vector<16xi32>
    %gather3A_1108 = arith.constant 8 : i32
    %gather3A_1109 = arith.constant 0 : i32
    %gather3A_1110 = arith.constant 0 : i32
    %gather3A_1111 = tpu.memref_slice %arg6[%gather3A_1108, %gather3A_1109, %gather3A_1110] : memref<16x32x128xf32, #tpu.memory_space<vmem>> -> memref<1x32x128xf32, #tpu.memory_space<vmem>>
    %gather3A_1112 = tpu.memref_squeeze %gather3A_1111 : memref<1x32x128xf32, #tpu.memory_space<vmem>> -> memref<32x128xf32, #tpu.memory_space<vmem>>
    %gather3A_1113 = tpu.vector_load_idx %gather3A_1112[%add3A_1107, %broadcast_in_dim3A_1102] : memref<32x128xf32, #tpu.memory_space<vmem>>[vector<16xi32>, vector<16xi32>], vector<16xf32>,
    %add3A_1114 = arith.constant 0 : i32
    %add3A_1115 = vector.broadcast %add3A_1114 : i32 to vector<16xi32>
    %add3A_1116 = arith.addi %add3A_1115, %iota3A : vector<16xi32>
    tpu.vector_store_idx %arg7[%add3A_1116, %broadcast_in_dim3A_1104], %gather3A_1113 : memref<32x512xf32, #tpu.memory_space<vmem>>[vector<16xi32>, vector<16xi32>], vector<16xf32>,
    %add3A_1117 = arith.constant 16 : i32
    %add3A_1118 = vector.broadcast %add3A_1117 : i32 to vector<16xi32>
    %add3A_1119 = arith.addi %add3A_1118, %iota3A : vector<16xi32>
    %gather3A_1120 = arith.constant 8 : i32
    %gather3A_1121 = arith.constant 0 : i32
    %gather3A_1122 = arith.constant 0 : i32
    %gather3A_1123 = tpu.memref_slice %arg6[%gather3A_1120, %gather3A_1121, %gather3A_1122] : memref<16x32x128xf32, #tpu.memory_space<vmem>> -> memref<1x32x128xf32, #tpu.memory_space<vmem>>
    %gather3A_1124 = tpu.memref_squeeze %gather3A_1123 : memref<1x32x128xf32, #tpu.memory_space<vmem>> -> memref<32x128xf32, #tpu.memory_space<vmem>>
    %gather3A_1125 = tpu.vector_load_idx %gather3A_1124[%add3A_1119, %broadcast_in_dim3A_1102] : memref<32x128xf32, #tpu.memory_space<vmem>>[vector<16xi32>, vector<16xi32>], vector<16xf32>,
    %add3A_1126 = arith.constant 16 : i32
    %add3A_1127 = vector.broadcast %add3A_1126 : i32 to vector<16xi32>
    %add3A_1128 = arith.addi %add3A_1127, %iota3A : vector<16xi32>
    tpu.vector_store_idx %arg7[%add3A_1128, %broadcast_in_dim3A_1104], %gather3A_1125 : memref<32x512xf32, #tpu.memory_space<vmem>>[vector<16xi32>, vector<16xi32>], vector<16xf32>,
    %dma_wait3A_1129 = arith.constant 0 : i32
    %dma_wait3A_1130 = arith.constant 0 : i32
    %dma_wait3A_1131 = arith.constant 0 : i32
    %dma_wait3A_1132 = tpu.memref_slice %arg6[%dma_wait3A_1129, %dma_wait3A_1130, %dma_wait3A_1131] : memref<16x32x128xf32, #tpu.memory_space<vmem>> -> memref<1x32x128xf32, #tpu.memory_space<vmem>>
    %dma_wait3A_1133 = tpu.memref_squeeze %dma_wait3A_1132 : memref<1x32x128xf32, #tpu.memory_space<vmem>> -> memref<32x128xf32, #tpu.memory_space<vmem>>
    %dma_wait3A_1134 = arith.constant 0 : i32
    %dma_wait3A_1135 = arith.constant 0 : i32
    %dma_wait3A_1136 = tpu.memref_slice %arg3[%dma_wait3A_1134, %dma_wait3A_1135] : memref<32x1000000xf32, #tpu.memory_space<hbm>> -> memref<32x128xf32, #tpu.memory_space<hbm>>
    %dma_wait3A_1137 = arith.constant 0 : i32
    %dma_wait3A_1138 = arith.constant 0 : i32
    %dma_wait3A_1139 = tpu.memref_slice %arg6[%dma_wait3A_1129, %dma_wait3A_1137, %dma_wait3A_1138] : memref<16x32x128xf32, #tpu.memory_space<vmem>> -> memref<1x32x128xf32, #tpu.memory_space<vmem>>
    %dma_wait3A_1140 = tpu.memref_squeeze %dma_wait3A_1139 : memref<1x32x128xf32, #tpu.memory_space<vmem>> -> memref<32x128xf32, #tpu.memory_space<vmem>>
    %dma_wait3A_1141 = arith.constant 0 : i32
    %dma_wait3A_1142 = arith.constant 0 : i32
    %dma_wait3A_1143 = tpu.memref_slice %arg3[%dma_wait3A_1141, %dma_wait3A_1142] : memref<32x1000000xf32, #tpu.memory_space<hbm>> -> memref<32x128xf32, #tpu.memory_space<hbm>>
    tpu.wait_dma2 semaphore(%arg8 : memref<!tpu.dma_semaphore, #tpu.memory_space<semaphore_mem>>) src(%dma_wait3A_1143 : memref<32x128xf32, #tpu.memory_space<hbm>>) dst(%dma_wait3A_1140 : memref<32x128xf32, #tpu.memory_space<vmem>>)
    %get3A_1144 = arith.constant 505 : index
    %get3A_1145 = tpu.vector_load %arg5[%get3A_1144] {strides = array<i32>} : memref<528xi32, #tpu.memory_space<vmem>>, vector<16xi32>,
    %slice3A_1146 = vector.extract_strided_slice %get3A_1145 {offsets = [0], sizes = [1], strides = [1]} : vector<16xi32> to vector<1xi32>
    %squeeze3A_1147 = vector.extract %slice3A_1146[0] : i32 from vector<1xi32>
    %rem3A_1148 = arith.constant 128 : i32
    %rem3A_1149 = arith.remsi %squeeze3A_1147, %rem3A_1148 : i32
    %broadcast_in_dim3A_1150 = vector.broadcast %rem3A_1149 : i32 to vector<16xi32>
    %broadcast_in_dim3A_1151 = arith.constant 505 : i32
    %broadcast_in_dim3A_1152 = vector.broadcast %broadcast_in_dim3A_1151 : i32 to vector<16xi32>
    %add3A_1153 = arith.constant 0 : i32
    %add3A_1154 = vector.broadcast %add3A_1153 : i32 to vector<16xi32>
    %add3A_1155 = arith.addi %add3A_1154, %iota3A : vector<16xi32>
    %gather3A_1156 = arith.constant 9 : i32
    %gather3A_1157 = arith.constant 0 : i32
    %gather3A_1158 = arith.constant 0 : i32
    %gather3A_1159 = tpu.memref_slice %arg6[%gather3A_1156, %gather3A_1157, %gather3A_1158] : memref<16x32x128xf32, #tpu.memory_space<vmem>> -> memref<1x32x128xf32, #tpu.memory_space<vmem>>
    %gather3A_1160 = tpu.memref_squeeze %gather3A_1159 : memref<1x32x128xf32, #tpu.memory_space<vmem>> -> memref<32x128xf32, #tpu.memory_space<vmem>>
    %gather3A_1161 = tpu.vector_load_idx %gather3A_1160[%add3A_1155, %broadcast_in_dim3A_1150] : memref<32x128xf32, #tpu.memory_space<vmem>>[vector<16xi32>, vector<16xi32>], vector<16xf32>,
    %add3A_1162 = arith.constant 0 : i32
    %add3A_1163 = vector.broadcast %add3A_1162 : i32 to vector<16xi32>
    %add3A_1164 = arith.addi %add3A_1163, %iota3A : vector<16xi32>
    tpu.vector_store_idx %arg7[%add3A_1164, %broadcast_in_dim3A_1152], %gather3A_1161 : memref<32x512xf32, #tpu.memory_space<vmem>>[vector<16xi32>, vector<16xi32>], vector<16xf32>,
    %add3A_1165 = arith.constant 16 : i32
    %add3A_1166 = vector.broadcast %add3A_1165 : i32 to vector<16xi32>
    %add3A_1167 = arith.addi %add3A_1166, %iota3A : vector<16xi32>
    %gather3A_1168 = arith.constant 9 : i32
    %gather3A_1169 = arith.constant 0 : i32
    %gather3A_1170 = arith.constant 0 : i32
    %gather3A_1171 = tpu.memref_slice %arg6[%gather3A_1168, %gather3A_1169, %gather3A_1170] : memref<16x32x128xf32, #tpu.memory_space<vmem>> -> memref<1x32x128xf32, #tpu.memory_space<vmem>>
    %gather3A_1172 = tpu.memref_squeeze %gather3A_1171 : memref<1x32x128xf32, #tpu.memory_space<vmem>> -> memref<32x128xf32, #tpu.memory_space<vmem>>
    %gather3A_1173 = tpu.vector_load_idx %gather3A_1172[%add3A_1167, %broadcast_in_dim3A_1150] : memref<32x128xf32, #tpu.memory_space<vmem>>[vector<16xi32>, vector<16xi32>], vector<16xf32>,
    %add3A_1174 = arith.constant 16 : i32
    %add3A_1175 = vector.broadcast %add3A_1174 : i32 to vector<16xi32>
    %add3A_1176 = arith.addi %add3A_1175, %iota3A : vector<16xi32>
    tpu.vector_store_idx %arg7[%add3A_1176, %broadcast_in_dim3A_1152], %gather3A_1173 : memref<32x512xf32, #tpu.memory_space<vmem>>[vector<16xi32>, vector<16xi32>], vector<16xf32>,
    %dma_wait3A_1177 = arith.constant 0 : i32
    %dma_wait3A_1178 = arith.constant 0 : i32
    %dma_wait3A_1179 = arith.constant 0 : i32
    %dma_wait3A_1180 = tpu.memref_slice %arg6[%dma_wait3A_1177, %dma_wait3A_1178, %dma_wait3A_1179] : memref<16x32x128xf32, #tpu.memory_space<vmem>> -> memref<1x32x128xf32, #tpu.memory_space<vmem>>
    %dma_wait3A_1181 = tpu.memref_squeeze %dma_wait3A_1180 : memref<1x32x128xf32, #tpu.memory_space<vmem>> -> memref<32x128xf32, #tpu.memory_space<vmem>>
    %dma_wait3A_1182 = arith.constant 0 : i32
    %dma_wait3A_1183 = arith.constant 0 : i32
    %dma_wait3A_1184 = tpu.memref_slice %arg3[%dma_wait3A_1182, %dma_wait3A_1183] : memref<32x1000000xf32, #tpu.memory_space<hbm>> -> memref<32x128xf32, #tpu.memory_space<hbm>>
    %dma_wait3A_1185 = arith.constant 0 : i32
    %dma_wait3A_1186 = arith.constant 0 : i32
    %dma_wait3A_1187 = tpu.memref_slice %arg6[%dma_wait3A_1177, %dma_wait3A_1185, %dma_wait3A_1186] : memref<16x32x128xf32, #tpu.memory_space<vmem>> -> memref<1x32x128xf32, #tpu.memory_space<vmem>>
    %dma_wait3A_1188 = tpu.memref_squeeze %dma_wait3A_1187 : memref<1x32x128xf32, #tpu.memory_space<vmem>> -> memref<32x128xf32, #tpu.memory_space<vmem>>
    %dma_wait3A_1189 = arith.constant 0 : i32
    %dma_wait3A_1190 = arith.constant 0 : i32
    %dma_wait3A_1191 = tpu.memref_slice %arg3[%dma_wait3A_1189, %dma_wait3A_1190] : memref<32x1000000xf32, #tpu.memory_space<hbm>> -> memref<32x128xf32, #tpu.memory_space<hbm>>
    tpu.wait_dma2 semaphore(%arg8 : memref<!tpu.dma_semaphore, #tpu.memory_space<semaphore_mem>>) src(%dma_wait3A_1191 : memref<32x128xf32, #tpu.memory_space<hbm>>) dst(%dma_wait3A_1188 : memref<32x128xf32, #tpu.memory_space<vmem>>)
    %get3A_1192 = arith.constant 506 : index
    %get3A_1193 = tpu.vector_load %arg5[%get3A_1192] {strides = array<i32>} : memref<528xi32, #tpu.memory_space<vmem>>, vector<16xi32>,
    %slice3A_1194 = vector.extract_strided_slice %get3A_1193 {offsets = [0], sizes = [1], strides = [1]} : vector<16xi32> to vector<1xi32>
    %squeeze3A_1195 = vector.extract %slice3A_1194[0] : i32 from vector<1xi32>
    %rem3A_1196 = arith.constant 128 : i32
    %rem3A_1197 = arith.remsi %squeeze3A_1195, %rem3A_1196 : i32
    %broadcast_in_dim3A_1198 = vector.broadcast %rem3A_1197 : i32 to vector<16xi32>
    %broadcast_in_dim3A_1199 = arith.constant 506 : i32
    %broadcast_in_dim3A_1200 = vector.broadcast %broadcast_in_dim3A_1199 : i32 to vector<16xi32>
    %add3A_1201 = arith.constant 0 : i32
    %add3A_1202 = vector.broadcast %add3A_1201 : i32 to vector<16xi32>
    %add3A_1203 = arith.addi %add3A_1202, %iota3A : vector<16xi32>
    %gather3A_1204 = arith.constant 10 : i32
    %gather3A_1205 = arith.constant 0 : i32
    %gather3A_1206 = arith.constant 0 : i32
    %gather3A_1207 = tpu.memref_slice %arg6[%gather3A_1204, %gather3A_1205, %gather3A_1206] : memref<16x32x128xf32, #tpu.memory_space<vmem>> -> memref<1x32x128xf32, #tpu.memory_space<vmem>>
    %gather3A_1208 = tpu.memref_squeeze %gather3A_1207 : memref<1x32x128xf32, #tpu.memory_space<vmem>> -> memref<32x128xf32, #tpu.memory_space<vmem>>
    %gather3A_1209 = tpu.vector_load_idx %gather3A_1208[%add3A_1203, %broadcast_in_dim3A_1198] : memref<32x128xf32, #tpu.memory_space<vmem>>[vector<16xi32>, vector<16xi32>], vector<16xf32>,
    %add3A_1210 = arith.constant 0 : i32
    %add3A_1211 = vector.broadcast %add3A_1210 : i32 to vector<16xi32>
    %add3A_1212 = arith.addi %add3A_1211, %iota3A : vector<16xi32>
    tpu.vector_store_idx %arg7[%add3A_1212, %broadcast_in_dim3A_1200], %gather3A_1209 : memref<32x512xf32, #tpu.memory_space<vmem>>[vector<16xi32>, vector<16xi32>], vector<16xf32>,
    %add3A_1213 = arith.constant 16 : i32
    %add3A_1214 = vector.broadcast %add3A_1213 : i32 to vector<16xi32>
    %add3A_1215 = arith.addi %add3A_1214, %iota3A : vector<16xi32>
    %gather3A_1216 = arith.constant 10 : i32
    %gather3A_1217 = arith.constant 0 : i32
    %gather3A_1218 = arith.constant 0 : i32
    %gather3A_1219 = tpu.memref_slice %arg6[%gather3A_1216, %gather3A_1217, %gather3A_1218] : memref<16x32x128xf32, #tpu.memory_space<vmem>> -> memref<1x32x128xf32, #tpu.memory_space<vmem>>
    %gather3A_1220 = tpu.memref_squeeze %gather3A_1219 : memref<1x32x128xf32, #tpu.memory_space<vmem>> -> memref<32x128xf32, #tpu.memory_space<vmem>>
    %gather3A_1221 = tpu.vector_load_idx %gather3A_1220[%add3A_1215, %broadcast_in_dim3A_1198] : memref<32x128xf32, #tpu.memory_space<vmem>>[vector<16xi32>, vector<16xi32>], vector<16xf32>,
    %add3A_1222 = arith.constant 16 : i32
    %add3A_1223 = vector.broadcast %add3A_1222 : i32 to vector<16xi32>
    %add3A_1224 = arith.addi %add3A_1223, %iota3A : vector<16xi32>
    tpu.vector_store_idx %arg7[%add3A_1224, %broadcast_in_dim3A_1200], %gather3A_1221 : memref<32x512xf32, #tpu.memory_space<vmem>>[vector<16xi32>, vector<16xi32>], vector<16xf32>,
    %dma_wait3A_1225 = arith.constant 0 : i32
    %dma_wait3A_1226 = arith.constant 0 : i32
    %dma_wait3A_1227 = arith.constant 0 : i32
    %dma_wait3A_1228 = tpu.memref_slice %arg6[%dma_wait3A_1225, %dma_wait3A_1226, %dma_wait3A_1227] : memref<16x32x128xf32, #tpu.memory_space<vmem>> -> memref<1x32x128xf32, #tpu.memory_space<vmem>>
    %dma_wait3A_1229 = tpu.memref_squeeze %dma_wait3A_1228 : memref<1x32x128xf32, #tpu.memory_space<vmem>> -> memref<32x128xf32, #tpu.memory_space<vmem>>
    %dma_wait3A_1230 = arith.constant 0 : i32
    %dma_wait3A_1231 = arith.constant 0 : i32
    %dma_wait3A_1232 = tpu.memref_slice %arg3[%dma_wait3A_1230, %dma_wait3A_1231] : memref<32x1000000xf32, #tpu.memory_space<hbm>> -> memref<32x128xf32, #tpu.memory_space<hbm>>
    %dma_wait3A_1233 = arith.constant 0 : i32
    %dma_wait3A_1234 = arith.constant 0 : i32
    %dma_wait3A_1235 = tpu.memref_slice %arg6[%dma_wait3A_1225, %dma_wait3A_1233, %dma_wait3A_1234] : memref<16x32x128xf32, #tpu.memory_space<vmem>> -> memref<1x32x128xf32, #tpu.memory_space<vmem>>
    %dma_wait3A_1236 = tpu.memref_squeeze %dma_wait3A_1235 : memref<1x32x128xf32, #tpu.memory_space<vmem>> -> memref<32x128xf32, #tpu.memory_space<vmem>>
    %dma_wait3A_1237 = arith.constant 0 : i32
    %dma_wait3A_1238 = arith.constant 0 : i32
    %dma_wait3A_1239 = tpu.memref_slice %arg3[%dma_wait3A_1237, %dma_wait3A_1238] : memref<32x1000000xf32, #tpu.memory_space<hbm>> -> memref<32x128xf32, #tpu.memory_space<hbm>>
    tpu.wait_dma2 semaphore(%arg8 : memref<!tpu.dma_semaphore, #tpu.memory_space<semaphore_mem>>) src(%dma_wait3A_1239 : memref<32x128xf32, #tpu.memory_space<hbm>>) dst(%dma_wait3A_1236 : memref<32x128xf32, #tpu.memory_space<vmem>>)
    %get3A_1240 = arith.constant 507 : index
    %get3A_1241 = tpu.vector_load %arg5[%get3A_1240] {strides = array<i32>} : memref<528xi32, #tpu.memory_space<vmem>>, vector<16xi32>,
    %slice3A_1242 = vector.extract_strided_slice %get3A_1241 {offsets = [0], sizes = [1], strides = [1]} : vector<16xi32> to vector<1xi32>
    %squeeze3A_1243 = vector.extract %slice3A_1242[0] : i32 from vector<1xi32>
    %rem3A_1244 = arith.constant 128 : i32
    %rem3A_1245 = arith.remsi %squeeze3A_1243, %rem3A_1244 : i32
    %broadcast_in_dim3A_1246 = vector.broadcast %rem3A_1245 : i32 to vector<16xi32>
    %broadcast_in_dim3A_1247 = arith.constant 507 : i32
    %broadcast_in_dim3A_1248 = vector.broadcast %broadcast_in_dim3A_1247 : i32 to vector<16xi32>
    %add3A_1249 = arith.constant 0 : i32
    %add3A_1250 = vector.broadcast %add3A_1249 : i32 to vector<16xi32>
    %add3A_1251 = arith.addi %add3A_1250, %iota3A : vector<16xi32>
    %gather3A_1252 = arith.constant 11 : i32
    %gather3A_1253 = arith.constant 0 : i32
    %gather3A_1254 = arith.constant 0 : i32
    %gather3A_1255 = tpu.memref_slice %arg6[%gather3A_1252, %gather3A_1253, %gather3A_1254] : memref<16x32x128xf32, #tpu.memory_space<vmem>> -> memref<1x32x128xf32, #tpu.memory_space<vmem>>
    %gather3A_1256 = tpu.memref_squeeze %gather3A_1255 : memref<1x32x128xf32, #tpu.memory_space<vmem>> -> memref<32x128xf32, #tpu.memory_space<vmem>>
    %gather3A_1257 = tpu.vector_load_idx %gather3A_1256[%add3A_1251, %broadcast_in_dim3A_1246] : memref<32x128xf32, #tpu.memory_space<vmem>>[vector<16xi32>, vector<16xi32>], vector<16xf32>,
    %add3A_1258 = arith.constant 0 : i32
    %add3A_1259 = vector.broadcast %add3A_1258 : i32 to vector<16xi32>
    %add3A_1260 = arith.addi %add3A_1259, %iota3A : vector<16xi32>
    tpu.vector_store_idx %arg7[%add3A_1260, %broadcast_in_dim3A_1248], %gather3A_1257 : memref<32x512xf32, #tpu.memory_space<vmem>>[vector<16xi32>, vector<16xi32>], vector<16xf32>,
    %add3A_1261 = arith.constant 16 : i32
    %add3A_1262 = vector.broadcast %add3A_1261 : i32 to vector<16xi32>
    %add3A_1263 = arith.addi %add3A_1262, %iota3A : vector<16xi32>
    %gather3A_1264 = arith.constant 11 : i32
    %gather3A_1265 = arith.constant 0 : i32
    %gather3A_1266 = arith.constant 0 : i32
    %gather3A_1267 = tpu.memref_slice %arg6[%gather3A_1264, %gather3A_1265, %gather3A_1266] : memref<16x32x128xf32, #tpu.memory_space<vmem>> -> memref<1x32x128xf32, #tpu.memory_space<vmem>>
    %gather3A_1268 = tpu.memref_squeeze %gather3A_1267 : memref<1x32x128xf32, #tpu.memory_space<vmem>> -> memref<32x128xf32, #tpu.memory_space<vmem>>
    %gather3A_1269 = tpu.vector_load_idx %gather3A_1268[%add3A_1263, %broadcast_in_dim3A_1246] : memref<32x128xf32, #tpu.memory_space<vmem>>[vector<16xi32>, vector<16xi32>], vector<16xf32>,
    %add3A_1270 = arith.constant 16 : i32
    %add3A_1271 = vector.broadcast %add3A_1270 : i32 to vector<16xi32>
    %add3A_1272 = arith.addi %add3A_1271, %iota3A : vector<16xi32>
    tpu.vector_store_idx %arg7[%add3A_1272, %broadcast_in_dim3A_1248], %gather3A_1269 : memref<32x512xf32, #tpu.memory_space<vmem>>[vector<16xi32>, vector<16xi32>], vector<16xf32>,
    %dma_wait3A_1273 = arith.constant 0 : i32
    %dma_wait3A_1274 = arith.constant 0 : i32
    %dma_wait3A_1275 = arith.constant 0 : i32
    %dma_wait3A_1276 = tpu.memref_slice %arg6[%dma_wait3A_1273, %dma_wait3A_1274, %dma_wait3A_1275] : memref<16x32x128xf32, #tpu.memory_space<vmem>> -> memref<1x32x128xf32, #tpu.memory_space<vmem>>
    %dma_wait3A_1277 = tpu.memref_squeeze %dma_wait3A_1276 : memref<1x32x128xf32, #tpu.memory_space<vmem>> -> memref<32x128xf32, #tpu.memory_space<vmem>>
    %dma_wait3A_1278 = arith.constant 0 : i32
    %dma_wait3A_1279 = arith.constant 0 : i32
    %dma_wait3A_1280 = tpu.memref_slice %arg3[%dma_wait3A_1278, %dma_wait3A_1279] : memref<32x1000000xf32, #tpu.memory_space<hbm>> -> memref<32x128xf32, #tpu.memory_space<hbm>>
    %dma_wait3A_1281 = arith.constant 0 : i32
    %dma_wait3A_1282 = arith.constant 0 : i32
    %dma_wait3A_1283 = tpu.memref_slice %arg6[%dma_wait3A_1273, %dma_wait3A_1281, %dma_wait3A_1282] : memref<16x32x128xf32, #tpu.memory_space<vmem>> -> memref<1x32x128xf32, #tpu.memory_space<vmem>>
    %dma_wait3A_1284 = tpu.memref_squeeze %dma_wait3A_1283 : memref<1x32x128xf32, #tpu.memory_space<vmem>> -> memref<32x128xf32, #tpu.memory_space<vmem>>
    %dma_wait3A_1285 = arith.constant 0 : i32
    %dma_wait3A_1286 = arith.constant 0 : i32
    %dma_wait3A_1287 = tpu.memref_slice %arg3[%dma_wait3A_1285, %dma_wait3A_1286] : memref<32x1000000xf32, #tpu.memory_space<hbm>> -> memref<32x128xf32, #tpu.memory_space<hbm>>
    tpu.wait_dma2 semaphore(%arg8 : memref<!tpu.dma_semaphore, #tpu.memory_space<semaphore_mem>>) src(%dma_wait3A_1287 : memref<32x128xf32, #tpu.memory_space<hbm>>) dst(%dma_wait3A_1284 : memref<32x128xf32, #tpu.memory_space<vmem>>)
    %get3A_1288 = arith.constant 508 : index
    %get3A_1289 = tpu.vector_load %arg5[%get3A_1288] {strides = array<i32>} : memref<528xi32, #tpu.memory_space<vmem>>, vector<16xi32>,
    %slice3A_1290 = vector.extract_strided_slice %get3A_1289 {offsets = [0], sizes = [1], strides = [1]} : vector<16xi32> to vector<1xi32>
    %squeeze3A_1291 = vector.extract %slice3A_1290[0] : i32 from vector<1xi32>
    %rem3A_1292 = arith.constant 128 : i32
    %rem3A_1293 = arith.remsi %squeeze3A_1291, %rem3A_1292 : i32
    %broadcast_in_dim3A_1294 = vector.broadcast %rem3A_1293 : i32 to vector<16xi32>
    %broadcast_in_dim3A_1295 = arith.constant 508 : i32
    %broadcast_in_dim3A_1296 = vector.broadcast %broadcast_in_dim3A_1295 : i32 to vector<16xi32>
    %add3A_1297 = arith.constant 0 : i32
    %add3A_1298 = vector.broadcast %add3A_1297 : i32 to vector<16xi32>
    %add3A_1299 = arith.addi %add3A_1298, %iota3A : vector<16xi32>
    %gather3A_1300 = arith.constant 12 : i32
    %gather3A_1301 = arith.constant 0 : i32
    %gather3A_1302 = arith.constant 0 : i32
    %gather3A_1303 = tpu.memref_slice %arg6[%gather3A_1300, %gather3A_1301, %gather3A_1302] : memref<16x32x128xf32, #tpu.memory_space<vmem>> -> memref<1x32x128xf32, #tpu.memory_space<vmem>>
    %gather3A_1304 = tpu.memref_squeeze %gather3A_1303 : memref<1x32x128xf32, #tpu.memory_space<vmem>> -> memref<32x128xf32, #tpu.memory_space<vmem>>
    %gather3A_1305 = tpu.vector_load_idx %gather3A_1304[%add3A_1299, %broadcast_in_dim3A_1294] : memref<32x128xf32, #tpu.memory_space<vmem>>[vector<16xi32>, vector<16xi32>], vector<16xf32>,
    %add3A_1306 = arith.constant 0 : i32
    %add3A_1307 = vector.broadcast %add3A_1306 : i32 to vector<16xi32>
    %add3A_1308 = arith.addi %add3A_1307, %iota3A : vector<16xi32>
    tpu.vector_store_idx %arg7[%add3A_1308, %broadcast_in_dim3A_1296], %gather3A_1305 : memref<32x512xf32, #tpu.memory_space<vmem>>[vector<16xi32>, vector<16xi32>], vector<16xf32>,
    %add3A_1309 = arith.constant 16 : i32
    %add3A_1310 = vector.broadcast %add3A_1309 : i32 to vector<16xi32>
    %add3A_1311 = arith.addi %add3A_1310, %iota3A : vector<16xi32>
    %gather3A_1312 = arith.constant 12 : i32
    %gather3A_1313 = arith.constant 0 : i32
    %gather3A_1314 = arith.constant 0 : i32
    %gather3A_1315 = tpu.memref_slice %arg6[%gather3A_1312, %gather3A_1313, %gather3A_1314] : memref<16x32x128xf32, #tpu.memory_space<vmem>> -> memref<1x32x128xf32, #tpu.memory_space<vmem>>
    %gather3A_1316 = tpu.memref_squeeze %gather3A_1315 : memref<1x32x128xf32, #tpu.memory_space<vmem>> -> memref<32x128xf32, #tpu.memory_space<vmem>>
    %gather3A_1317 = tpu.vector_load_idx %gather3A_1316[%add3A_1311, %broadcast_in_dim3A_1294] : memref<32x128xf32, #tpu.memory_space<vmem>>[vector<16xi32>, vector<16xi32>], vector<16xf32>,
    %add3A_1318 = arith.constant 16 : i32
    %add3A_1319 = vector.broadcast %add3A_1318 : i32 to vector<16xi32>
    %add3A_1320 = arith.addi %add3A_1319, %iota3A : vector<16xi32>
    tpu.vector_store_idx %arg7[%add3A_1320, %broadcast_in_dim3A_1296], %gather3A_1317 : memref<32x512xf32, #tpu.memory_space<vmem>>[vector<16xi32>, vector<16xi32>], vector<16xf32>,
    %dma_wait3A_1321 = arith.constant 0 : i32
    %dma_wait3A_1322 = arith.constant 0 : i32
    %dma_wait3A_1323 = arith.constant 0 : i32
    %dma_wait3A_1324 = tpu.memref_slice %arg6[%dma_wait3A_1321, %dma_wait3A_1322, %dma_wait3A_1323] : memref<16x32x128xf32, #tpu.memory_space<vmem>> -> memref<1x32x128xf32, #tpu.memory_space<vmem>>
    %dma_wait3A_1325 = tpu.memref_squeeze %dma_wait3A_1324 : memref<1x32x128xf32, #tpu.memory_space<vmem>> -> memref<32x128xf32, #tpu.memory_space<vmem>>
    %dma_wait3A_1326 = arith.constant 0 : i32
    %dma_wait3A_1327 = arith.constant 0 : i32
    %dma_wait3A_1328 = tpu.memref_slice %arg3[%dma_wait3A_1326, %dma_wait3A_1327] : memref<32x1000000xf32, #tpu.memory_space<hbm>> -> memref<32x128xf32, #tpu.memory_space<hbm>>
    %dma_wait3A_1329 = arith.constant 0 : i32
    %dma_wait3A_1330 = arith.constant 0 : i32
    %dma_wait3A_1331 = tpu.memref_slice %arg6[%dma_wait3A_1321, %dma_wait3A_1329, %dma_wait3A_1330] : memref<16x32x128xf32, #tpu.memory_space<vmem>> -> memref<1x32x128xf32, #tpu.memory_space<vmem>>
    %dma_wait3A_1332 = tpu.memref_squeeze %dma_wait3A_1331 : memref<1x32x128xf32, #tpu.memory_space<vmem>> -> memref<32x128xf32, #tpu.memory_space<vmem>>
    %dma_wait3A_1333 = arith.constant 0 : i32
    %dma_wait3A_1334 = arith.constant 0 : i32
    %dma_wait3A_1335 = tpu.memref_slice %arg3[%dma_wait3A_1333, %dma_wait3A_1334] : memref<32x1000000xf32, #tpu.memory_space<hbm>> -> memref<32x128xf32, #tpu.memory_space<hbm>>
    tpu.wait_dma2 semaphore(%arg8 : memref<!tpu.dma_semaphore, #tpu.memory_space<semaphore_mem>>) src(%dma_wait3A_1335 : memref<32x128xf32, #tpu.memory_space<hbm>>) dst(%dma_wait3A_1332 : memref<32x128xf32, #tpu.memory_space<vmem>>)
    %get3A_1336 = arith.constant 509 : index
    %get3A_1337 = tpu.vector_load %arg5[%get3A_1336] {strides = array<i32>} : memref<528xi32, #tpu.memory_space<vmem>>, vector<16xi32>,
    %slice3A_1338 = vector.extract_strided_slice %get3A_1337 {offsets = [0], sizes = [1], strides = [1]} : vector<16xi32> to vector<1xi32>
    %squeeze3A_1339 = vector.extract %slice3A_1338[0] : i32 from vector<1xi32>
    %rem3A_1340 = arith.constant 128 : i32
    %rem3A_1341 = arith.remsi %squeeze3A_1339, %rem3A_1340 : i32
    %broadcast_in_dim3A_1342 = vector.broadcast %rem3A_1341 : i32 to vector<16xi32>
    %broadcast_in_dim3A_1343 = arith.constant 509 : i32
    %broadcast_in_dim3A_1344 = vector.broadcast %broadcast_in_dim3A_1343 : i32 to vector<16xi32>
    %add3A_1345 = arith.constant 0 : i32
    %add3A_1346 = vector.broadcast %add3A_1345 : i32 to vector<16xi32>
    %add3A_1347 = arith.addi %add3A_1346, %iota3A : vector<16xi32>
    %gather3A_1348 = arith.constant 13 : i32
    %gather3A_1349 = arith.constant 0 : i32
    %gather3A_1350 = arith.constant 0 : i32
    %gather3A_1351 = tpu.memref_slice %arg6[%gather3A_1348, %gather3A_1349, %gather3A_1350] : memref<16x32x128xf32, #tpu.memory_space<vmem>> -> memref<1x32x128xf32, #tpu.memory_space<vmem>>
    %gather3A_1352 = tpu.memref_squeeze %gather3A_1351 : memref<1x32x128xf32, #tpu.memory_space<vmem>> -> memref<32x128xf32, #tpu.memory_space<vmem>>
    %gather3A_1353 = tpu.vector_load_idx %gather3A_1352[%add3A_1347, %broadcast_in_dim3A_1342] : memref<32x128xf32, #tpu.memory_space<vmem>>[vector<16xi32>, vector<16xi32>], vector<16xf32>,
    %add3A_1354 = arith.constant 0 : i32
    %add3A_1355 = vector.broadcast %add3A_1354 : i32 to vector<16xi32>
    %add3A_1356 = arith.addi %add3A_1355, %iota3A : vector<16xi32>
    tpu.vector_store_idx %arg7[%add3A_1356, %broadcast_in_dim3A_1344], %gather3A_1353 : memref<32x512xf32, #tpu.memory_space<vmem>>[vector<16xi32>, vector<16xi32>], vector<16xf32>,
    %add3A_1357 = arith.constant 16 : i32
    %add3A_1358 = vector.broadcast %add3A_1357 : i32 to vector<16xi32>
    %add3A_1359 = arith.addi %add3A_1358, %iota3A : vector<16xi32>
    %gather3A_1360 = arith.constant 13 : i32
    %gather3A_1361 = arith.constant 0 : i32
    %gather3A_1362 = arith.constant 0 : i32
    %gather3A_1363 = tpu.memref_slice %arg6[%gather3A_1360, %gather3A_1361, %gather3A_1362] : memref<16x32x128xf32, #tpu.memory_space<vmem>> -> memref<1x32x128xf32, #tpu.memory_space<vmem>>
    %gather3A_1364 = tpu.memref_squeeze %gather3A_1363 : memref<1x32x128xf32, #tpu.memory_space<vmem>> -> memref<32x128xf32, #tpu.memory_space<vmem>>
    %gather3A_1365 = tpu.vector_load_idx %gather3A_1364[%add3A_1359, %broadcast_in_dim3A_1342] : memref<32x128xf32, #tpu.memory_space<vmem>>[vector<16xi32>, vector<16xi32>], vector<16xf32>,
    %add3A_1366 = arith.constant 16 : i32
    %add3A_1367 = vector.broadcast %add3A_1366 : i32 to vector<16xi32>
    %add3A_1368 = arith.addi %add3A_1367, %iota3A : vector<16xi32>
    tpu.vector_store_idx %arg7[%add3A_1368, %broadcast_in_dim3A_1344], %gather3A_1365 : memref<32x512xf32, #tpu.memory_space<vmem>>[vector<16xi32>, vector<16xi32>], vector<16xf32>,
    %dma_wait3A_1369 = arith.constant 0 : i32
    %dma_wait3A_1370 = arith.constant 0 : i32
    %dma_wait3A_1371 = arith.constant 0 : i32
    %dma_wait3A_1372 = tpu.memref_slice %arg6[%dma_wait3A_1369, %dma_wait3A_1370, %dma_wait3A_1371] : memref<16x32x128xf32, #tpu.memory_space<vmem>> -> memref<1x32x128xf32, #tpu.memory_space<vmem>>
    %dma_wait3A_1373 = tpu.memref_squeeze %dma_wait3A_1372 : memref<1x32x128xf32, #tpu.memory_space<vmem>> -> memref<32x128xf32, #tpu.memory_space<vmem>>
    %dma_wait3A_1374 = arith.constant 0 : i32
    %dma_wait3A_1375 = arith.constant 0 : i32
    %dma_wait3A_1376 = tpu.memref_slice %arg3[%dma_wait3A_1374, %dma_wait3A_1375] : memref<32x1000000xf32, #tpu.memory_space<hbm>> -> memref<32x128xf32, #tpu.memory_space<hbm>>
    %dma_wait3A_1377 = arith.constant 0 : i32
    %dma_wait3A_1378 = arith.constant 0 : i32
    %dma_wait3A_1379 = tpu.memref_slice %arg6[%dma_wait3A_1369, %dma_wait3A_1377, %dma_wait3A_1378] : memref<16x32x128xf32, #tpu.memory_space<vmem>> -> memref<1x32x128xf32, #tpu.memory_space<vmem>>
    %dma_wait3A_1380 = tpu.memref_squeeze %dma_wait3A_1379 : memref<1x32x128xf32, #tpu.memory_space<vmem>> -> memref<32x128xf32, #tpu.memory_space<vmem>>
    %dma_wait3A_1381 = arith.constant 0 : i32
    %dma_wait3A_1382 = arith.constant 0 : i32
    %dma_wait3A_1383 = tpu.memref_slice %arg3[%dma_wait3A_1381, %dma_wait3A_1382] : memref<32x1000000xf32, #tpu.memory_space<hbm>> -> memref<32x128xf32, #tpu.memory_space<hbm>>
    tpu.wait_dma2 semaphore(%arg8 : memref<!tpu.dma_semaphore, #tpu.memory_space<semaphore_mem>>) src(%dma_wait3A_1383 : memref<32x128xf32, #tpu.memory_space<hbm>>) dst(%dma_wait3A_1380 : memref<32x128xf32, #tpu.memory_space<vmem>>)
    %get3A_1384 = arith.constant 510 : index
    %get3A_1385 = tpu.vector_load %arg5[%get3A_1384] {strides = array<i32>} : memref<528xi32, #tpu.memory_space<vmem>>, vector<16xi32>,
    %slice3A_1386 = vector.extract_strided_slice %get3A_1385 {offsets = [0], sizes = [1], strides = [1]} : vector<16xi32> to vector<1xi32>
    %squeeze3A_1387 = vector.extract %slice3A_1386[0] : i32 from vector<1xi32>
    %rem3A_1388 = arith.constant 128 : i32
    %rem3A_1389 = arith.remsi %squeeze3A_1387, %rem3A_1388 : i32
    %broadcast_in_dim3A_1390 = vector.broadcast %rem3A_1389 : i32 to vector<16xi32>
    %broadcast_in_dim3A_1391 = arith.constant 510 : i32
    %broadcast_in_dim3A_1392 = vector.broadcast %broadcast_in_dim3A_1391 : i32 to vector<16xi32>
    %add3A_1393 = arith.constant 0 : i32
    %add3A_1394 = vector.broadcast %add3A_1393 : i32 to vector<16xi32>
    %add3A_1395 = arith.addi %add3A_1394, %iota3A : vector<16xi32>
    %gather3A_1396 = arith.constant 14 : i32
    %gather3A_1397 = arith.constant 0 : i32
    %gather3A_1398 = arith.constant 0 : i32
    %gather3A_1399 = tpu.memref_slice %arg6[%gather3A_1396, %gather3A_1397, %gather3A_1398] : memref<16x32x128xf32, #tpu.memory_space<vmem>> -> memref<1x32x128xf32, #tpu.memory_space<vmem>>
    %gather3A_1400 = tpu.memref_squeeze %gather3A_1399 : memref<1x32x128xf32, #tpu.memory_space<vmem>> -> memref<32x128xf32, #tpu.memory_space<vmem>>
    %gather3A_1401 = tpu.vector_load_idx %gather3A_1400[%add3A_1395, %broadcast_in_dim3A_1390] : memref<32x128xf32, #tpu.memory_space<vmem>>[vector<16xi32>, vector<16xi32>], vector<16xf32>,
    %add3A_1402 = arith.constant 0 : i32
    %add3A_1403 = vector.broadcast %add3A_1402 : i32 to vector<16xi32>
    %add3A_1404 = arith.addi %add3A_1403, %iota3A : vector<16xi32>
    tpu.vector_store_idx %arg7[%add3A_1404, %broadcast_in_dim3A_1392], %gather3A_1401 : memref<32x512xf32, #tpu.memory_space<vmem>>[vector<16xi32>, vector<16xi32>], vector<16xf32>,
    %add3A_1405 = arith.constant 16 : i32
    %add3A_1406 = vector.broadcast %add3A_1405 : i32 to vector<16xi32>
    %add3A_1407 = arith.addi %add3A_1406, %iota3A : vector<16xi32>
    %gather3A_1408 = arith.constant 14 : i32
    %gather3A_1409 = arith.constant 0 : i32
    %gather3A_1410 = arith.constant 0 : i32
    %gather3A_1411 = tpu.memref_slice %arg6[%gather3A_1408, %gather3A_1409, %gather3A_1410] : memref<16x32x128xf32, #tpu.memory_space<vmem>> -> memref<1x32x128xf32, #tpu.memory_space<vmem>>
    %gather3A_1412 = tpu.memref_squeeze %gather3A_1411 : memref<1x32x128xf32, #tpu.memory_space<vmem>> -> memref<32x128xf32, #tpu.memory_space<vmem>>
    %gather3A_1413 = tpu.vector_load_idx %gather3A_1412[%add3A_1407, %broadcast_in_dim3A_1390] : memref<32x128xf32, #tpu.memory_space<vmem>>[vector<16xi32>, vector<16xi32>], vector<16xf32>,
    %add3A_1414 = arith.constant 16 : i32
    %add3A_1415 = vector.broadcast %add3A_1414 : i32 to vector<16xi32>
    %add3A_1416 = arith.addi %add3A_1415, %iota3A : vector<16xi32>
    tpu.vector_store_idx %arg7[%add3A_1416, %broadcast_in_dim3A_1392], %gather3A_1413 : memref<32x512xf32, #tpu.memory_space<vmem>>[vector<16xi32>, vector<16xi32>], vector<16xf32>,
    %dma_wait3A_1417 = arith.constant 0 : i32
    %dma_wait3A_1418 = arith.constant 0 : i32
    %dma_wait3A_1419 = arith.constant 0 : i32
    %dma_wait3A_1420 = tpu.memref_slice %arg6[%dma_wait3A_1417, %dma_wait3A_1418, %dma_wait3A_1419] : memref<16x32x128xf32, #tpu.memory_space<vmem>> -> memref<1x32x128xf32, #tpu.memory_space<vmem>>
    %dma_wait3A_1421 = tpu.memref_squeeze %dma_wait3A_1420 : memref<1x32x128xf32, #tpu.memory_space<vmem>> -> memref<32x128xf32, #tpu.memory_space<vmem>>
    %dma_wait3A_1422 = arith.constant 0 : i32
    %dma_wait3A_1423 = arith.constant 0 : i32
    %dma_wait3A_1424 = tpu.memref_slice %arg3[%dma_wait3A_1422, %dma_wait3A_1423] : memref<32x1000000xf32, #tpu.memory_space<hbm>> -> memref<32x128xf32, #tpu.memory_space<hbm>>
    %dma_wait3A_1425 = arith.constant 0 : i32
    %dma_wait3A_1426 = arith.constant 0 : i32
    %dma_wait3A_1427 = tpu.memref_slice %arg6[%dma_wait3A_1417, %dma_wait3A_1425, %dma_wait3A_1426] : memref<16x32x128xf32, #tpu.memory_space<vmem>> -> memref<1x32x128xf32, #tpu.memory_space<vmem>>
    %dma_wait3A_1428 = tpu.memref_squeeze %dma_wait3A_1427 : memref<1x32x128xf32, #tpu.memory_space<vmem>> -> memref<32x128xf32, #tpu.memory_space<vmem>>
    %dma_wait3A_1429 = arith.constant 0 : i32
    %dma_wait3A_1430 = arith.constant 0 : i32
    %dma_wait3A_1431 = tpu.memref_slice %arg3[%dma_wait3A_1429, %dma_wait3A_1430] : memref<32x1000000xf32, #tpu.memory_space<hbm>> -> memref<32x128xf32, #tpu.memory_space<hbm>>
    tpu.wait_dma2 semaphore(%arg8 : memref<!tpu.dma_semaphore, #tpu.memory_space<semaphore_mem>>) src(%dma_wait3A_1431 : memref<32x128xf32, #tpu.memory_space<hbm>>) dst(%dma_wait3A_1428 : memref<32x128xf32, #tpu.memory_space<vmem>>)
    %get3A_1432 = arith.constant 511 : index
    %get3A_1433 = tpu.vector_load %arg5[%get3A_1432] {strides = array<i32>} : memref<528xi32, #tpu.memory_space<vmem>>, vector<16xi32>,
    %slice3A_1434 = vector.extract_strided_slice %get3A_1433 {offsets = [0], sizes = [1], strides = [1]} : vector<16xi32> to vector<1xi32>
    %squeeze3A_1435 = vector.extract %slice3A_1434[0] : i32 from vector<1xi32>
    %rem3A_1436 = arith.constant 128 : i32
    %rem3A_1437 = arith.remsi %squeeze3A_1435, %rem3A_1436 : i32
    %broadcast_in_dim3A_1438 = vector.broadcast %rem3A_1437 : i32 to vector<16xi32>
    %broadcast_in_dim3A_1439 = arith.constant 511 : i32
    %broadcast_in_dim3A_1440 = vector.broadcast %broadcast_in_dim3A_1439 : i32 to vector<16xi32>
    %add3A_1441 = arith.constant 0 : i32
    %add3A_1442 = vector.broadcast %add3A_1441 : i32 to vector<16xi32>
    %add3A_1443 = arith.addi %add3A_1442, %iota3A : vector<16xi32>
    %gather3A_1444 = arith.constant 15 : i32
    %gather3A_1445 = arith.constant 0 : i32
    %gather3A_1446 = arith.constant 0 : i32
    %gather3A_1447 = tpu.memref_slice %arg6[%gather3A_1444, %gather3A_1445, %gather3A_1446] : memref<16x32x128xf32, #tpu.memory_space<vmem>> -> memref<1x32x128xf32, #tpu.memory_space<vmem>>
    %gather3A_1448 = tpu.memref_squeeze %gather3A_1447 : memref<1x32x128xf32, #tpu.memory_space<vmem>> -> memref<32x128xf32, #tpu.memory_space<vmem>>
    %gather3A_1449 = tpu.vector_load_idx %gather3A_1448[%add3A_1443, %broadcast_in_dim3A_1438] : memref<32x128xf32, #tpu.memory_space<vmem>>[vector<16xi32>, vector<16xi32>], vector<16xf32>,
    %add3A_1450 = arith.constant 0 : i32
    %add3A_1451 = vector.broadcast %add3A_1450 : i32 to vector<16xi32>
    %add3A_1452 = arith.addi %add3A_1451, %iota3A : vector<16xi32>
    tpu.vector_store_idx %arg7[%add3A_1452, %broadcast_in_dim3A_1440], %gather3A_1449 : memref<32x512xf32, #tpu.memory_space<vmem>>[vector<16xi32>, vector<16xi32>], vector<16xf32>,
    %add3A_1453 = arith.constant 16 : i32
    %add3A_1454 = vector.broadcast %add3A_1453 : i32 to vector<16xi32>
    %add3A_1455 = arith.addi %add3A_1454, %iota3A : vector<16xi32>
    %gather3A_1456 = arith.constant 15 : i32
    %gather3A_1457 = arith.constant 0 : i32
    %gather3A_1458 = arith.constant 0 : i32
    %gather3A_1459 = tpu.memref_slice %arg6[%gather3A_1456, %gather3A_1457, %gather3A_1458] : memref<16x32x128xf32, #tpu.memory_space<vmem>> -> memref<1x32x128xf32, #tpu.memory_space<vmem>>
    %gather3A_1460 = tpu.memref_squeeze %gather3A_1459 : memref<1x32x128xf32, #tpu.memory_space<vmem>> -> memref<32x128xf32, #tpu.memory_space<vmem>>
    %gather3A_1461 = tpu.vector_load_idx %gather3A_1460[%add3A_1455, %broadcast_in_dim3A_1438] : memref<32x128xf32, #tpu.memory_space<vmem>>[vector<16xi32>, vector<16xi32>], vector<16xf32>,
    %add3A_1462 = arith.constant 16 : i32
    %add3A_1463 = vector.broadcast %add3A_1462 : i32 to vector<16xi32>
    %add3A_1464 = arith.addi %add3A_1463, %iota3A : vector<16xi32>
    tpu.vector_store_idx %arg7[%add3A_1464, %broadcast_in_dim3A_1440], %gather3A_1461 : memref<32x512xf32, #tpu.memory_space<vmem>>[vector<16xi32>, vector<16xi32>], vector<16xf32>,
    "tpu.region"() ({
      %run_scoped3A = tpu.sem_alloc : memref<!tpu.dma_semaphore, #tpu.memory_space<semaphore_mem>>
      %dma_start3A_1465 = arith.constant 0 : i32
      %dma_start3A_1466 = tpu.memref_slice %arg4[%dma_start3A_1465, %mul3A_2] : memref<32x16384xf32, #tpu.memory_space<hbm>> -> memref<32x512xf32, #tpu.memory_space<hbm>>
      %dma_start3A_1467 = arith.constant 0 : i32
      %dma_start3A_1468 = tpu.memref_slice %arg4[%dma_start3A_1467, %mul3A_2] : memref<32x16384xf32, #tpu.memory_space<hbm>> -> memref<32x512xf32, #tpu.memory_space<hbm>>
      tpu.enqueue_dma source(%arg7 : memref<32x512xf32, #tpu.memory_space<vmem>>) target(%dma_start3A_1468 : memref<32x512xf32, #tpu.memory_space<hbm>>) target_semaphore(%run_scoped3A : memref<!tpu.dma_semaphore, #tpu.memory_space<semaphore_mem>>)
      %dma_wait3A_1469 = arith.constant 0 : i32
      %dma_wait3A_1470 = tpu.memref_slice %arg4[%dma_wait3A_1469, %mul3A_2] : memref<32x16384xf32, #tpu.memory_space<hbm>> -> memref<32x512xf32, #tpu.memory_space<hbm>>
      %dma_wait3A_1471 = arith.constant 0 : i32
      %dma_wait3A_1472 = tpu.memref_slice %arg4[%dma_wait3A_1471, %mul3A_2] : memref<32x16384xf32, #tpu.memory_space<hbm>> -> memref<32x512xf32, #tpu.memory_space<hbm>>
      tpu.wait_dma2 semaphore(%run_scoped3A : memref<!tpu.dma_semaphore, #tpu.memory_space<semaphore_mem>>) src(%arg7 : memref<32x512xf32, #tpu.memory_space<vmem>>) dst(%dma_wait3A_1472 : memref<32x512xf32, #tpu.memory_space<hbm>>)
      tpu.yield
    }) : () -> ()
    return
  }
}

</mosaic_0001>

<sc_bundles>
// kernel: kernel.3.cloned.1.call-start
scs
__scs_entry_jumppad:
0x0: {  	(pc) =	sbr.rel $0x88, $3  }
0x1: {  	(tag) =	ssettag $0x0;
	lr =	simm.s32 $0x1  }
0x2: {  	[smem:$0x3F9F] =	sst lr;
	_ =	strace $0xD0000000  }
0x3: {  	_ = 	snop  }
0x4: {  	_ = 	snop  }
0x5: {  	_ = 	snop  }
0x6: {  	_ = 	snop  }
0x7: {  	_ = 	snop  }
__scs_overlays_trampoline_lowered:
0x8: {  	[smem:$0x3FAE] =	sst s0  }
0x9: {  	[smem:$0x3FAF] =	sst s1  }
0xa: {  	[smem:$0x3FB0] =	sst s2  }
0xb: {  	[smem:$0x3FB1] =	sst s3  }
0xc: {  	[smem:$0x3FB2] =	sst s4  }
0xd: {  	[smem:$0x3FB3] =	sst s5  }
0xe: {  	[smem:$0x3FB4] =	sst s6  }
0xf: {  	[smem:$0x3FB5] =	sst s7  }
0x10: {  	[smem:$0x3FB6] =	sst s8  }
0x11: {  	[smem:$0x3FB7] =	sst s9;
	s0 =	simm.s32 @!p0 $0x0  }
0x12: {  	s1 =	sld [smem:$0x3F9D];
	s0 =	simm.s32 @p0 $0x1  }
0x13: {  	[smem:$0x3FB8] =	sst s0;
	s0 =	simm.s32 @!p1 $0x0  }
0x14: {  	s2 =	sld [smem:$0x3F9C];
	s0 =	simm.s32 @p1 $0x1  }
0x15: {  	[smem:$0x3FB9] =	sst s0;
	s0 =	simm.s32 @!p2 $0x0  }
0x16: {  	s3 =	sld [smem:$0x3FDB];
	s0 =	simm.s32 @p2 $0x1  }
0x17: {  	s4 =	simm.s32 $0x1BF5;
	[smem:$0x3FBB] =	sst s0  }
0x18: {  	s0 =	sld [smem:$0x3F9E];
	_ =	swait.ge [sflag:s4], $0x0  }
0x19: {  	s7 =	sld [smem:$0x3F9F]  }
0x1a: {  	s8 =	sadd.s32 $0xFFFFE003, lr  }
0x1b: {  	s9 =	sadd.s32 $0xFFFFFEF7, lr;
	s5 =	simm.s32 $0xFFFFFFFF;
	p2 =	slt.u32 s8, $0xFFFFF086  }
0x1c: {  	p1 =	slt.u32 s9, $0xF7A;
	s5 =	simm.s32 @!p2 $0x0  }
0x1d: {  	s5 =	simm.s32 @p1 $0x1;
	p0 =	seq.s32 s7, s2  }
0x1e: {  	s7 =	smul.u32 @!p0 $0xF7A, s2;
	p2 =	seq.s32 @!p0 s5, $0x0  }
0x1f: {  	s9 =	smul.u32 $0xF7A, s1;
	s8 =	simm.s32 @!p0 $0x1BF5;
	p2 =	por !p2, p0  }
0x20: {  	[sflag:s8] =	ssyncset.s32 @!p0 $0xFFFFF086;
	s6 =	sadd.s32 @!p0 s3, s7;
	s7 =	simm.s32 @!p0 $0x108  }
0x21: {  	s3 =	sadd.s32 s3, s9;
	s6 =	sadd.s32 @!p0 $0x88, s6;
	s7 =	simm.s32 @p2 $0x1082  }
0x22: {  	[simem:s7], [sflag:s8] =	dma.local @!p0 [hbm:s6], $0xF7A  }
0x23: {  	s9 =	sor.u32 $0xD0000000, s2;
	s6 =	simm.s32 $0x108;
	_ =	swait.ge @!p0 [sflag:s8], $0x0  }
0x24: {  	s3 =	sadd.s32 $0x88, s3;
	s6 =	simm.s32 @!p1 $0x1082;
	[sflag:s4] =	ssyncset.s32 $0xFFFFF086  }
0x25: {  	[simem:s6], [sflag:s4] =	dma.local [hbm:s3], $0xF7A  }
0x26: {  	[smem:$0x3F9F] =	sst s1;
	(tag) =	ssettag s2;
	_ =	strace s9  }
0x27: {  	s1 =	sld [smem:$0x3FAF]  }
0x28: {  	s2 =	sld [smem:$0x3FB0]  }
0x29: {  	s4 =	sld [smem:$0x3FB2]  }
0x2a: {  	p0 =	seq.s32 s5, $0x0;
	s5 =	sld [smem:$0x3FB3]  }
0x2b: {  	s6 =	sld [smem:$0x3FB4]  }
0x2c: {  	s7 =	sld [smem:$0x3FB5]  }
0x2d: {  	s3 =	simm.s32 $0x108;
	s8 =	sld [smem:$0x3FB6]  }
0x2e: {  	s3 =	simm.s32 @!p0 $0x1082;
	s9 =	sld [smem:$0x3FB7]  }
0x2f: {  	lr =	sadd.s32 s0, s3;
	s0 =	sld [smem:$0x3FAE]  }
0x30: {  	s3 =	sld [smem:$0x3FB1]  }
0x31: {  	[smem:$0x3FBA] =	sst s10  }
0x32: {  	s10 =	sld [smem:$0x3FB8];
	_ =	sdelay $0x3  }
0x33: {  	p0 =	seq.s32 s10, $0x1;
	s10 =	sld [smem:$0x3FBA];
	_ =	sdelay $0x3  }
0x34: {  	[smem:$0x3FBA] =	sst s10  }
0x35: {  	s10 =	sld [smem:$0x3FB9];
	_ =	sdelay $0x3  }
0x36: {  	p1 =	seq.s32 s10, $0x1;
	s10 =	sld [smem:$0x3FBA];
	_ =	sdelay $0x3  }
0x37: {  	[smem:$0x3FBA] =	sst s10  }
0x38: {  	s10 =	sld [smem:$0x3FBB]  }
0x39: {  	_ = 	snop;
	(pc) =	sbr.ind lr, $3  }
0x3a: {  	_ = 	snop  }
0x3b: {  	_ = 	snop  }
0x3c: {  	p2 =	seq.s32 s10, $0x1;
	s10 =	sld [smem:$0x3FBA]  }
0x3d: {  	_ =	shalt  }
0x3e: {  	_ =	shalt  }
0x3f: {  	_ =	shalt  }
0x40: {  	_ =	shalt  }
0x41: {  	_ =	shalt  }
0x42: {  	_ =	shalt  }
0x43: {  	_ =	shalt  }
0x44: {  	_ =	shalt  }
0x45: {  	_ =	shalt  }
0x46: {  	_ =	shalt  }
0x47: {  	_ =	shalt  }
0x48: {  	_ =	shalt  }
0x49: {  	_ =	shalt  }
0x4a: {  	_ =	shalt  }
0x4b: {  	_ =	shalt  }
0x4c: {  	_ =	shalt  }
0x4d: {  	_ =	shalt  }
0x4e: {  	_ =	shalt  }
0x4f: {  	_ =	shalt  }
0x50: {  	_ =	shalt  }
0x51: {  	_ =	shalt  }
0x52: {  	_ =	shalt  }
0x53: {  	_ =	shalt  }
0x54: {  	_ =	shalt  }
0x55: {  	_ =	shalt  }
0x56: {  	_ =	shalt  }
0x57: {  	_ =	shalt  }
0x58: {  	_ =	shalt  }
0x59: {  	_ =	shalt  }
0x5a: {  	_ =	shalt  }
0x5b: {  	_ =	shalt  }
0x5c: {  	_ =	shalt  }
0x5d: {  	_ =	shalt  }
0x5e: {  	_ =	shalt  }
0x5f: {  	_ =	shalt  }
0x60: {  	_ =	shalt  }
0x61: {  	_ =	shalt  }
0x62: {  	_ =	shalt  }
0x63: {  	_ =	shalt  }
0x64: {  	_ =	shalt  }
0x65: {  	_ =	shalt  }
0x66: {  	_ =	shalt  }
0x67: {  	_ =	shalt  }
0x68: {  	_ =	shalt  }
0x69: {  	_ =	shalt  }
0x6a: {  	_ =	shalt  }
0x6b: {  	_ =	shalt  }
0x6c: {  	_ =	shalt  }
0x6d: {  	_ =	shalt  }
0x6e: {  	_ =	shalt  }
0x6f: {  	_ =	shalt  }
0x70: {  	_ =	shalt  }
0x71: {  	_ =	shalt  }
0x72: {  	_ =	shalt  }
0x73: {  	_ =	shalt  }
0x74: {  	_ =	shalt  }
0x75: {  	_ =	shalt  }
0x76: {  	_ =	shalt  }
0x77: {  	_ =	shalt  }
0x78: {  	_ =	shalt  }
0x79: {  	_ =	shalt  }
0x7a: {  	_ =	shalt  }
0x7b: {  	_ =	shalt  }
0x7c: {  	_ =	shalt  }
0x7d: {  	_ =	shalt  }
0x7e: {  	_ =	shalt  }
0x7f: {  	_ =	shalt  }
0x80: {  	_ =	shalt  }
0x81: {  	_ =	shalt  }
0x82: {  	_ =	shalt  }
0x83: {  	_ =	shalt  }
0x84: {  	_ =	shalt  }
0x85: {  	_ =	shalt  }
0x86: {  	_ =	shalt  }
0x87: {  	_ =	shalt  }
.Lfunc_end0:
.L_simem_size_0:
called_computation_lowered:
.L_overlay_start_0:
0x88: {  	s2 =	sld [smem:$0x3FD9]  }
0x89: {  	s3 =	sld [smem:$0x3FFE];
	_ =	sdelay $0x1  }
0x8a: {  	s1 =	srdreg.scid  }
0x8b: {  	s0 =	sand.u32 $0x1, s1  }
0x8c: {  	s18 =	sshll.u32 s0, $0xA;
	s2 =	sadd.s32 s3, s2  }
0x8d: {  	s2 =	sadd.s32 s2, s18  }
0x8e: {  	[smem:$0x3FC6] =	sst s2  }
0x8f: {  	_ = 	snop  }
0x90: {  	s2 =	sld [smem:$0x3FC9]  }
0x91: {  	s19 =	sld [smem:$0x3FC8]  }
0x92: {  	s4 =	sld [smem:$0x3FD0];
	(tm) =	ssettm $0x1  }
0x93: {  	s5 =	sld [smem:$0x3FFB];
	_ =	sdelay $0x3  }
0x94: {  	_ =	strace s5  }
0x95: {  	s5 =	sld [smem:$0x3FFC];
	_ =	sdelay $0x3  }
0x96: {  	_ =	strace s5  }
0x97: {  	s5 =	sld [smem:$0x3FFD];
	_ =	sdelay $0x3  }
0x98: {  	_ =	strace s5  }
0x99: {  	_ =	strace $0x8FFFFFFF  }
0x9a: {  	s20 =	sld [smem:$0x3FDB];
	_ =	sdelay $0x1  }
0x9b: {  	s6 =	simm.s32 $_scs_section_size  }
0x9c: {  	s7 =	simm.s32 $_size__tile_overlayer_lowered;
	s8 =	simm.s32 $_tile_overlayer_lowered  }
0x9d: {  	s23 =	simm.s32 $0x1BFF;
	s22 =	sshll.u32 s8, $0x1;
	s5 =	sadd.s32 s6, s20  }
0x9e: {  	s9 =	simm.s32 $0x0;
	s21 =	sshll.u32 s7, $0x1;
	s7 =	sadd.s32 s22, s5  }
0x9f: {  	[timem:s9], [sflag:s23] =	dma.local [hbm:s7], s21  }
0xa0: {  	_ =	swait.ge [sflag:s23], s21  }
0xa1: {  	s6 =	ssub.s32 $0x0, s21;
	[sflag:s23] =	ssyncset.done $0x0  }
0xa2: {  	[sflag:s23] =	ssyncadd.s32 s6;
	_ =	sdelay $0x1  }
0xa3: {  	s24 =	simm.s32 $0x1B8B  }
0xa4: {  	_ =	swait.ge [sflag:s24], $0x1  }
0xa5: {  	[sflag:s24] =	ssyncset.done $0x0  }
0xa6: {  	s25 =	simm.s32 $0x1B8E;
	[sflag:s24] =	ssyncadd.s32 $0xFFFFFFFF  }
0xa7: {  	s26 =	simm.s32 $execute0_lowered;
	[smem:$0x3FD2] =	sst s25  }
0xa8: {  	s6 =	sshll.u32 s26, $0x1;
	_ =	strace $0x80000046;
	[dreg:$0x1] =	wrdreg $0xFFFFFFFF  }
0xa9: {  	s28 =	simm.s32 $_size_execute0_lowered;
	s5 =	sadd.s32 s5, s6;
	[dreg:$0x0] =	wrdreg $0x0  }
0xaa: {  	s6 =	sshll.u32 s28, $0x1;
	[dreg:$0x2] =	wrdreg s5  }
0xab: {  	[dreg:$0x3] =	wrdreg s6  }
0xac: {  	[dreg:$0x4] =	wrdreg $0xC0  }
0xad: {  	_ =	task [dreg:s9], $0x5FFFF  }
0xae: {  	[dreg:$0x1] =	wrdreg $0xFFFFFFFF  }
0xaf: {  	[dreg:$0x0] =	wrdreg $0x60  }
0xb0: {  	[dreg:$0x2] =	wrdreg s2  }
0xb1: {  	[dreg:$0x3] =	wrdreg s19  }
0xb2: {  	[dreg:$0x4] =	wrdreg s4  }
0xb3: {  	[dreg:$0x5] =	wrdreg $0x9  }
0xb4: {  	_ =	task.clear_ibuf [dreg:s9], $0x6FFFF;
	_ =	strace $0x90000046  }
0xb5: {  	s29 =	simm.s32 $0x9;
	_ =	strace $0x80000048  }
0xb6: {  	_ =	swait.ge [sflag:s29], $0x1  }
0xb7: {  	[sflag:s29] =	ssyncadd.s32 $0xFFFFFFFF  }
0xb8: {  	_ =	strace $0x90000048  }
0xb9: {  	_ =	sfence  }
0xba: {  	s30 =	sld [smem:$0x0];
	_ =	sdelay $0x2  }
0xbb: {  	s31 =	sshll.u32 s1, $0xD;
	s1 =	sshrl.u32 s1, $0x2  }
0xbc: {  	s3 =	sand.u32 $0x4000, s31;
	s1 =	sadd.s32 s1, s30  }
0xbd: {  	s0 =	sor.u32 s3, s0;
	s1 =	sshll.u32 s1, $0x11  }
0xbe: {  	s0 =	sor.u32 s1, s0  }
0xbf: {  	s0 =	sadd.s32 $0x8F2B, s0  }
0xc0: {  	[sflag:s0] =	ssyncadd.remote.s32 $0x1  }
0xc1: {  	_ =	sfence.sel $0xFFFF  }
0xc2: {  	[dreg:$0x0] =	wrdreg $0xFFFFFFFF;
	(pc) =	sbr.abs _section_cstart, $3  }
0xc3: {  	[dreg:$0x1] =	wrdreg $0xFFFFFFFF  }
0xc4: {  	_ =	task.clear_ibuf [dreg:s9], $0x2FFFF;
	_ =	strace $0x9FFFFFFF  }
0xc5: {  	(tm) =	ssettm $0x7FFFFFFF  }
tec
execute0_lowered:
.L_overlay_start_1:
0x0: {  	(tag) =	ssettag $0x1  }
0x1: {  	v0 =	vimm.s32 $0x1380  }
0x2: {  	vm14 =	vcmask $0x300;
	vm13 =	vcmask $0x704;
	vm12 =	vcmask $0xB08  }
0x3: {  	vm11 =	vcmask $0xF0C;
	vm10 =	vcmask $0x1310;
	vm9 =	vcmask $0x1714  }
0x4: {  	vm8 =	vcmask $0x1B18;
	vm7 =	vcmask $0x1F1C;
	vm6 =	vcmask $0x2320  }
0x5: {  	vm5 =	vcmask $0x2724;
	vm4 =	vcmask $0x2B28;
	vm3 =	vcmask $0x2F2C  }
0x6: {  	v1 =	vlaneseq.u32;
	vm2 =	vcmask $0x3330;
	vm1 =	vcmask $0x3734  }
0x7: {  	vm0 =	vcmask $0x3B38;
	v3 =	vimm.s32 $0x3380;
	v4 =	vimm.s32 $0x1FF0  }
0x8: {  	v5 =	vimm.s32 $0x3FF0;
	v6 =	vimm.s32 $0x1FF1;
	v7 =	vimm.s32 $0x3FF1  }
0x9: {  	v8 =	vimm.s32 $0x1FF2;
	v9 =	vimm.s32 $0x3FF2;
	v10 =	vimm.s32 $0x1FF3  }
0xa: {  	v11 =	vimm.s32 $0x3FF3;
	v12 =	vimm.s32 $0x1FF4;
	v13 =	vimm.s32 $0x3FF4  }
0xb: {  	v14 =	vimm.s32 $0x1FF5;
	v15 =	vimm.s32 $0x3FF5;
	v16 =	vimm.s32 $0x1FF6  }
0xc: {  	v17 =	vimm.s32 $0x3FF6;
	v18 =	vimm.s32 $0x1FF7;
	v19 =	vimm.s32 $0x3FF7  }
0xd: {  	v20 =	vimm.s32 $0x1FF8;
	v21 =	vimm.s32 $0x3FF8;
	v22 =	vimm.s32 $0x1FF9  }
0xe: {  	v23 =	vimm.s32 $0x3FF9;
	v24 =	vimm.s32 $0x1FFA;
	v25 =	vimm.s32 $0x3FFA  }
0xf: {  	v26 =	vimm.s32 $0x1FFB;
	v27 =	vimm.s32 $0x3FFB;
	v28 =	vimm.s32 $0x1FFC  }
0x10: {  	v29 =	vimm.s32 $0x3FFC;
	v30 =	vimm.s32 $0x1FFD;
	v31 =	vimm.s32 $0x3FFD  }
0x11: {  	v32 =	vimm.s32 $0x1FFE;
	v33 =	vimm.s32 $0x3FFE;
	v34 =	vimm.s32 $0x1FFF  }
0x12: {  	v35 =	vimm.s32 $0x3FFF;
	v0 =	vsel vm14, $0x0, v0;
	v3 =	vsel vm14, $0x2000, v3  }
0x13: {  	v4 =	vsel vm14, $0xC70, v4;
	v5 =	vsel vm14, $0x2C70, v5;
	v6 =	vsel vm14, $0xC71, v6  }
0x14: {  	v7 =	vsel vm14, $0x2C71, v7;
	v8 =	vsel vm14, $0xC72, v8;
	v9 =	vsel vm14, $0x2C72, v9  }
0x15: {  	v10 =	vsel vm14, $0xC73, v10;
	v11 =	vsel vm14, $0x2C73, v11;
	v12 =	vsel vm14, $0xC74, v12  }
0x16: {  	v13 =	vsel vm14, $0x2C74, v13;
	v14 =	vsel vm14, $0xC75, v14;
	v15 =	vsel vm14, $0x2C75, v15  }
0x17: {  	v16 =	vsel vm14, $0xC76, v16;
	v17 =	vsel vm14, $0x2C76, v17;
	v18 =	vsel vm14, $0xC77, v18  }
0x18: {  	v19 =	vsel vm14, $0x2C77, v19;
	v20 =	vsel vm14, $0xC78, v20;
	v21 =	vsel vm14, $0x2C78, v21  }
0x19: {  	v22 =	vsel vm14, $0xC79, v22;
	v23 =	vsel vm14, $0x2C79, v23;
	v24 =	vsel vm14, $0xC7A, v24  }
0x1a: {  	v25 =	vsel vm14, $0x2C7A, v25;
	v26 =	vsel vm14, $0xC7B, v26;
	v27 =	vsel vm14, $0x2C7B, v27  }
0x1b: {  	v28 =	vsel vm14, $0xC7C, v28;
	v29 =	vsel vm14, $0x2C7C, v29;
	v30 =	vsel vm14, $0xC7D, v30  }
0x1c: {  	v31 =	vsel vm14, $0x2C7D, v31;
	v32 =	vsel vm14, $0xC7E, v32;
	v33 =	vsel vm14, $0x2C7E, v33  }
0x1d: {  	v34 =	vsel vm14, $0xC7F, v34;
	v35 =	vsel vm14, $0x2C7F, v35;
	v0 =	vsel vm13, $0x80, v0  }
0x1e: {  	v3 =	vsel vm13, $0x2080, v3;
	v4 =	vsel vm13, $0xCF0, v4;
	v5 =	vsel vm13, $0x2CF0, v5  }
0x1f: {  	v6 =	vsel vm13, $0xCF1, v6;
	v7 =	vsel vm13, $0x2CF1, v7;
	v8 =	vsel vm13, $0xCF2, v8  }
0x20: {  	v9 =	vsel vm13, $0x2CF2, v9;
	v10 =	vsel vm13, $0xCF3, v10;
	v11 =	vsel vm13, $0x2CF3, v11  }
0x21: {  	v12 =	vsel vm13, $0xCF4, v12;
	v13 =	vsel vm13, $0x2CF4, v13;
	v14 =	vsel vm13, $0xCF5, v14  }
0x22: {  	v15 =	vsel vm13, $0x2CF5, v15;
	v16 =	vsel vm13, $0xCF6, v16;
	v17 =	vsel vm13, $0x2CF6, v17  }
0x23: {  	v18 =	vsel vm13, $0xCF7, v18;
	v19 =	vsel vm13, $0x2CF7, v19;
	v20 =	vsel vm13, $0xCF8, v20  }
0x24: {  	v21 =	vsel vm13, $0x2CF8, v21;
	v22 =	vsel vm13, $0xCF9, v22;
	v23 =	vsel vm13, $0x2CF9, v23  }
0x25: {  	v24 =	vsel vm13, $0xCFA, v24;
	v25 =	vsel vm13, $0x2CFA, v25;
	v26 =	vsel vm13, $0xCFB, v26  }
0x26: {  	v27 =	vsel vm13, $0x2CFB, v27;
	v28 =	vsel vm13, $0xCFC, v28;
	v29 =	vsel vm13, $0x2CFC, v29  }
0x27: {  	v30 =	vsel vm13, $0xCFD, v30;
	v31 =	vsel vm13, $0x2CFD, v31;
	v32 =	vsel vm13, $0xCFE, v32  }
0x28: {  	v33 =	vsel vm13, $0x2CFE, v33;
	v34 =	vsel vm13, $0xCFF, v34;
	v35 =	vsel vm13, $0x2CFF, v35  }
0x29: {  	v0 =	vsel vm12, $0x100, v0;
	v3 =	vsel vm12, $0x2100, v3;
	v4 =	vsel vm12, $0xD70, v4  }
0x2a: {  	v5 =	vsel vm12, $0x2D70, v5;
	v6 =	vsel vm12, $0xD71, v6;
	v7 =	vsel vm12, $0x2D71, v7  }
0x2b: {  	v8 =	vsel vm12, $0xD72, v8;
	v9 =	vsel vm12, $0x2D72, v9;
	v10 =	vsel vm12, $0xD73, v10  }
0x2c: {  	v11 =	vsel vm12, $0x2D73, v11;
	v12 =	vsel vm12, $0xD74, v12;
	v13 =	vsel vm12, $0x2D74, v13  }
0x2d: {  	v14 =	vsel vm12, $0xD75, v14;
	v15 =	vsel vm12, $0x2D75, v15;
	v16 =	vsel vm12, $0xD76, v16  }
0x2e: {  	v17 =	vsel vm12, $0x2D76, v17;
	v18 =	vsel vm12, $0xD77, v18;
	v19 =	vsel vm12, $0x2D77, v19  }
0x2f: {  	v20 =	vsel vm12, $0xD78, v20;
	v21 =	vsel vm12, $0x2D78, v21;
	v22 =	vsel vm12, $0xD79, v22  }
0x30: {  	v23 =	vsel vm12, $0x2D79, v23;
	v24 =	vsel vm12, $0xD7A, v24;
	v25 =	vsel vm12, $0x2D7A, v25  }
0x31: {  	v26 =	vsel vm12, $0xD7B, v26;
	v27 =	vsel vm12, $0x2D7B, v27;
	v28 =	vsel vm12, $0xD7C, v28  }
0x32: {  	v29 =	vsel vm12, $0x2D7C, v29;
	v30 =	vsel vm12, $0xD7D, v30;
	v31 =	vsel vm12, $0x2D7D, v31  }
0x33: {  	v32 =	vsel vm12, $0xD7E, v32;
	v33 =	vsel vm12, $0x2D7E, v33;
	v34 =	vsel vm12, $0xD7F, v34  }
0x34: {  	v35 =	vsel vm12, $0x2D7F, v35;
	v0 =	vsel vm11, $0x180, v0;
	v3 =	vsel vm11, $0x2180, v3  }
0x35: {  	v4 =	vsel vm11, $0xDF0, v4;
	v5 =	vsel vm11, $0x2DF0, v5;
	v6 =	vsel vm11, $0xDF1, v6  }
0x36: {  	v7 =	vsel vm11, $0x2DF1, v7;
	v8 =	vsel vm11, $0xDF2, v8;
	v9 =	vsel vm11, $0x2DF2, v9  }
0x37: {  	v10 =	vsel vm11, $0xDF3, v10;
	v11 =	vsel vm11, $0x2DF3, v11;
	v12 =	vsel vm11, $0xDF4, v12  }
0x38: {  	v13 =	vsel vm11, $0x2DF4, v13;
	v14 =	vsel vm11, $0xDF5, v14;
	v15 =	vsel vm11, $0x2DF5, v15  }
0x39: {  	v16 =	vsel vm11, $0xDF6, v16;
	v17 =	vsel vm11, $0x2DF6, v17;
	v18 =	vsel vm11, $0xDF7, v18  }
0x3a: {  	v19 =	vsel vm11, $0x2DF7, v19;
	v20 =	vsel vm11, $0xDF8, v20;
	v21 =	vsel vm11, $0x2DF8, v21  }
0x3b: {  	v22 =	vsel vm11, $0xDF9, v22;
	v23 =	vsel vm11, $0x2DF9, v23;
	v24 =	vsel vm11, $0xDFA, v24  }
0x3c: {  	v25 =	vsel vm11, $0x2DFA, v25;
	v26 =	vsel vm11, $0xDFB, v26;
	v27 =	vsel vm11, $0x2DFB, v27  }
0x3d: {  	v28 =	vsel vm11, $0xDFC, v28;
	v29 =	vsel vm11, $0x2DFC, v29;
	v30 =	vsel vm11, $0xDFD, v30  }
0x3e: {  	v31 =	vsel vm11, $0x2DFD, v31;
	v32 =	vsel vm11, $0xDFE, v32;
	v33 =	vsel vm11, $0x2DFE, v33  }
0x3f: {  	v34 =	vsel vm11, $0xDFF, v34;
	v35 =	vsel vm11, $0x2DFF, v35;
	v0 =	vsel vm10, $0x200, v0  }
0x40: {  	v3 =	vsel vm10, $0x2200, v3;
	v4 =	vsel vm10, $0xE70, v4;
	v5 =	vsel vm10, $0x2E70, v5  }
0x41: {  	v6 =	vsel vm10, $0xE71, v6;
	v7 =	vsel vm10, $0x2E71, v7;
	v8 =	vsel vm10, $0xE72, v8  }
0x42: {  	v9 =	vsel vm10, $0x2E72, v9;
	v10 =	vsel vm10, $0xE73, v10;
	v11 =	vsel vm10, $0x2E73, v11  }
0x43: {  	v12 =	vsel vm10, $0xE74, v12;
	v13 =	vsel vm10, $0x2E74, v13;
	v14 =	vsel vm10, $0xE75, v14  }
0x44: {  	v15 =	vsel vm10, $0x2E75, v15;
	v16 =	vsel vm10, $0xE76, v16;
	v17 =	vsel vm10, $0x2E76, v17  }
0x45: {  	v18 =	vsel vm10, $0xE77, v18;
	v19 =	vsel vm10, $0x2E77, v19;
	v20 =	vsel vm10, $0xE78, v20  }
0x46: {  	v21 =	vsel vm10, $0x2E78, v21;
	v22 =	vsel vm10, $0xE79, v22;
	v23 =	vsel vm10, $0x2E79, v23  }
0x47: {  	v24 =	vsel vm10, $0xE7A, v24;
	v25 =	vsel vm10, $0x2E7A, v25;
	v26 =	vsel vm10, $0xE7B, v26  }
0x48: {  	v27 =	vsel vm10, $0x2E7B, v27;
	v28 =	vsel vm10, $0xE7C, v28;
	v29 =	vsel vm10, $0x2E7C, v29  }
0x49: {  	v30 =	vsel vm10, $0xE7D, v30;
	v31 =	vsel vm10, $0x2E7D, v31;
	v32 =	vsel vm10, $0xE7E, v32  }
0x4a: {  	v33 =	vsel vm10, $0x2E7E, v33;
	v34 =	vsel vm10, $0xE7F, v34;
	v35 =	vsel vm10, $0x2E7F, v35  }
0x4b: {  	v0 =	vsel vm9, $0x280, v0;
	v3 =	vsel vm9, $0x2280, v3;
	v4 =	vsel vm9, $0xEF0, v4  }
0x4c: {  	v5 =	vsel vm9, $0x2EF0, v5;
	v6 =	vsel vm9, $0xEF1, v6;
	v7 =	vsel vm9, $0x2EF1, v7  }
0x4d: {  	v8 =	vsel vm9, $0xEF2, v8;
	v9 =	vsel vm9, $0x2EF2, v9;
	v10 =	vsel vm9, $0xEF3, v10  }
0x4e: {  	v11 =	vsel vm9, $0x2EF3, v11;
	v12 =	vsel vm9, $0xEF4, v12;
	v13 =	vsel vm9, $0x2EF4, v13  }
0x4f: {  	v14 =	vsel vm9, $0xEF5, v14;
	v15 =	vsel vm9, $0x2EF5, v15;
	v16 =	vsel vm9, $0xEF6, v16  }
0x50: {  	v17 =	vsel vm9, $0x2EF6, v17;
	v18 =	vsel vm9, $0xEF7, v18;
	v19 =	vsel vm9, $0x2EF7, v19  }
0x51: {  	v20 =	vsel vm9, $0xEF8, v20;
	v21 =	vsel vm9, $0x2EF8, v21;
	v22 =	vsel vm9, $0xEF9, v22  }
0x52: {  	v23 =	vsel vm9, $0x2EF9, v23;
	v24 =	vsel vm9, $0xEFA, v24;
	v25 =	vsel vm9, $0x2EFA, v25  }
0x53: {  	v26 =	vsel vm9, $0xEFB, v26;
	v27 =	vsel vm9, $0x2EFB, v27;
	v28 =	vsel vm9, $0xEFC, v28  }
0x54: {  	v29 =	vsel vm9, $0x2EFC, v29;
	v30 =	vsel vm9, $0xEFD, v30;
	v31 =	vsel vm9, $0x2EFD, v31  }
0x55: {  	v32 =	vsel vm9, $0xEFE, v32;
	v33 =	vsel vm9, $0x2EFE, v33;
	v34 =	vsel vm9, $0xEFF, v34  }
0x56: {  	v35 =	vsel vm9, $0x2EFF, v35;
	v0 =	vsel vm8, $0x300, v0;
	v3 =	vsel vm8, $0x2300, v3  }
0x57: {  	v4 =	vsel vm8, $0xF70, v4;
	v5 =	vsel vm8, $0x2F70, v5;
	v6 =	vsel vm8, $0xF71, v6  }
0x58: {  	v7 =	vsel vm8, $0x2F71, v7;
	v8 =	vsel vm8, $0xF72, v8;
	v9 =	vsel vm8, $0x2F72, v9  }
0x59: {  	v10 =	vsel vm8, $0xF73, v10;
	v11 =	vsel vm8, $0x2F73, v11;
	v12 =	vsel vm8, $0xF74, v12  }
0x5a: {  	v13 =	vsel vm8, $0x2F74, v13;
	v14 =	vsel vm8, $0xF75, v14;
	v15 =	vsel vm8, $0x2F75, v15  }
0x5b: {  	v16 =	vsel vm8, $0xF76, v16;
	v17 =	vsel vm8, $0x2F76, v17;
	v18 =	vsel vm8, $0xF77, v18  }
0x5c: {  	v19 =	vsel vm8, $0x2F77, v19;
	v20 =	vsel vm8, $0xF78, v20;
	v21 =	vsel vm8, $0x2F78, v21  }
0x5d: {  	v22 =	vsel vm8, $0xF79, v22;
	v23 =	vsel vm8, $0x2F79, v23;
	v24 =	vsel vm8, $0xF7A, v24  }
0x5e: {  	v25 =	vsel vm8, $0x2F7A, v25;
	v26 =	vsel vm8, $0xF7B, v26;
	v27 =	vsel vm8, $0x2F7B, v27  }
0x5f: {  	v28 =	vsel vm8, $0xF7C, v28;
	v29 =	vsel vm8, $0x2F7C, v29;
	v30 =	vsel vm8, $0xF7D, v30  }
0x60: {  	v31 =	vsel vm8, $0x2F7D, v31;
	v32 =	vsel vm8, $0xF7E, v32;
	v33 =	vsel vm8, $0x2F7E, v33  }
0x61: {  	v34 =	vsel vm8, $0xF7F, v34;
	v35 =	vsel vm8, $0x2F7F, v35;
	v0 =	vsel vm7, $0x380, v0  }
0x62: {  	v3 =	vsel vm7, $0x2380, v3;
	v4 =	vsel vm7, $0xFF0, v4;
	v5 =	vsel vm7, $0x2FF0, v5  }
0x63: {  	v6 =	vsel vm7, $0xFF1, v6;
	v7 =	vsel vm7, $0x2FF1, v7;
	v8 =	vsel vm7, $0xFF2, v8  }
0x64: {  	v9 =	vsel vm7, $0x2FF2, v9;
	v10 =	vsel vm7, $0xFF3, v10;
	v11 =	vsel vm7, $0x2FF3, v11  }
0x65: {  	v12 =	vsel vm7, $0xFF4, v12;
	v13 =	vsel vm7, $0x2FF4, v13;
	v14 =	vsel vm7, $0xFF5, v14  }
0x66: {  	v15 =	vsel vm7, $0x2FF5, v15;
	v16 =	vsel vm7, $0xFF6, v16;
	v17 =	vsel vm7, $0x2FF6, v17  }
0x67: {  	v18 =	vsel vm7, $0xFF7, v18;
	v19 =	vsel vm7, $0x2FF7, v19;
	v20 =	vsel vm7, $0xFF8, v20  }
0x68: {  	v21 =	vsel vm7, $0x2FF8, v21;
	v22 =	vsel vm7, $0xFF9, v22;
	v23 =	vsel vm7, $0x2FF9, v23  }
0x69: {  	v24 =	vsel vm7, $0xFFA, v24;
	v25 =	vsel vm7, $0x2FFA, v25;
	v26 =	vsel vm7, $0xFFB, v26  }
0x6a: {  	v27 =	vsel vm7, $0x2FFB, v27;
	v28 =	vsel vm7, $0xFFC, v28;
	v29 =	vsel vm7, $0x2FFC, v29  }
0x6b: {  	v30 =	vsel vm7, $0xFFD, v30;
	v31 =	vsel vm7, $0x2FFD, v31;
	v32 =	vsel vm7, $0xFFE, v32  }
0x6c: {  	v33 =	vsel vm7, $0x2FFE, v33;
	v34 =	vsel vm7, $0xFFF, v34;
	v35 =	vsel vm7, $0x2FFF, v35  }
0x6d: {  	v0 =	vsel vm6, $0x1000, v0;
	v3 =	vsel vm6, $0x3000, v3;
	v4 =	vsel vm6, $0x1C70, v4  }
0x6e: {  	v5 =	vsel vm6, $0x3C70, v5;
	v6 =	vsel vm6, $0x1C71, v6;
	v7 =	vsel vm6, $0x3C71, v7  }
0x6f: {  	v8 =	vsel vm6, $0x1C72, v8;
	v9 =	vsel vm6, $0x3C72, v9;
	v10 =	vsel vm6, $0x1C73, v10  }
0x70: {  	v11 =	vsel vm6, $0x3C73, v11;
	v12 =	vsel vm6, $0x1C74, v12;
	v13 =	vsel vm6, $0x3C74, v13  }
0x71: {  	v14 =	vsel vm6, $0x1C75, v14;
	v15 =	vsel vm6, $0x3C75, v15;
	v16 =	vsel vm6, $0x1C76, v16  }
0x72: {  	v17 =	vsel vm6, $0x3C76, v17;
	v18 =	vsel vm6, $0x1C77, v18;
	v19 =	vsel vm6, $0x3C77, v19  }
0x73: {  	v20 =	vsel vm6, $0x1C78, v20;
	v21 =	vsel vm6, $0x3C78, v21;
	v22 =	vsel vm6, $0x1C79, v22  }
0x74: {  	v23 =	vsel vm6, $0x3C79, v23;
	v24 =	vsel vm6, $0x1C7A, v24;
	v25 =	vsel vm6, $0x3C7A, v25  }
0x75: {  	v26 =	vsel vm6, $0x1C7B, v26;
	v27 =	vsel vm6, $0x3C7B, v27;
	v28 =	vsel vm6, $0x1C7C, v28  }
0x76: {  	v29 =	vsel vm6, $0x3C7C, v29;
	v30 =	vsel vm6, $0x1C7D, v30;
	v31 =	vsel vm6, $0x3C7D, v31  }
0x77: {  	v32 =	vsel vm6, $0x1C7E, v32;
	v33 =	vsel vm6, $0x3C7E, v33;
	v34 =	vsel vm6, $0x1C7F, v34  }
0x78: {  	v35 =	vsel vm6, $0x3C7F, v35;
	v0 =	vsel vm5, $0x1080, v0;
	v3 =	vsel vm5, $0x3080, v3  }
0x79: {  	v4 =	vsel vm5, $0x1CF0, v4;
	v5 =	vsel vm5, $0x3CF0, v5;
	v6 =	vsel vm5, $0x1CF1, v6  }
0x7a: {  	v7 =	vsel vm5, $0x3CF1, v7;
	v8 =	vsel vm5, $0x1CF2, v8;
	v9 =	vsel vm5, $0x3CF2, v9  }
0x7b: {  	v10 =	vsel vm5, $0x1CF3, v10;
	v11 =	vsel vm5, $0x3CF3, v11;
	v12 =	vsel vm5, $0x1CF4, v12  }
0x7c: {  	v13 =	vsel vm5, $0x3CF4, v13;
	v14 =	vsel vm5, $0x1CF5, v14;
	v15 =	vsel vm5, $0x3CF5, v15  }
0x7d: {  	v16 =	vsel vm5, $0x1CF6, v16;
	v17 =	vsel vm5, $0x3CF6, v17;
	v18 =	vsel vm5, $0x1CF7, v18  }
0x7e: {  	v19 =	vsel vm5, $0x3CF7, v19;
	v20 =	vsel vm5, $0x1CF8, v20;
	v21 =	vsel vm5, $0x3CF8, v21  }
0x7f: {  	v22 =	vsel vm5, $0x1CF9, v22;
	v23 =	vsel vm5, $0x3CF9, v23;
	v24 =	vsel vm5, $0x1CFA, v24  }
0x80: {  	v25 =	vsel vm5, $0x3CFA, v25;
	v26 =	vsel vm5, $0x1CFB, v26;
	v27 =	vsel vm5, $0x3CFB, v27  }
0x81: {  	v28 =	vsel vm5, $0x1CFC, v28;
	v29 =	vsel vm5, $0x3CFC, v29;
	v30 =	vsel vm5, $0x1CFD, v30  }
0x82: {  	v31 =	vsel vm5, $0x3CFD, v31;
	v32 =	vsel vm5, $0x1CFE, v32;
	v33 =	vsel vm5, $0x3CFE, v33  }
0x83: {  	v34 =	vsel vm5, $0x1CFF, v34;
	v35 =	vsel vm5, $0x3CFF, v35;
	v0 =	vsel vm4, $0x1100, v0  }
0x84: {  	v3 =	vsel vm4, $0x3100, v3;
	v4 =	vsel vm4, $0x1D70, v4;
	v5 =	vsel vm4, $0x3D70, v5  }
0x85: {  	v6 =	vsel vm4, $0x1D71, v6;
	v7 =	vsel vm4, $0x3D71, v7;
	v8 =	vsel vm4, $0x1D72, v8  }
0x86: {  	v9 =	vsel vm4, $0x3D72, v9;
	v10 =	vsel vm4, $0x1D73, v10;
	v11 =	vsel vm4, $0x3D73, v11  }
0x87: {  	v12 =	vsel vm4, $0x1D74, v12;
	v13 =	vsel vm4, $0x3D74, v13;
	v14 =	vsel vm4, $0x1D75, v14  }
0x88: {  	v15 =	vsel vm4, $0x3D75, v15;
	v16 =	vsel vm4, $0x1D76, v16;
	v17 =	vsel vm4, $0x3D76, v17  }
0x89: {  	v18 =	vsel vm4, $0x1D77, v18;
	v19 =	vsel vm4, $0x3D77, v19;
	v20 =	vsel vm4, $0x1D78, v20  }
0x8a: {  	v21 =	vsel vm4, $0x3D78, v21;
	v22 =	vsel vm4, $0x1D79, v22;
	v23 =	vsel vm4, $0x3D79, v23  }
0x8b: {  	v24 =	vsel vm4, $0x1D7A, v24;
	v25 =	vsel vm4, $0x3D7A, v25;
	v26 =	vsel vm4, $0x1D7B, v26  }
0x8c: {  	v27 =	vsel vm4, $0x3D7B, v27;
	v28 =	vsel vm4, $0x1D7C, v28;
	v29 =	vsel vm4, $0x3D7C, v29  }
0x8d: {  	v30 =	vsel vm4, $0x1D7D, v30;
	v31 =	vsel vm4, $0x3D7D, v31;
	v32 =	vsel vm4, $0x1D7E, v32  }
0x8e: {  	v33 =	vsel vm4, $0x3D7E, v33;
	v34 =	vsel vm4, $0x1D7F, v34;
	v35 =	vsel vm4, $0x3D7F, v35  }
0x8f: {  	v2 =	vsel vm3, $0x1180, v0;
	v0 =	vmul.u32 $0x80, v1;
	v3 =	vsel vm3, $0x3180, v3  }
0x90: {  	v4 =	vsel vm3, $0x1DF0, v4;
	v5 =	vsel vm3, $0x3DF0, v5;
	v6 =	vsel vm3, $0x1DF1, v6  }
0x91: {  	v7 =	vsel vm3, $0x3DF1, v7;
	v8 =	vsel vm3, $0x1DF2, v8;
	v9 =	vsel vm3, $0x3DF2, v9  }
0x92: {  	v10 =	vsel vm3, $0x1DF3, v10;
	v11 =	vsel vm3, $0x3DF3, v11;
	v12 =	vsel vm3, $0x1DF4, v12  }
0x93: {  	v13 =	vsel vm3, $0x3DF4, v13;
	v14 =	vsel vm3, $0x1DF5, v14;
	v15 =	vsel vm3, $0x3DF5, v15  }
0x94: {  	v16 =	vsel vm3, $0x1DF6, v16;
	v17 =	vsel vm3, $0x3DF6, v17;
	v18 =	vsel vm3, $0x1DF7, v18  }
0x95: {  	v19 =	vsel vm3, $0x3DF7, v19;
	v20 =	vsel vm3, $0x1DF8, v20;
	v21 =	vsel vm3, $0x3DF8, v21  }
0x96: {  	v22 =	vsel vm3, $0x1DF9, v22;
	v23 =	vsel vm3, $0x3DF9, v23;
	v24 =	vsel vm3, $0x1DFA, v24  }
0x97: {  	v25 =	vsel vm3, $0x3DFA, v25;
	v26 =	vsel vm3, $0x1DFB, v26;
	v27 =	vsel vm3, $0x3DFB, v27  }
0x98: {  	v28 =	vsel vm3, $0x1DFC, v28;
	v29 =	vsel vm3, $0x3DFC, v29;
	v30 =	vsel vm3, $0x1DFD, v30  }
0x99: {  	v31 =	vsel vm3, $0x3DFD, v31;
	v32 =	vsel vm3, $0x1DFE, v32;
	v33 =	vsel vm3, $0x3DFE, v33  }
0x9a: {  	v34 =	vsel vm3, $0x1DFF, v34;
	v35 =	vsel vm3, $0x3DFF, v35;
	v1 =	vsel vm2, $0x1200, v2  }
0x9b: {  	v3 =	vsel vm2, $0x3200, v3;
	v4 =	vsel vm2, $0x1E70, v4;
	v5 =	vsel vm2, $0x3E70, v5  }
0x9c: {  	v6 =	vsel vm2, $0x1E71, v6;
	v7 =	vsel vm2, $0x3E71, v7;
	v8 =	vsel vm2, $0x1E72, v8  }
0x9d: {  	v9 =	vsel vm2, $0x3E72, v9;
	v10 =	vsel vm2, $0x1E73, v10;
	v11 =	vsel vm2, $0x3E73, v11  }
0x9e: {  	v12 =	vsel vm2, $0x1E74, v12;
	v13 =	vsel vm2, $0x3E74, v13;
	v14 =	vsel vm2, $0x1E75, v14  }
0x9f: {  	v15 =	vsel vm2, $0x3E75, v15;
	v16 =	vsel vm2, $0x1E76, v16;
	v17 =	vsel vm2, $0x3E76, v17  }
0xa0: {  	v18 =	vsel vm2, $0x1E77, v18;
	v19 =	vsel vm2, $0x3E77, v19;
	v20 =	vsel vm2, $0x1E78, v20  }
0xa1: {  	v21 =	vsel vm2, $0x3E78, v21;
	v22 =	vsel vm2, $0x1E79, v22;
	v23 =	vsel vm2, $0x3E79, v23  }
0xa2: {  	v24 =	vsel vm2, $0x1E7A, v24;
	v25 =	vsel vm2, $0x3E7A, v25;
	v26 =	vsel vm2, $0x1E7B, v26  }
0xa3: {  	v27 =	vsel vm2, $0x3E7B, v27;
	v28 =	vsel vm2, $0x1E7C, v28;
	v29 =	vsel vm2, $0x3E7C, v29  }
0xa4: {  	v30 =	vsel vm2, $0x1E7D, v30;
	v31 =	vsel vm2, $0x3E7D, v31;
	v32 =	vsel vm2, $0x1E7E, v32  }
0xa5: {  	v33 =	vsel vm2, $0x3E7E, v33;
	v34 =	vsel vm2, $0x1E7F, v34;
	v35 =	vsel vm2, $0x3E7F, v35  }
0xa6: {  	v1 =	vsel vm1, $0x1280, v1;
	v2 =	vor.u32 $0x800, v0;
	v3 =	vsel vm1, $0x3280, v3  }
0xa7: {  	v4 =	vsel vm1, $0x1EF0, v4;
	v5 =	vsel vm1, $0x3EF0, v5;
	v6 =	vsel vm1, $0x1EF1, v6  }
0xa8: {  	v7 =	vsel vm1, $0x3EF1, v7;
	v8 =	vsel vm1, $0x1EF2, v8;
	v9 =	vsel vm1, $0x3EF2, v9  }
0xa9: {  	v10 =	vsel vm1, $0x1EF3, v10;
	v11 =	vsel vm1, $0x3EF3, v11;
	v12 =	vsel vm1, $0x1EF4, v12  }
0xaa: {  	v13 =	vsel vm1, $0x3EF4, v13;
	v14 =	vsel vm1, $0x1EF5, v14;
	v15 =	vsel vm1, $0x3EF5, v15  }
0xab: {  	v16 =	vsel vm1, $0x1EF6, v16;
	v17 =	vsel vm1, $0x3EF6, v17;
	v18 =	vsel vm1, $0x1EF7, v18  }
0xac: {  	v19 =	vsel vm1, $0x3EF7, v19;
	v20 =	vsel vm1, $0x1EF8, v20;
	v21 =	vsel vm1, $0x3EF8, v21  }
0xad: {  	s1 =	rddreg [dreg:$0x0];
	v22 =	vsel vm1, $0x1EF9, v22;
	v23 =	vsel vm1, $0x3EF9, v23;
	v24 =	vsel vm1, $0x1EFA, v24  }
0xae: {  	s0 =	rddreg [dreg:$0x1];
	v25 =	vsel vm1, $0x3EFA, v25;
	v26 =	vsel vm1, $0x1EFB, v26;
	v27 =	vsel vm1, $0x3EFB, v27  }
0xaf: {  	s2 =	rddreg [dreg:$0x2];
	s4 =	srdreg.scid;
	s3 =	simm.s32 $0x0;
	v28 =	vsel vm1, $0x1EFC, v28;
	v29 =	vsel vm1, $0x3EFC, v29;
	v30 =	vsel vm1, $0x1EFD, v30  }
0xb0: {  	s6 =	stileid.u32;
	s8 =	simm.s32 $0x1;
	s9 =	simm.s32 $0x7A1400;
	v31 =	vsel vm1, $0x3EFD, v31;
	v32 =	vsel vm1, $0x1EFE, v32;
	v33 =	vsel vm1, $0x3EFE, v33  }
0xb1: {  	s10 =	simm.s32 $0x400;
	s11 =	simm.s32 $0x280;
	s12 =	simm.s32 $0x1280;
	v34 =	vsel vm1, $0x1EFF, v34;
	v35 =	vsel vm1, $0x3EFF, v35;
	v1 =	vsel vm0, $0x1300, v1  }
0xb2: {  	s13 =	simm.s32 $0x2280;
	s14 =	simm.s32 $0x3280;
	s15 =	simm.s32 $0x4280;
	v3 =	vsel vm0, $0x3300, v3;
	v4 =	vsel vm0, $0x1F70, v4;
	v5 =	vsel vm0, $0x3F70, v5  }
0xb3: {  	s16 =	simm.s32 $0x5280;
	s17 =	simm.s32 $0x6280;
	s18 =	simm.s32 $0x7280;
	v6 =	vsel vm0, $0x1F71, v6;
	v7 =	vsel vm0, $0x3F71, v7;
	v8 =	vsel vm0, $0x1F72, v8  }
0xb4: {  	s19 =	simm.s32 $0x8280;
	s20 =	simm.s32 $0x9280;
	s21 =	simm.s32 $0xA280;
	v9 =	vsel vm0, $0x3F72, v9;
	v10 =	vsel vm0, $0x1F73, v10;
	v11 =	vsel vm0, $0x3F73, v11  }
0xb5: {  	s22 =	simm.s32 $0xB280;
	s23 =	simm.s32 $0xC280;
	s24 =	simm.s32 $0xD280;
	v12 =	vsel vm0, $0x1F74, v12;
	v13 =	vsel vm0, $0x3F74, v13;
	v14 =	vsel vm0, $0x1F75, v14  }
0xb6: {  	s28 =	simm.s32 $0x10280;
	s4 =	sand.u32 $0x1, s4;
	s6 =	sshll.u32 s6, $0xA;
	v15 =	vsel vm0, $0x3F75, v15;
	v16 =	vsel vm0, $0x1F76, v16;
	v17 =	vsel vm0, $0x3F76, v17  }
0xb7: {  	[smem:$0x7FF] =	sst s3;
	s5 =	ssub.s32 $0x2, s4;
	s4 =	sshll.u32 s4, $0x9;
	v18 =	vsel vm0, $0x1F77, v18;
	v19 =	vsel vm0, $0x3F77, v19;
	v20 =	vsel vm0, $0x1F78, v20  }
0xb8: {  	s31 =	simm.s32 $0x0;
	_ =	strace $0x80000047;
	s4 =	sor.u32 s4, s6;
	v21 =	vsel vm0, $0x3F78, v21;
	v22 =	vsel vm0, $0x1F79, v22;
	v23 =	vsel vm0, $0x3F79, v23  }
0xb9: {  	s7 =	sshrl.u32 s5, $0x1;
	s26 =	sshrl.u32 s4, $0x3;
	s29 =	sadd.s32 s2, s4;
	v24 =	vsel vm0, $0x1F7A, v24;
	v25 =	vsel vm0, $0x3F7A, v25;
	v26 =	vsel vm0, $0x1F7B, v26  }
0xba: {  	s25 =	ssub.s32 s5, s7;
	s1 =	sadd.s32 s1, s26;
	[dreg:$0x5] =	wrdreg s29;
	v27 =	vsel vm0, $0x3F7B, v27;
	v28 =	vsel vm0, $0x1F7C, v28;
	v29 =	vsel vm0, $0x3F7C, v29  }
0xbb: {  	s7 =	simm.s32 $0x2;
	s30 =	smax.u32 s25, $0x1;
	[dreg:$0x4] =	wrdreg s1;
	v30 =	vsel vm0, $0x1F7D, v30;
	v31 =	vsel vm0, $0x3F7D, v31;
	v32 =	vsel vm0, $0x1F7E, v32  }
0xbc: {  	s25 =	simm.s32 $0xE280;
	s26 =	simm.s32 $0xF280;
	[dreg:$0x6] =	wrdreg s30;
	v33 =	vsel vm0, $0x3F7E, v33;
	v34 =	vsel vm0, $0x1F7F, v34;
	v35 =	vsel vm0, $0x3F7F, v35  }
.LBB2_1:
0xbd: {  	s1 =	rddreg [dreg:$0x4]  }
0xbe: {  	[tilespmem:s3], [sflag:$0x2] =	stream.linear.gather [hbm4b:s1+s3], $0x200, $0x38;
	[tilespmem:$0x14280] =	vst v63  }
0xbf: {  	_ =	swait.ge [sflag:s7], $0x200  }
0xc0: {  	[sflag:s7] =	ssyncset.done $0x0  }
0xc1: {  	[sflag:s7] =	ssyncadd.s32 $0xFFFFFE00  }
0xc2: {  	v36 =	vld [tilespmem:$0x0];
	_ =	sdelay $0x4  }
0xc3: {  	(v2sf) =	vpush v36, $0x0;
	_ =	sdelay $0xe  }
0xc4: {  	s6 =	spop (v2sf)  }
0xc5: {  	s2 =	sand.u32 $0x7F, s6  }
0xc6: {  	s4 =	sshra.s32 s6, $0x1F;
	p0 =	slt.s32 s6, $0x1;
	p1 =	sne.s32 s2, $0x0  }
0xc7: {  	s4 =	sshrl.u32 s4, $0x19;
	p0 =	por !p0, !p1  }
0xc8: {  	s2 =	simm.s32 $0x1;
	s1 =	sadd.s32 s4, s6;
	p0 =	por !p0, !p0  }
0xc9: {  	s1 =	sshrl.u32 s1, $0x7;
	s2 =	simm.s32 @!p0 $0x0  }
0xca: {  	s1 =	ssub.s32 s1, s2  }
0xcb: {  	s1 =	sshll.u32 s1, $0x7  }
0xcc: {  	s1 =	sand.u32 $0x1FFFFF80, s1  }
0xcd: {  	s1 =	sadd.s32 s0, s1  }
0xce: {  	[tilespmem:s11], [sflag:$0x1] =	stream.strided.gather [hbm4b:s1+s10], $0x1000, s9, s10, $0x38;
	[tilespmem:$0x14280] =	vst v63  }
0xcf: {  	v47 =	vld [tilespmem:$0x1];
	_ =	sdelay $0x4  }
0xd0: {  	(v2sf) =	vpush v47, $0x0;
	_ =	sdelay $0xe  }
0xd1: {  	s1 =	spop (v2sf)  }
0xd2: {  	s5 =	sand.u32 $0x7F, s1  }
0xd3: {  	s6 =	sshra.s32 s1, $0x1F;
	p5 =	slt.s32 s1, $0x1;
	p6 =	sne.s32 s5, $0x0  }
0xd4: {  	s4 =	sshrl.u32 s6, $0x19;
	p0 =	por !p5, !p6  }
0xd5: {  	s2 =	simm.s32 $0x1;
	s1 =	sadd.s32 s4, s1;
	p0 =	por !p0, !p0  }
0xd6: {  	s1 =	sshrl.u32 s1, $0x7;
	s2 =	simm.s32 @!p0 $0x0  }
0xd7: {  	s1 =	ssub.s32 s1, s2  }
0xd8: {  	s1 =	sshll.u32 s1, $0x7  }
0xd9: {  	s1 =	sand.u32 $0x1FFFFF80, s1  }
0xda: {  	s1 =	sadd.s32 s0, s1  }
0xdb: {  	[tilespmem:s12], [sflag:$0x1] =	stream.strided.gather [hbm4b:s1+s10], $0x1000, s9, s10, $0x38;
	[tilespmem:$0x14280] =	vst v63  }
0xdc: {  	v48 =	vld [tilespmem:$0x2];
	_ =	sdelay $0x4  }
0xdd: {  	(v2sf) =	vpush v48, $0x0;
	_ =	sdelay $0xe  }
0xde: {  	s1 =	spop (v2sf)  }
0xdf: {  	s5 =	sand.u32 $0x7F, s1  }
0xe0: {  	s6 =	sshra.s32 s1, $0x1F;
	p1 =	slt.s32 s1, $0x1;
	p2 =	sne.s32 s5, $0x0  }
0xe1: {  	s4 =	sshrl.u32 s6, $0x19;
	p0 =	por !p1, !p2  }
0xe2: {  	s2 =	simm.s32 $0x1;
	s1 =	sadd.s32 s4, s1;
	p0 =	por !p0, !p0  }
0xe3: {  	s1 =	sshrl.u32 s1, $0x7;
	s2 =	simm.s32 @!p0 $0x0  }
0xe4: {  	s1 =	ssub.s32 s1, s2  }
0xe5: {  	s1 =	sshll.u32 s1, $0x7  }
0xe6: {  	s1 =	sand.u32 $0x1FFFFF80, s1  }
0xe7: {  	s1 =	sadd.s32 s0, s1  }
0xe8: {  	[tilespmem:s13], [sflag:$0x1] =	stream.strided.gather [hbm4b:s1+s10], $0x1000, s9, s10, $0x38;
	[tilespmem:$0x14280] =	vst v63  }
0xe9: {  	v49 =	vld [tilespmem:$0x3];
	_ =	sdelay $0x4  }
0xea: {  	(v2sf) =	vpush v49, $0x0;
	_ =	sdelay $0xe  }
0xeb: {  	s1 =	spop (v2sf)  }
0xec: {  	s5 =	sand.u32 $0x7F, s1  }
0xed: {  	s6 =	sshra.s32 s1, $0x1F;
	p3 =	slt.s32 s1, $0x1;
	p4 =	sne.s32 s5, $0x0  }
0xee: {  	s4 =	sshrl.u32 s6, $0x19;
	p0 =	por !p3, !p4  }
0xef: {  	s2 =	simm.s32 $0x1;
	s1 =	sadd.s32 s4, s1;
	p0 =	por !p0, !p0  }
0xf0: {  	s1 =	sshrl.u32 s1, $0x7;
	s2 =	simm.s32 @!p0 $0x0  }
0xf1: {  	s1 =	ssub.s32 s1, s2  }
0xf2: {  	s1 =	sshll.u32 s1, $0x7  }
0xf3: {  	s1 =	sand.u32 $0x1FFFFF80, s1  }
0xf4: {  	s1 =	sadd.s32 s0, s1  }
0xf5: {  	[tilespmem:s14], [sflag:$0x1] =	stream.strided.gather [hbm4b:s1+s10], $0x1000, s9, s10, $0x38;
	[tilespmem:$0x14280] =	vst v63  }
0xf6: {  	v50 =	vld [tilespmem:$0x4];
	_ =	sdelay $0x4  }
0xf7: {  	(v2sf) =	vpush v50, $0x0;
	_ =	sdelay $0xe  }
0xf8: {  	s1 =	spop (v2sf)  }
0xf9: {  	s5 =	sand.u32 $0x7F, s1  }
0xfa: {  	s6 =	sshra.s32 s1, $0x1F;
	p5 =	slt.s32 s1, $0x1;
	p6 =	sne.s32 s5, $0x0  }
0xfb: {  	s4 =	sshrl.u32 s6, $0x19;
	p0 =	por !p5, !p6  }
0xfc: {  	s2 =	simm.s32 $0x1;
	s1 =	sadd.s32 s4, s1;
	p0 =	por !p0, !p0  }
0xfd: {  	s1 =	sshrl.u32 s1, $0x7;
	s2 =	simm.s32 @!p0 $0x0  }
0xfe: {  	s1 =	ssub.s32 s1, s2  }
0xff: {  	s1 =	sshll.u32 s1, $0x7  }
0x100: {  	s1 =	sand.u32 $0x1FFFFF80, s1  }
0x101: {  	s1 =	sadd.s32 s0, s1  }
0x102: {  	[tilespmem:s15], [sflag:$0x1] =	stream.strided.gather [hbm4b:s1+s10], $0x1000, s9, s10, $0x38;
	[tilespmem:$0x14280] =	vst v63  }
0x103: {  	v51 =	vld [tilespmem:$0x5];
	_ =	sdelay $0x4  }
0x104: {  	(v2sf) =	vpush v51, $0x0;
	_ =	sdelay $0xe  }
0x105: {  	s1 =	spop (v2sf)  }
0x106: {  	s5 =	sand.u32 $0x7F, s1  }
0x107: {  	s6 =	sshra.s32 s1, $0x1F;
	p1 =	slt.s32 s1, $0x1;
	p2 =	sne.s32 s5, $0x0  }
0x108: {  	s4 =	sshrl.u32 s6, $0x19;
	p0 =	por !p1, !p2  }
0x109: {  	s2 =	simm.s32 $0x1;
	s1 =	sadd.s32 s4, s1;
	p0 =	por !p0, !p0  }
0x10a: {  	s1 =	sshrl.u32 s1, $0x7;
	s2 =	simm.s32 @!p0 $0x0  }
0x10b: {  	s1 =	ssub.s32 s1, s2  }
0x10c: {  	s1 =	sshll.u32 s1, $0x7  }
0x10d: {  	s1 =	sand.u32 $0x1FFFFF80, s1  }
0x10e: {  	s1 =	sadd.s32 s0, s1  }
0x10f: {  	[tilespmem:s16], [sflag:$0x1] =	stream.strided.gather [hbm4b:s1+s10], $0x1000, s9, s10, $0x38;
	[tilespmem:$0x14280] =	vst v63  }
0x110: {  	v52 =	vld [tilespmem:$0x6];
	_ =	sdelay $0x4  }
0x111: {  	(v2sf) =	vpush v52, $0x0;
	_ =	sdelay $0xe  }
0x112: {  	s1 =	spop (v2sf)  }
0x113: {  	s5 =	sand.u32 $0x7F, s1  }
0x114: {  	s6 =	sshra.s32 s1, $0x1F;
	p3 =	slt.s32 s1, $0x1;
	p4 =	sne.s32 s5, $0x0  }
0x115: {  	s4 =	sshrl.u32 s6, $0x19;
	p0 =	por !p3, !p4  }
0x116: {  	s2 =	simm.s32 $0x1;
	s1 =	sadd.s32 s4, s1;
	p0 =	por !p0, !p0  }
0x117: {  	s1 =	sshrl.u32 s1, $0x7;
	s2 =	simm.s32 @!p0 $0x0  }
0x118: {  	s1 =	ssub.s32 s1, s2  }
0x119: {  	s1 =	sshll.u32 s1, $0x7  }
0x11a: {  	s1 =	sand.u32 $0x1FFFFF80, s1  }
0x11b: {  	s1 =	sadd.s32 s0, s1  }
0x11c: {  	[tilespmem:s17], [sflag:$0x1] =	stream.strided.gather [hbm4b:s1+s10], $0x1000, s9, s10, $0x38;
	[tilespmem:$0x14280] =	vst v63  }
0x11d: {  	v53 =	vld [tilespmem:$0x7];
	_ =	sdelay $0x4  }
0x11e: {  	(v2sf) =	vpush v53, $0x0;
	_ =	sdelay $0xe  }
0x11f: {  	s1 =	spop (v2sf)  }
0x120: {  	s5 =	sand.u32 $0x7F, s1  }
0x121: {  	s6 =	sshra.s32 s1, $0x1F;
	p5 =	slt.s32 s1, $0x1;
	p6 =	sne.s32 s5, $0x0  }
0x122: {  	s4 =	sshrl.u32 s6, $0x19;
	p0 =	por !p5, !p6  }
0x123: {  	s2 =	simm.s32 $0x1;
	s1 =	sadd.s32 s4, s1;
	p0 =	por !p0, !p0  }
0x124: {  	s1 =	sshrl.u32 s1, $0x7;
	s2 =	simm.s32 @!p0 $0x0  }
0x125: {  	s1 =	ssub.s32 s1, s2  }
0x126: {  	s1 =	sshll.u32 s1, $0x7  }
0x127: {  	s1 =	sand.u32 $0x1FFFFF80, s1  }
0x128: {  	s1 =	sadd.s32 s0, s1  }
0x129: {  	[tilespmem:s18], [sflag:$0x1] =	stream.strided.gather [hbm4b:s1+s10], $0x1000, s9, s10, $0x38;
	[tilespmem:$0x14280] =	vst v63  }
0x12a: {  	v54 =	vld [tilespmem:$0x8];
	_ =	sdelay $0x4  }
0x12b: {  	(v2sf) =	vpush v54, $0x0;
	_ =	sdelay $0xe  }
0x12c: {  	s1 =	spop (v2sf)  }
0x12d: {  	s5 =	sand.u32 $0x7F, s1  }
0x12e: {  	s6 =	sshra.s32 s1, $0x1F;
	p1 =	slt.s32 s1, $0x1;
	p2 =	sne.s32 s5, $0x0  }
0x12f: {  	s4 =	sshrl.u32 s6, $0x19;
	p0 =	por !p1, !p2  }
0x130: {  	s2 =	simm.s32 $0x1;
	s1 =	sadd.s32 s4, s1;
	p0 =	por !p0, !p0  }
0x131: {  	s1 =	sshrl.u32 s1, $0x7;
	s2 =	simm.s32 @!p0 $0x0  }
0x132: {  	s1 =	ssub.s32 s1, s2  }
0x133: {  	s1 =	sshll.u32 s1, $0x7  }
0x134: {  	s1 =	sand.u32 $0x1FFFFF80, s1  }
0x135: {  	s1 =	sadd.s32 s0, s1  }
0x136: {  	[tilespmem:s19], [sflag:$0x1] =	stream.strided.gather [hbm4b:s1+s10], $0x1000, s9, s10, $0x38;
	[tilespmem:$0x14280] =	vst v63  }
0x137: {  	v55 =	vld [tilespmem:$0x9];
	_ =	sdelay $0x4  }
0x138: {  	(v2sf) =	vpush v55, $0x0;
	_ =	sdelay $0xe  }
0x139: {  	s1 =	spop (v2sf)  }
0x13a: {  	s5 =	sand.u32 $0x7F, s1  }
0x13b: {  	s6 =	sshra.s32 s1, $0x1F;
	p3 =	slt.s32 s1, $0x1;
	p4 =	sne.s32 s5, $0x0  }
0x13c: {  	s4 =	sshrl.u32 s6, $0x19;
	p0 =	por !p3, !p4  }
0x13d: {  	s2 =	simm.s32 $0x1;
	s1 =	sadd.s32 s4, s1;
	p0 =	por !p0, !p0  }
0x13e: {  	s1 =	sshrl.u32 s1, $0x7;
	s2 =	simm.s32 @!p0 $0x0  }
0x13f: {  	s1 =	ssub.s32 s1, s2  }
0x140: {  	s1 =	sshll.u32 s1, $0x7  }
0x141: {  	s1 =	sand.u32 $0x1FFFFF80, s1  }
0x142: {  	s1 =	sadd.s32 s0, s1  }
0x143: {  	[tilespmem:s20], [sflag:$0x1] =	stream.strided.gather [hbm4b:s1+s10], $0x1000, s9, s10, $0x38;
	[tilespmem:$0x14280] =	vst v63  }
0x144: {  	v56 =	vld [tilespmem:$0xA];
	_ =	sdelay $0x4  }
0x145: {  	(v2sf) =	vpush v56, $0x0;
	_ =	sdelay $0xe  }
0x146: {  	s1 =	spop (v2sf)  }
0x147: {  	s5 =	sand.u32 $0x7F, s1  }
0x148: {  	s6 =	sshra.s32 s1, $0x1F;
	p5 =	slt.s32 s1, $0x1;
	p6 =	sne.s32 s5, $0x0  }
0x149: {  	s4 =	sshrl.u32 s6, $0x19;
	p0 =	por !p5, !p6  }
0x14a: {  	s2 =	simm.s32 $0x1;
	s1 =	sadd.s32 s4, s1;
	p0 =	por !p0, !p0  }
0x14b: {  	s1 =	sshrl.u32 s1, $0x7;
	s2 =	simm.s32 @!p0 $0x0  }
0x14c: {  	s1 =	ssub.s32 s1, s2  }
0x14d: {  	s1 =	sshll.u32 s1, $0x7  }
0x14e: {  	s1 =	sand.u32 $0x1FFFFF80, s1  }
0x14f: {  	s1 =	sadd.s32 s0, s1  }
0x150: {  	[tilespmem:s21], [sflag:$0x1] =	stream.strided.gather [hbm4b:s1+s10], $0x1000, s9, s10, $0x38;
	[tilespmem:$0x14280] =	vst v63  }
0x151: {  	v57 =	vld [tilespmem:$0xB];
	_ =	sdelay $0x4  }
0x152: {  	(v2sf) =	vpush v57, $0x0;
	_ =	sdelay $0xe  }
0x153: {  	s1 =	spop (v2sf)  }
0x154: {  	s5 =	sand.u32 $0x7F, s1  }
0x155: {  	s6 =	sshra.s32 s1, $0x1F;
	p1 =	slt.s32 s1, $0x1;
	p2 =	sne.s32 s5, $0x0  }
0x156: {  	s4 =	sshrl.u32 s6, $0x19;
	p0 =	por !p1, !p2  }
0x157: {  	s2 =	simm.s32 $0x1;
	s1 =	sadd.s32 s4, s1;
	p0 =	por !p0, !p0  }
0x158: {  	s1 =	sshrl.u32 s1, $0x7;
	s2 =	simm.s32 @!p0 $0x0  }
0x159: {  	s1 =	ssub.s32 s1, s2  }
0x15a: {  	s1 =	sshll.u32 s1, $0x7  }
0x15b: {  	s1 =	sand.u32 $0x1FFFFF80, s1  }
0x15c: {  	s1 =	sadd.s32 s0, s1  }
0x15d: {  	[tilespmem:s22], [sflag:$0x1] =	stream.strided.gather [hbm4b:s1+s10], $0x1000, s9, s10, $0x38;
	[tilespmem:$0x14280] =	vst v63  }
0x15e: {  	v58 =	vld [tilespmem:$0xC];
	_ =	sdelay $0x4  }
0x15f: {  	(v2sf) =	vpush v58, $0x0;
	_ =	sdelay $0xe  }
0x160: {  	s1 =	spop (v2sf)  }
0x161: {  	s5 =	sand.u32 $0x7F, s1  }
0x162: {  	s6 =	sshra.s32 s1, $0x1F;
	p3 =	slt.s32 s1, $0x1;
	p4 =	sne.s32 s5, $0x0  }
0x163: {  	s4 =	sshrl.u32 s6, $0x19;
	p0 =	por !p3, !p4  }
0x164: {  	s2 =	simm.s32 $0x1;
	s1 =	sadd.s32 s4, s1;
	p0 =	por !p0, !p0  }
0x165: {  	s1 =	sshrl.u32 s1, $0x7;
	s2 =	simm.s32 @!p0 $0x0  }
0x166: {  	s1 =	ssub.s32 s1, s2  }
0x167: {  	s1 =	sshll.u32 s1, $0x7  }
0x168: {  	s1 =	sand.u32 $0x1FFFFF80, s1  }
0x169: {  	s1 =	sadd.s32 s0, s1  }
0x16a: {  	[tilespmem:s23], [sflag:$0x1] =	stream.strided.gather [hbm4b:s1+s10], $0x1000, s9, s10, $0x38;
	[tilespmem:$0x14280] =	vst v63  }
0x16b: {  	v59 =	vld [tilespmem:$0xD];
	_ =	sdelay $0x4  }
0x16c: {  	(v2sf) =	vpush v59, $0x0;
	_ =	sdelay $0xe  }
0x16d: {  	s1 =	spop (v2sf)  }
0x16e: {  	s5 =	sand.u32 $0x7F, s1  }
0x16f: {  	s6 =	sshra.s32 s1, $0x1F;
	p5 =	slt.s32 s1, $0x1;
	p6 =	sne.s32 s5, $0x0  }
0x170: {  	s4 =	sshrl.u32 s6, $0x19;
	p0 =	por !p5, !p6  }
0x171: {  	s2 =	simm.s32 $0x1;
	s1 =	sadd.s32 s4, s1;
	p0 =	por !p0, !p0  }
0x172: {  	s1 =	sshrl.u32 s1, $0x7;
	s2 =	simm.s32 @!p0 $0x0  }
0x173: {  	s1 =	ssub.s32 s1, s2  }
0x174: {  	s1 =	sshll.u32 s1, $0x7  }
0x175: {  	s1 =	sand.u32 $0x1FFFFF80, s1  }
0x176: {  	s1 =	sadd.s32 s0, s1  }
0x177: {  	[tilespmem:s24], [sflag:$0x1] =	stream.strided.gather [hbm4b:s1+s10], $0x1000, s9, s10, $0x38;
	[tilespmem:$0x14280] =	vst v63  }
0x178: {  	v60 =	vld [tilespmem:$0xE];
	_ =	sdelay $0x4  }
0x179: {  	(v2sf) =	vpush v60, $0x0;
	_ =	sdelay $0xe  }
0x17a: {  	s1 =	spop (v2sf)  }
0x17b: {  	s5 =	sand.u32 $0x7F, s1  }
0x17c: {  	s6 =	sshra.s32 s1, $0x1F;
	p1 =	slt.s32 s1, $0x1;
	p2 =	sne.s32 s5, $0x0  }
0x17d: {  	s4 =	sshrl.u32 s6, $0x19;
	p0 =	por !p1, !p2  }
0x17e: {  	s2 =	simm.s32 $0x1;
	s1 =	sadd.s32 s4, s1;
	p0 =	por !p0, !p0  }
0x17f: {  	s1 =	sshrl.u32 s1, $0x7;
	s2 =	simm.s32 @!p0 $0x0  }
0x180: {  	s1 =	ssub.s32 s1, s2  }
0x181: {  	s1 =	sshll.u32 s1, $0x7  }
0x182: {  	s1 =	sand.u32 $0x1FFFFF80, s1  }
0x183: {  	s1 =	sadd.s32 s0, s1  }
0x184: {  	[tilespmem:s25], [sflag:$0x1] =	stream.strided.gather [hbm4b:s1+s10], $0x1000, s9, s10, $0x38;
	[tilespmem:$0x14280] =	vst v63  }
0x185: {  	v61 =	vld [tilespmem:$0xF];
	_ =	sdelay $0x4  }
0x186: {  	(v2sf) =	vpush v61, $0x0;
	_ =	sdelay $0xe  }
0x187: {  	s1 =	spop (v2sf)  }
0x188: {  	s5 =	sand.u32 $0x7F, s1  }
0x189: {  	s6 =	sshra.s32 s1, $0x1F;
	p3 =	slt.s32 s1, $0x1;
	p4 =	sne.s32 s5, $0x0  }
0x18a: {  	s5 =	sshrl.u32 s6, $0x19;
	p0 =	por !p3, !p4  }
0x18b: {  	s2 =	simm.s32 $0x1;
	s1 =	sadd.s32 s5, s1;
	p0 =	por !p0, !p0  }
0x18c: {  	s1 =	sshrl.u32 s1, $0x7;
	s2 =	simm.s32 @!p0 $0x0  }
0x18d: {  	s1 =	ssub.s32 s1, s2  }
0x18e: {  	s1 =	sshll.u32 s1, $0x7  }
0x18f: {  	s1 =	sand.u32 $0x1FFFFF80, s1  }
0x190: {  	s1 =	sadd.s32 s0, s1  }
0x191: {  	[tilespmem:s26], [sflag:$0x1] =	stream.strided.gather [hbm4b:s1+s10], $0x1000, s9, s10, $0x38;
	[tilespmem:$0x14280] =	vst v63  }
0x192: {  	_ =	swait.ge [sflag:s8], $0x1000  }
0x193: {  	[sflag:s8] =	ssyncset.done $0x0  }
0x194: {  	s1 =	simm.s32 $0x10;
	[sflag:s8] =	ssyncadd.s32 $0xFFFFF000  }
0x195: {  	v62 =	vld [tilespmem:s1+$0xFFFFFFF0];
	_ =	sdelay $0x4  }
0x196: {  	(v2sf) =	vpush v62, $0x0;
	_ =	sdelay $0xe  }
0x197: {  	s6 =	spop (v2sf)  }
0x198: {  	s5 =	sshra.s32 s6, $0x1F  }
0x199: {  	s4 =	sshrl.u32 s5, $0x19  }
0x19a: {  	s4 =	sadd.s32 s4, s6  }
0x19b: {  	s4 =	sand.u32 $0xFFFFFF80, s4  }
0x19c: {  	s2 =	ssub.s32 s6, s4  }
0x19d: {  	v63 =	vadd.s32 s2, v0  }
0x19e: {  	v37 =	vmov s3  }
0x19f: {  	v38 =	vshll.u32 v37, $0x3;
	s6 =	sand.u32 $0x3C000, s3  }
0x1a0: {  	v37 =	vand.u32 $0x7F, v37;
	v38 =	vand.u32 $0xC00, v38;
	s4 =	sshrl.u32 s6, $0x2  }
0x1a1: {  	v37 =	vor.u32 v37, v38;
	s30 =	sor.u32 $0x280, s4  }
0x1a2: {  	v38 =	vor.u32 v1, v37;
	v36 =	vld.idx.msk [tilespmem:v63+s30+$0x0], $0xffff  }
0x1a3: {  	v39 =	vadd.s32 s2, v2;
	_ =	sdelay $0x3  }
0x1a4: {  	[tilespmem:v38+s28+$0x0] =	vst.idx.msk $0xffff, v36  }
0x1a5: {  	v37 =	vor.u32 v3, v37;
	v36 =	vld.idx.msk [tilespmem:v39+s30+$0x0], $0xffff;
	_ =	sdelay $0x4  }
0x1a6: {  	[tilespmem:v37+s28+$0x0] =	vst.idx.msk $0xffff, v36  }
0x1a7: {  	v36 =	vld [tilespmem:s1+$0x0];
	_ =	sdelay $0x4  }
0x1a8: {  	(v2sf) =	vpush v36, $0x0;
	_ =	sdelay $0xe  }
0x1a9: {  	s1 =	spop (v2sf)  }
0x1aa: {  	s4 =	sand.u32 $0x7F, s1  }
0x1ab: {  	s5 =	sshra.s32 s1, $0x1F;
	p5 =	slt.s32 s1, $0x1;
	p6 =	sne.s32 s4, $0x0  }
0x1ac: {  	s6 =	sshrl.u32 s5, $0x19;
	p0 =	por !p5, !p6  }
0x1ad: {  	s2 =	simm.s32 $0x1;
	s1 =	sadd.s32 s6, s1;
	p0 =	por !p0, !p0  }
0x1ae: {  	s1 =	sshrl.u32 s1, $0x7;
	s2 =	simm.s32 @!p0 $0x0  }
0x1af: {  	s1 =	ssub.s32 s1, s2  }
0x1b0: {  	s2 =	sshll.u32 s1, $0x7  }
0x1b1: {  	s29 =	simm.s32 $0x4000;
	s2 =	sand.u32 $0x1FFFFF80, s2  }
0x1b2: {  	s1 =	simm.s32 $0x1;
	s4 =	sadd.s32 s0, s2;
	s2 =	simm.s32 $0x11  }
.LBB2_2:
0x1b3: {  	[tilespmem:s30], [sflag:$0x1] =	stream.strided.gather [hbm4b:s4+s10], $0x1000, s9, s10, $0x38;
	[tilespmem:$0x14280] =	vst v63  }
0x1b4: {  	s4 =	smov.u32 s1  }
0x1b5: {  	p0 =	sne.s32 s1, $0x1EF;
	s1 =	sadd.s32 $0x1, s1;
	_ =	swait.ge [sflag:s8], $0x1000  }
0x1b6: {  	[sflag:s8] =	ssyncset.done $0x0  }
0x1b7: {  	[sflag:s8] =	ssyncadd.s32 $0xFFFFF000  }
0x1b8: {  	v36 =	vld [tilespmem:s2+$0xFFFFFFF0];
	_ =	sdelay $0x4  }
0x1b9: {  	(v2sf) =	vpush v36, $0x0;
	_ =	sdelay $0xe  }
0x1ba: {  	s30 =	spop (v2sf)  }
0x1bb: {  	s5 =	sshra.s32 s30, $0x1F  }
0x1bc: {  	s5 =	sshrl.u32 s5, $0x19  }
0x1bd: {  	s5 =	sadd.s32 s5, s30  }
0x1be: {  	s5 =	sand.u32 $0xFFFFFF80, s5  }
0x1bf: {  	s5 =	ssub.s32 s30, s5  }
0x1c0: {  	v36 =	vadd.s32 s5, v0;
	_ =	sdelay $0x1  }
0x1c1: {  	v37 =	vmov s4;
	s4 =	sand.u32 $0x3C000, s29  }
0x1c2: {  	s4 =	sshrl.u32 s4, $0x2;
	v38 =	vand.u32 $0x7F, v37;
	v37 =	vshll.u32 v37, $0x3  }
0x1c3: {  	v37 =	vand.u32 $0xC00, v37;
	s30 =	sor.u32 $0x280, s4  }
0x1c4: {  	v37 =	vor.u32 v38, v37;
	v36 =	vld.idx.msk [tilespmem:v36+s30+$0x0], $0xffff  }
0x1c5: {  	v38 =	vor.u32 v1, v37  }
0x1c6: {  	v39 =	vadd.s32 s5, v2;
	_ =	sdelay $0x3  }
0x1c7: {  	[tilespmem:v38+s28+$0x0] =	vst.idx.msk $0xffff, v36  }
0x1c8: {  	v36 =	vld.idx.msk [tilespmem:v39+s30+$0x0], $0xffff  }
0x1c9: {  	v37 =	vor.u32 v3, v37;
	_ =	sdelay $0x4  }
0x1ca: {  	[tilespmem:v37+s28+$0x0] =	vst.idx.msk $0xffff, v36  }
0x1cb: {  	v36 =	vld [tilespmem:s2+$0x0];
	_ =	sdelay $0x4  }
0x1cc: {  	(v2sf) =	vpush v36, $0x0;
	_ =	sdelay $0xe  }
0x1cd: {  	s4 =	spop (v2sf)  }
0x1ce: {  	s5 =	sshra.s32 s4, $0x1F;
	s6 =	sand.u32 $0x7F, s4  }
0x1cf: {  	p1 =	slt.s32 s4, $0x1;
	s5 =	sshrl.u32 s5, $0x19;
	p2 =	sne.s32 s6, $0x0  }
0x1d0: {  	s4 =	sadd.s32 s5, s4;
	p1 =	por !p1, !p2  }
0x1d1: {  	s5 =	simm.s32 $0x1;
	p1 =	por !p1, !p1  }
.Ltmp0:
0x1d2: {  	s4 =	sshrl.u32 s4, $0x7;
	s5 =	simm.s32 @!p1 $0x0;
	(pc) =	sbr.rel @p0 .LBB2_2-.Ltmp0, $4  }
0x1d3: {  	s4 =	ssub.s32 s4, s5  }
0x1d4: {  	s4 =	sshll.u32 s4, $0x7  }
0x1d5: {  	s4 =	sand.u32 $0x1FFFFF80, s4  }
0x1d6: {  	s29 =	sadd.s32 $0x4000, s29;
	s2 =	sadd.s32 $0x1, s2;
	s4 =	sadd.s32 s0, s4  }
0x1d7: {  	[tilespmem:s30], [sflag:$0x1] =	stream.strided.gather [hbm4b:s4+s10], $0x1000, s9, s10, $0x38;
	[tilespmem:$0x14280] =	vst v63  }
0x1d8: {  	_ =	swait.ge [sflag:s8], $0x1000  }
0x1d9: {  	[sflag:s8] =	ssyncset.done $0x0  }
0x1da: {  	[sflag:s8] =	ssyncadd.s32 $0xFFFFF000  }
0x1db: {  	v36 =	vld [tilespmem:$0x1F0];
	_ =	sdelay $0x4  }
0x1dc: {  	(v2sf) =	vpush v36, $0x0;
	_ =	sdelay $0xe  }
0x1dd: {  	s1 =	spop (v2sf)  }
0x1de: {  	s2 =	sshra.s32 s1, $0x1F  }
0x1df: {  	s2 =	sshrl.u32 s2, $0x19  }
0x1e0: {  	s2 =	sadd.s32 s2, s1  }
0x1e1: {  	s2 =	sand.u32 $0xFFFFFF80, s2  }
0x1e2: {  	s1 =	ssub.s32 s1, s2  }
0x1e3: {  	v42 =	vadd.s32 s1, v0;
	_ =	sdelay $0x4  }
0x1e4: {  	v36 =	vld.idx.msk [tilespmem:v42+s11+$0x0], $0xffff  }
0x1e5: {  	v37 =	vadd.s32 s1, v2;
	_ =	sdelay $0x3  }
0x1e6: {  	[tilespmem:v4+s28+$0x0] =	vst.idx.msk $0xffff, v36  }
0x1e7: {  	v36 =	vld.idx.msk [tilespmem:v37+s11+$0x0], $0xffff;
	_ =	sdelay $0x4  }
0x1e8: {  	[tilespmem:v5+s28+$0x0] =	vst.idx.msk $0xffff, v36  }
0x1e9: {  	_ =	swait.ge [sflag:s8], $0x1000  }
0x1ea: {  	[sflag:s8] =	ssyncset.done $0x0  }
0x1eb: {  	[sflag:s8] =	ssyncadd.s32 $0xFFFFF000  }
0x1ec: {  	v43 =	vld [tilespmem:$0x1F1];
	_ =	sdelay $0x4  }
0x1ed: {  	(v2sf) =	vpush v43, $0x0;
	_ =	sdelay $0xe  }
0x1ee: {  	s5 =	spop (v2sf)  }
0x1ef: {  	s6 =	sshra.s32 s5, $0x1F  }
0x1f0: {  	s2 =	sshrl.u32 s6, $0x19  }
0x1f1: {  	s2 =	sadd.s32 s2, s5  }
0x1f2: {  	s2 =	sand.u32 $0xFFFFFF80, s2  }
0x1f3: {  	s1 =	ssub.s32 s5, s2  }
0x1f4: {  	v44 =	vadd.s32 s1, v0;
	_ =	sdelay $0x4  }
0x1f5: {  	v36 =	vld.idx.msk [tilespmem:v44+s12+$0x0], $0xffff  }
0x1f6: {  	v45 =	vadd.s32 s1, v2;
	_ =	sdelay $0x3  }
0x1f7: {  	[tilespmem:v6+s28+$0x0] =	vst.idx.msk $0xffff, v36  }
0x1f8: {  	v36 =	vld.idx.msk [tilespmem:v45+s12+$0x0], $0xffff;
	_ =	sdelay $0x4  }
0x1f9: {  	[tilespmem:v7+s28+$0x0] =	vst.idx.msk $0xffff, v36  }
0x1fa: {  	_ =	swait.ge [sflag:s8], $0x1000  }
0x1fb: {  	[sflag:s8] =	ssyncset.done $0x0  }
0x1fc: {  	[sflag:s8] =	ssyncadd.s32 $0xFFFFF000  }
0x1fd: {  	v46 =	vld [tilespmem:$0x1F2];
	_ =	sdelay $0x4  }
0x1fe: {  	(v2sf) =	vpush v46, $0x0;
	_ =	sdelay $0xe  }
0x1ff: {  	s29 =	spop (v2sf)  }
0x200: {  	s30 =	sshra.s32 s29, $0x1F  }
0x201: {  	s2 =	sshrl.u32 s30, $0x19  }
0x202: {  	s2 =	sadd.s32 s2, s29  }
0x203: {  	s2 =	sand.u32 $0xFFFFFF80, s2  }
0x204: {  	s1 =	ssub.s32 s29, s2  }
0x205: {  	v47 =	vadd.s32 s1, v0;
	_ =	sdelay $0x4  }
0x206: {  	v36 =	vld.idx.msk [tilespmem:v47+s13+$0x0], $0xffff  }
0x207: {  	v48 =	vadd.s32 s1, v2;
	_ =	sdelay $0x3  }
0x208: {  	[tilespmem:v8+s28+$0x0] =	vst.idx.msk $0xffff, v36  }
0x209: {  	v36 =	vld.idx.msk [tilespmem:v48+s13+$0x0], $0xffff;
	_ =	sdelay $0x4  }
0x20a: {  	[tilespmem:v9+s28+$0x0] =	vst.idx.msk $0xffff, v36  }
0x20b: {  	_ =	swait.ge [sflag:s8], $0x1000  }
0x20c: {  	[sflag:s8] =	ssyncset.done $0x0  }
0x20d: {  	[sflag:s8] =	ssyncadd.s32 $0xFFFFF000  }
0x20e: {  	v49 =	vld [tilespmem:$0x1F3];
	_ =	sdelay $0x4  }
0x20f: {  	(v2sf) =	vpush v49, $0x0;
	_ =	sdelay $0xe  }
0x210: {  	s4 =	spop (v2sf)  }
0x211: {  	s5 =	sshra.s32 s4, $0x1F  }
0x212: {  	s2 =	sshrl.u32 s5, $0x19  }
0x213: {  	s2 =	sadd.s32 s2, s4  }
0x214: {  	s2 =	sand.u32 $0xFFFFFF80, s2  }
0x215: {  	s1 =	ssub.s32 s4, s2  }
0x216: {  	v50 =	vadd.s32 s1, v0;
	_ =	sdelay $0x4  }
0x217: {  	v36 =	vld.idx.msk [tilespmem:v50+s14+$0x0], $0xffff  }
0x218: {  	v51 =	vadd.s32 s1, v2;
	_ =	sdelay $0x3  }
0x219: {  	[tilespmem:v10+s28+$0x0] =	vst.idx.msk $0xffff, v36  }
0x21a: {  	v36 =	vld.idx.msk [tilespmem:v51+s14+$0x0], $0xffff;
	_ =	sdelay $0x4  }
0x21b: {  	[tilespmem:v11+s28+$0x0] =	vst.idx.msk $0xffff, v36  }
0x21c: {  	_ =	swait.ge [sflag:s8], $0x1000  }
0x21d: {  	[sflag:s8] =	ssyncset.done $0x0  }
0x21e: {  	[sflag:s8] =	ssyncadd.s32 $0xFFFFF000  }
0x21f: {  	v52 =	vld [tilespmem:$0x1F4];
	_ =	sdelay $0x4  }
0x220: {  	(v2sf) =	vpush v52, $0x0;
	_ =	sdelay $0xe  }
0x221: {  	s6 =	spop (v2sf)  }
0x222: {  	s29 =	sshra.s32 s6, $0x1F  }
0x223: {  	s2 =	sshrl.u32 s29, $0x19  }
0x224: {  	s2 =	sadd.s32 s2, s6  }
0x225: {  	s2 =	sand.u32 $0xFFFFFF80, s2  }
0x226: {  	s1 =	ssub.s32 s6, s2  }
0x227: {  	v53 =	vadd.s32 s1, v0;
	_ =	sdelay $0x4  }
0x228: {  	v36 =	vld.idx.msk [tilespmem:v53+s15+$0x0], $0xffff  }
0x229: {  	v54 =	vadd.s32 s1, v2;
	_ =	sdelay $0x3  }
0x22a: {  	[tilespmem:v12+s28+$0x0] =	vst.idx.msk $0xffff, v36  }
0x22b: {  	v36 =	vld.idx.msk [tilespmem:v54+s15+$0x0], $0xffff;
	_ =	sdelay $0x4  }
0x22c: {  	[tilespmem:v13+s28+$0x0] =	vst.idx.msk $0xffff, v36  }
0x22d: {  	_ =	swait.ge [sflag:s8], $0x1000  }
0x22e: {  	[sflag:s8] =	ssyncset.done $0x0  }
0x22f: {  	[sflag:s8] =	ssyncadd.s32 $0xFFFFF000  }
0x230: {  	v55 =	vld [tilespmem:$0x1F5];
	_ =	sdelay $0x4  }
0x231: {  	(v2sf) =	vpush v55, $0x0;
	_ =	sdelay $0xe  }
0x232: {  	s30 =	spop (v2sf)  }
0x233: {  	s4 =	sshra.s32 s30, $0x1F  }
0x234: {  	s2 =	sshrl.u32 s4, $0x19  }
0x235: {  	s2 =	sadd.s32 s2, s30  }
0x236: {  	s2 =	sand.u32 $0xFFFFFF80, s2  }
0x237: {  	s1 =	ssub.s32 s30, s2  }
0x238: {  	v56 =	vadd.s32 s1, v0;
	_ =	sdelay $0x4  }
0x239: {  	v36 =	vld.idx.msk [tilespmem:v56+s16+$0x0], $0xffff  }
0x23a: {  	v57 =	vadd.s32 s1, v2;
	_ =	sdelay $0x3  }
0x23b: {  	[tilespmem:v14+s28+$0x0] =	vst.idx.msk $0xffff, v36  }
0x23c: {  	v36 =	vld.idx.msk [tilespmem:v57+s16+$0x0], $0xffff;
	_ =	sdelay $0x4  }
0x23d: {  	[tilespmem:v15+s28+$0x0] =	vst.idx.msk $0xffff, v36  }
0x23e: {  	_ =	swait.ge [sflag:s8], $0x1000  }
0x23f: {  	[sflag:s8] =	ssyncset.done $0x0  }
0x240: {  	[sflag:s8] =	ssyncadd.s32 $0xFFFFF000  }
0x241: {  	v58 =	vld [tilespmem:$0x1F6];
	_ =	sdelay $0x4  }
0x242: {  	(v2sf) =	vpush v58, $0x0;
	_ =	sdelay $0xe  }
0x243: {  	s5 =	spop (v2sf)  }
0x244: {  	s6 =	sshra.s32 s5, $0x1F  }
0x245: {  	s2 =	sshrl.u32 s6, $0x19  }
0x246: {  	s2 =	sadd.s32 s2, s5  }
0x247: {  	s2 =	sand.u32 $0xFFFFFF80, s2  }
0x248: {  	s1 =	ssub.s32 s5, s2  }
0x249: {  	v59 =	vadd.s32 s1, v0;
	_ =	sdelay $0x4  }
0x24a: {  	v36 =	vld.idx.msk [tilespmem:v59+s17+$0x0], $0xffff  }
0x24b: {  	v60 =	vadd.s32 s1, v2;
	_ =	sdelay $0x3  }
0x24c: {  	[tilespmem:v16+s28+$0x0] =	vst.idx.msk $0xffff, v36  }
0x24d: {  	v36 =	vld.idx.msk [tilespmem:v60+s17+$0x0], $0xffff;
	_ =	sdelay $0x4  }
0x24e: {  	[tilespmem:v17+s28+$0x0] =	vst.idx.msk $0xffff, v36  }
0x24f: {  	_ =	swait.ge [sflag:s8], $0x1000  }
0x250: {  	[sflag:s8] =	ssyncset.done $0x0  }
0x251: {  	[sflag:s8] =	ssyncadd.s32 $0xFFFFF000  }
0x252: {  	v61 =	vld [tilespmem:$0x1F7];
	_ =	sdelay $0x4  }
0x253: {  	(v2sf) =	vpush v61, $0x0;
	_ =	sdelay $0xe  }
0x254: {  	s29 =	spop (v2sf)  }
0x255: {  	s30 =	sshra.s32 s29, $0x1F  }
0x256: {  	s2 =	sshrl.u32 s30, $0x19  }
0x257: {  	s2 =	sadd.s32 s2, s29  }
0x258: {  	s2 =	sand.u32 $0xFFFFFF80, s2  }
0x259: {  	s1 =	ssub.s32 s29, s2  }
0x25a: {  	v62 =	vadd.s32 s1, v0;
	_ =	sdelay $0x4  }
0x25b: {  	v36 =	vld.idx.msk [tilespmem:v62+s18+$0x0], $0xffff  }
0x25c: {  	v63 =	vadd.s32 s1, v2;
	_ =	sdelay $0x3  }
0x25d: {  	[tilespmem:v18+s28+$0x0] =	vst.idx.msk $0xffff, v36  }
0x25e: {  	v36 =	vld.idx.msk [tilespmem:v63+s18+$0x0], $0xffff;
	_ =	sdelay $0x4  }
0x25f: {  	[tilespmem:v19+s28+$0x0] =	vst.idx.msk $0xffff, v36  }
0x260: {  	_ =	swait.ge [sflag:s8], $0x1000  }
0x261: {  	[sflag:s8] =	ssyncset.done $0x0  }
0x262: {  	[sflag:s8] =	ssyncadd.s32 $0xFFFFF000  }
0x263: {  	v40 =	vld [tilespmem:$0x1F8];
	_ =	sdelay $0x4  }
0x264: {  	(v2sf) =	vpush v40, $0x0;
	_ =	sdelay $0xe  }
0x265: {  	s4 =	spop (v2sf)  }
0x266: {  	s5 =	sshra.s32 s4, $0x1F  }
0x267: {  	s2 =	sshrl.u32 s5, $0x19  }
0x268: {  	s2 =	sadd.s32 s2, s4  }
0x269: {  	s2 =	sand.u32 $0xFFFFFF80, s2  }
0x26a: {  	s1 =	ssub.s32 s4, s2  }
0x26b: {  	v41 =	vadd.s32 s1, v0;
	_ =	sdelay $0x4  }
0x26c: {  	v36 =	vld.idx.msk [tilespmem:v41+s19+$0x0], $0xffff  }
0x26d: {  	v42 =	vadd.s32 s1, v2;
	_ =	sdelay $0x3  }
0x26e: {  	[tilespmem:v20+s28+$0x0] =	vst.idx.msk $0xffff, v36  }
0x26f: {  	v36 =	vld.idx.msk [tilespmem:v42+s19+$0x0], $0xffff;
	_ =	sdelay $0x4  }
0x270: {  	[tilespmem:v21+s28+$0x0] =	vst.idx.msk $0xffff, v36  }
0x271: {  	_ =	swait.ge [sflag:s8], $0x1000  }
0x272: {  	[sflag:s8] =	ssyncset.done $0x0  }
0x273: {  	[sflag:s8] =	ssyncadd.s32 $0xFFFFF000  }
0x274: {  	v43 =	vld [tilespmem:$0x1F9];
	_ =	sdelay $0x4  }
0x275: {  	(v2sf) =	vpush v43, $0x0;
	_ =	sdelay $0xe  }
0x276: {  	s6 =	spop (v2sf)  }
0x277: {  	s29 =	sshra.s32 s6, $0x1F  }
0x278: {  	s2 =	sshrl.u32 s29, $0x19  }
0x279: {  	s2 =	sadd.s32 s2, s6  }
0x27a: {  	s2 =	sand.u32 $0xFFFFFF80, s2  }
0x27b: {  	s1 =	ssub.s32 s6, s2  }
0x27c: {  	v44 =	vadd.s32 s1, v0;
	_ =	sdelay $0x4  }
0x27d: {  	v36 =	vld.idx.msk [tilespmem:v44+s20+$0x0], $0xffff  }
0x27e: {  	v45 =	vadd.s32 s1, v2;
	_ =	sdelay $0x3  }
0x27f: {  	[tilespmem:v22+s28+$0x0] =	vst.idx.msk $0xffff, v36  }
0x280: {  	v36 =	vld.idx.msk [tilespmem:v45+s20+$0x0], $0xffff;
	_ =	sdelay $0x4  }
0x281: {  	[tilespmem:v23+s28+$0x0] =	vst.idx.msk $0xffff, v36  }
0x282: {  	_ =	swait.ge [sflag:s8], $0x1000  }
0x283: {  	[sflag:s8] =	ssyncset.done $0x0  }
0x284: {  	[sflag:s8] =	ssyncadd.s32 $0xFFFFF000  }
0x285: {  	v46 =	vld [tilespmem:$0x1FA];
	_ =	sdelay $0x4  }
0x286: {  	(v2sf) =	vpush v46, $0x0;
	_ =	sdelay $0xe  }
0x287: {  	s30 =	spop (v2sf)  }
0x288: {  	s4 =	sshra.s32 s30, $0x1F  }
0x289: {  	s2 =	sshrl.u32 s4, $0x19  }
0x28a: {  	s2 =	sadd.s32 s2, s30  }
0x28b: {  	s2 =	sand.u32 $0xFFFFFF80, s2  }
0x28c: {  	s1 =	ssub.s32 s30, s2  }
0x28d: {  	v47 =	vadd.s32 s1, v0;
	_ =	sdelay $0x4  }
0x28e: {  	v36 =	vld.idx.msk [tilespmem:v47+s21+$0x0], $0xffff  }
0x28f: {  	v48 =	vadd.s32 s1, v2;
	_ =	sdelay $0x3  }
0x290: {  	[tilespmem:v24+s28+$0x0] =	vst.idx.msk $0xffff, v36  }
0x291: {  	v36 =	vld.idx.msk [tilespmem:v48+s21+$0x0], $0xffff;
	_ =	sdelay $0x4  }
0x292: {  	[tilespmem:v25+s28+$0x0] =	vst.idx.msk $0xffff, v36  }
0x293: {  	_ =	swait.ge [sflag:s8], $0x1000  }
0x294: {  	[sflag:s8] =	ssyncset.done $0x0  }
0x295: {  	[sflag:s8] =	ssyncadd.s32 $0xFFFFF000  }
0x296: {  	v49 =	vld [tilespmem:$0x1FB];
	_ =	sdelay $0x4  }
0x297: {  	(v2sf) =	vpush v49, $0x0;
	_ =	sdelay $0xe  }
0x298: {  	s5 =	spop (v2sf)  }
0x299: {  	s6 =	sshra.s32 s5, $0x1F  }
0x29a: {  	s2 =	sshrl.u32 s6, $0x19  }
0x29b: {  	s2 =	sadd.s32 s2, s5  }
0x29c: {  	s2 =	sand.u32 $0xFFFFFF80, s2  }
0x29d: {  	s1 =	ssub.s32 s5, s2  }
0x29e: {  	v50 =	vadd.s32 s1, v0;
	_ =	sdelay $0x4  }
0x29f: {  	v36 =	vld.idx.msk [tilespmem:v50+s22+$0x0], $0xffff  }
0x2a0: {  	v51 =	vadd.s32 s1, v2;
	_ =	sdelay $0x3  }
0x2a1: {  	[tilespmem:v26+s28+$0x0] =	vst.idx.msk $0xffff, v36  }
0x2a2: {  	v36 =	vld.idx.msk [tilespmem:v51+s22+$0x0], $0xffff;
	_ =	sdelay $0x4  }
0x2a3: {  	[tilespmem:v27+s28+$0x0] =	vst.idx.msk $0xffff, v36  }
0x2a4: {  	_ =	swait.ge [sflag:s8], $0x1000  }
0x2a5: {  	[sflag:s8] =	ssyncset.done $0x0  }
0x2a6: {  	[sflag:s8] =	ssyncadd.s32 $0xFFFFF000  }
0x2a7: {  	v52 =	vld [tilespmem:$0x1FC];
	_ =	sdelay $0x4  }
0x2a8: {  	(v2sf) =	vpush v52, $0x0;
	_ =	sdelay $0xe  }
0x2a9: {  	s29 =	spop (v2sf)  }
0x2aa: {  	s30 =	sshra.s32 s29, $0x1F  }
0x2ab: {  	s2 =	sshrl.u32 s30, $0x19  }
0x2ac: {  	s2 =	sadd.s32 s2, s29  }
0x2ad: {  	s2 =	sand.u32 $0xFFFFFF80, s2  }
0x2ae: {  	s1 =	ssub.s32 s29, s2  }
0x2af: {  	v53 =	vadd.s32 s1, v0;
	_ =	sdelay $0x4  }
0x2b0: {  	v36 =	vld.idx.msk [tilespmem:v53+s23+$0x0], $0xffff  }
0x2b1: {  	v54 =	vadd.s32 s1, v2;
	_ =	sdelay $0x3  }
0x2b2: {  	[tilespmem:v28+s28+$0x0] =	vst.idx.msk $0xffff, v36  }
0x2b3: {  	v36 =	vld.idx.msk [tilespmem:v54+s23+$0x0], $0xffff;
	_ =	sdelay $0x4  }
0x2b4: {  	[tilespmem:v29+s28+$0x0] =	vst.idx.msk $0xffff, v36  }
0x2b5: {  	_ =	swait.ge [sflag:s8], $0x1000  }
0x2b6: {  	[sflag:s8] =	ssyncset.done $0x0  }
0x2b7: {  	[sflag:s8] =	ssyncadd.s32 $0xFFFFF000  }
0x2b8: {  	v55 =	vld [tilespmem:$0x1FD];
	_ =	sdelay $0x4  }
0x2b9: {  	(v2sf) =	vpush v55, $0x0;
	_ =	sdelay $0xe  }
0x2ba: {  	s4 =	spop (v2sf)  }
0x2bb: {  	s5 =	sshra.s32 s4, $0x1F  }
0x2bc: {  	s2 =	sshrl.u32 s5, $0x19  }
0x2bd: {  	s2 =	sadd.s32 s2, s4  }
0x2be: {  	s2 =	sand.u32 $0xFFFFFF80, s2  }
0x2bf: {  	s1 =	ssub.s32 s4, s2  }
0x2c0: {  	v56 =	vadd.s32 s1, v0;
	_ =	sdelay $0x4  }
0x2c1: {  	v36 =	vld.idx.msk [tilespmem:v56+s24+$0x0], $0xffff  }
0x2c2: {  	v57 =	vadd.s32 s1, v2;
	_ =	sdelay $0x3  }
0x2c3: {  	[tilespmem:v30+s28+$0x0] =	vst.idx.msk $0xffff, v36  }
0x2c4: {  	v36 =	vld.idx.msk [tilespmem:v57+s24+$0x0], $0xffff;
	_ =	sdelay $0x4  }
0x2c5: {  	[tilespmem:v31+s28+$0x0] =	vst.idx.msk $0xffff, v36  }
0x2c6: {  	_ =	swait.ge [sflag:s8], $0x1000  }
0x2c7: {  	[sflag:s8] =	ssyncset.done $0x0  }
0x2c8: {  	[sflag:s8] =	ssyncadd.s32 $0xFFFFF000  }
0x2c9: {  	v58 =	vld [tilespmem:$0x1FE];
	_ =	sdelay $0x4  }
0x2ca: {  	(v2sf) =	vpush v58, $0x0;
	_ =	sdelay $0xe  }
0x2cb: {  	s6 =	spop (v2sf)  }
0x2cc: {  	s29 =	sshra.s32 s6, $0x1F  }
0x2cd: {  	s2 =	sshrl.u32 s29, $0x19  }
0x2ce: {  	s2 =	sadd.s32 s2, s6  }
0x2cf: {  	s2 =	sand.u32 $0xFFFFFF80, s2  }
0x2d0: {  	s1 =	ssub.s32 s6, s2  }
0x2d1: {  	v59 =	vadd.s32 s1, v0;
	_ =	sdelay $0x4  }
0x2d2: {  	v36 =	vld.idx.msk [tilespmem:v59+s25+$0x0], $0xffff  }
0x2d3: {  	v60 =	vadd.s32 s1, v2;
	_ =	sdelay $0x3  }
0x2d4: {  	[tilespmem:v32+s28+$0x0] =	vst.idx.msk $0xffff, v36  }
0x2d5: {  	v36 =	vld.idx.msk [tilespmem:v60+s25+$0x0], $0xffff;
	_ =	sdelay $0x4  }
0x2d6: {  	[tilespmem:v33+s28+$0x0] =	vst.idx.msk $0xffff, v36  }
0x2d7: {  	_ =	swait.ge [sflag:s8], $0x1000  }
0x2d8: {  	[sflag:s8] =	ssyncset.done $0x0  }
0x2d9: {  	[sflag:s8] =	ssyncadd.s32 $0xFFFFF000  }
0x2da: {  	v61 =	vld [tilespmem:$0x1FF];
	_ =	sdelay $0x4  }
0x2db: {  	(v2sf) =	vpush v61, $0x0;
	_ =	sdelay $0xe  }
0x2dc: {  	s30 =	spop (v2sf)  }
0x2dd: {  	s4 =	sshra.s32 s30, $0x1F  }
0x2de: {  	s2 =	sshrl.u32 s4, $0x19  }
0x2df: {  	s2 =	sadd.s32 s2, s30  }
0x2e0: {  	s2 =	sand.u32 $0xFFFFFF80, s2  }
0x2e1: {  	s1 =	ssub.s32 s30, s2  }
0x2e2: {  	v62 =	vadd.s32 s1, v0;
	_ =	sdelay $0x4  }
0x2e3: {  	v36 =	vld.idx.msk [tilespmem:v62+s26+$0x0], $0xffff  }
0x2e4: {  	v63 =	vadd.s32 s1, v2;
	_ =	sdelay $0x3  }
0x2e5: {  	[tilespmem:v34+s28+$0x0] =	vst.idx.msk $0xffff, v36  }
0x2e6: {  	v36 =	vld.idx.msk [tilespmem:v63+s26+$0x0], $0xffff;
	_ =	sdelay $0x4  }
0x2e7: {  	s29 =	simm.s32 $0x20000;
	s6 =	simm.s32 $0x1000;
	s5 =	rddreg [dreg:$0x5];
	[tilespmem:v35+s28+$0x0] =	vst.idx.msk $0xffff, v36  }
0x2e8: {  	[hbm4b:s5+s6] =	stream.strided.scatter [tilespmem:s28], [sflag:$0x2], $0x4000, s29, s6, $0x38;
	[tilespmem:$0x14280] =	vst v63  }
0x2e9: {  	_ =	swait.ge [sflag:s7], $0x4000  }
0x2ea: {  	s31 =	sadd.s32 $0x1, s31;
	s30 =	rddreg [dreg:$0x6]  }
0x2eb: {  	p0 =	sne.s32 s31, s30  }
.Ltmp1:
0x2ec: {  	_ = 	snop;
	(pc) =	sbr.rel @p0 .LBB2_1-.Ltmp1, $3  }
0x2ed: {  	_ =	sdelay $0x1  }
0x2ee: {  	[sflag:s7] =	ssyncset.done $0x0  }
0x2ef: {  	[sflag:s7] =	ssyncadd.s32 $0xFFFFC000  }
0x2f0: {  	_ =	sfence.sel $0x180000  }
0x2f1: {  	[bflag:$0x0] =	sbarrier.arrive $0xFFFF  }
0x2f2: {  	_ =	strace $0x90000047  }
0x2f3: {  	s0 =	stileid.u32;
	[bflag:$0x2] =	sbarrier.arrive $0xFFFF  }
0x2f4: {  	p0 =	sne.s32 s0, $0x0;
	s0 =	rddreg [dreg:$0x3]  }
0x2f5: {  	s0 =	sadd.s32 @!p0 $0x100000, s0  }
0x2f6: {  	[sflag:s0] =	ssyncadd.tile.s32 @!p0 $0x1;
	_ =	shalt  }
.Lfunc_end2:
_tile_overlayer_lowered:
.L_overlay_start_2:
0x2f7: {  	(tag) =	ssettag $0x2  }
0x2f8: {  	s0 =	rddreg [dreg:$0x0];
	s2 =	stileid.u32  }
0x2f9: {  	s1 =	rddreg [dreg:$0x1];
	p0 =	sne.s32 s2, $0x0  }
0x2fa: {  	s3 =	rddreg [dreg:$0x2];
	[bflag:$0x3] =	sbarrier.arrive $0xFFFF;
	s2 =	simm.s32 @!p0 $0x1C02  }
0x2fb: {  	[timem:s3], [sflag:s2] =	dma.local @!p0 [hbm:s0], s1  }
0x2fc: {  	s0 =	simm.s32 @!p0 $0x2  }
0x2fd: {  	_ =	swait.ge @!p0 [sflag:s0], s1  }
0x2fe: {  	s1 =	ssub.s32 @!p0 $0x0, s1;
	[sflag:s0] =	ssyncset.done @!p0 $0x0  }
0x2ff: {  	[sflag:s0] =	ssyncadd.s32 @!p0 s1  }
0x300: {  	[bflag:$0x3] =	sbarrier.arrive $0xFFFF  }
0x301: {  	_ =	shalt  }

</sc_bundles>
